<compile_context>
chip_gen: v7x
topology: tpu7x:2x2x1
jax: 0.10.2.dev20260603
libtpu: 0.0.44.dev20260713+nightly
codegen_flags: <defaults>
</compile_context>

<pallas_src>
import functools

import jax
import jax.numpy as jnp
from jax import lax
from jax.experimental import pallas as pl
from jax.experimental.pallas import tpu as pltpu
from jax.experimental.pallas import tpu_sc as plsc

N_F = 768
NPW = 256
KDIM = 3 * NPW
B = 16384
T = 32
L1 = 1024
NC, NS, L = 2, 16, 16
NW = NC * NS
ROWS_PER_W = B // NW
CHUNK = 64
VECS_PER_CHUNK = CHUNK * T // L



def _sc_counts_body(rows_per_w, stm_hbm, nstm_hbm, cs_hbm, cn_hbm, idx_v, cnt_v):
    wid = lax.axis_index("s") * NC + lax.axis_index("c")
    base_row = wid * rows_per_w
    zeros16 = jnp.zeros((L,), jnp.int32)

    def zero_body(i, c):
        def zrow(v, cc, i=i):
            cnt_v[i, pl.ds(v * L, L)] = zeros16
            return cc
        return lax.fori_loop(0, NPW // L, zrow, c)
    lax.fori_loop(0, CHUNK, zero_body, 0)

    def scatter_pass(sign):
        def scat(j, c):
            row = j >> 1
            idx16 = idx_v[row, pl.ds((j & 1) * L, L)]
            word = idx16 & (NPW - 1)
            plane = lax.shift_right_logical(idx16, 8)
            val = lax.shift_left(jnp.full((L,), sign, jnp.int32), plane * 8)
            rows = jnp.full((L,), row, jnp.int32)
            plsc.addupdate_scatter(cnt_v, [rows, word], val)
            return c
        lax.fori_loop(0, VECS_PER_CHUNK, scat, 0)

    for src, dst in ((stm_hbm, cs_hbm), (nstm_hbm, cn_hbm)):
        def chunk_body(c, _, src=src, dst=dst):
            row0 = base_row + c * CHUNK
            pltpu.sync_copy(src.at[pl.ds(row0, CHUNK)], idx_v)
            scatter_pass(1)
            pltpu.sync_copy(cnt_v, dst.at[pl.ds(row0, CHUNK)])
            scatter_pass(-1)
            return 0
        lax.fori_loop(0, rows_per_w // CHUNK, chunk_body, 0)


@functools.cache
def _sc_counts(nrows):
    return pl.kernel(
        functools.partial(_sc_counts_body, nrows // NW),
        out_type=(
            jax.ShapeDtypeStruct((nrows, NPW), jnp.int32),
            jax.ShapeDtypeStruct((nrows, NPW), jnp.int32),
        ),
        mesh=plsc.VectorSubcoreMesh(core_axis_name="c", subcore_axis_name="s"),
        scratch_types=[
            pltpu.VMEM((CHUNK, T), jnp.int32),
            pltpu.VMEM((CHUNK, NPW), jnp.int32),
        ],
        compiler_params=pltpu.CompilerParams(needs_layout_passes=False),
    )


BB = 1024


def _unpacked_matmul(c32, tab):
    acc = None
    for p in range(3):
        plane = lax.shift_right_logical(c32, 8 * p) if p else c32
        plane = plane & 255
        part = jnp.dot(plane.astype(jnp.bfloat16), tab[NPW * p:NPW * (p + 1)],
                       preferred_element_type=jnp.float32)
        acc = part if acc is None else acc + part
    return acc


def _tc_body(cs_ref, cn_ref, tab_ref, bias_ref, w_ref, bh_ref, out_ref):
    tab = tab_ref[...]
    cs = cs_ref[...]
    cn = cn_ref[...]
    bias = bias_ref[...]
    emb_s = jnp.clip(_unpacked_matmul(cs, tab) + bias, 0.0, 1.0)
    emb_n = jnp.clip(_unpacked_matmul(cn, tab) + bias, 0.0, 1.0)
    w = w_ref[...]
    hs = lax.dot_general(emb_s.astype(jnp.bfloat16), w[:, :L1],
                         (((1,), (1,)), ((), ())),
                         preferred_element_type=jnp.float32)
    hn = lax.dot_general(emb_n.astype(jnp.bfloat16), w[:, L1:],
                         (((1,), (1,)), ((), ())),
                         preferred_element_type=jnp.float32)
    heads = hs + hn + bh_ref[...]
    n_pad = lax.shift_right_logical(cs[:, 0:1], 24)
    n_active = T - n_pad
    bucket = jnp.clip((n_active - 2) >> 2, 0, 7)
    hsel = jnp.where(
        lax.broadcasted_iota(jnp.int32, (BB, 8), 1) == bucket, heads, 0.0)
    out_ref[...] = jnp.sum(hsel, axis=1, keepdims=True)


@functools.cache
def _tc_forward(nrows):
    return pl.pallas_call(
        _tc_body,
        grid=(nrows // BB,),
        in_specs=[
            pl.BlockSpec((BB, NPW), lambda i: (i, 0)),
            pl.BlockSpec((BB, NPW), lambda i: (i, 0)),
            pl.BlockSpec((KDIM, L1), lambda i: (0, 0)),
            pl.BlockSpec((1, L1), lambda i: (0, 0)),
            pl.BlockSpec((8, 2 * L1), lambda i: (0, 0)),
            pl.BlockSpec((1, 8), lambda i: (0, 0)),
        ],
        out_specs=pl.BlockSpec((BB, 1), lambda i: (i, 0)),
        out_shape=jax.ShapeDtypeStruct((nrows, 1), jnp.float32),
    )


NSPLIT = 4


def kernel(stm_indices, nstm_indices, table, input_bias, W_hidden, b_hidden):
    tab = table[:N_F].astype(jnp.bfloat16)
    bias = input_bias.reshape(1, L1)
    w = W_hidden.astype(jnp.bfloat16)
    bh = b_hidden.reshape(1, 8)
    h = B // NSPLIT
    counts = [_sc_counts(h)(stm_indices[k * h:(k + 1) * h],
                            nstm_indices[k * h:(k + 1) * h])
              for k in range(NSPLIT)]
    outs = [_tc_forward(h)(cs, cn, tab, bias, w, bh) for cs, cn in counts]
    return jnp.concatenate(outs, axis=0)

# --- scband reference (transcript-rebuilt; emitter-appended) ---
"""Pipeline reference for scband-nnue-15358803050934 (READ-ONLY COPY).

The authoritative reference and input builder live on the scoring server;
editing this copy changes nothing except your own understanding.
"""

import jax, jax.numpy as jnp
import numpy as np

N_FEATURES = 768
L1 = 1024

def setup_inputs(seed: int = 0) -> dict:
    key = jax.random.key(seed)
    k1, k2, k3, k4, k5 = jax.random.split(key, 5)
    B, T = 16384, 32
    stm_indices = jax.random.randint(k1, (B, T), 0, N_FEATURES + 1)
    nstm_indices = jax.random.randint(k2, (B, T), 0, N_FEATURES + 1)
    scale = 1.0 / np.sqrt(N_FEATURES)
    table = jax.random.uniform(k3, (N_FEATURES + 1, L1), minval=-scale, maxval=scale, dtype=jnp.float32)
    table = table.at[N_FEATURES].set(0.0)  # padding_idx row is zero
    input_bias = jax.random.uniform(k4, (L1,), minval=-scale, maxval=scale, dtype=jnp.float32)
    # 8 output heads, each Linear(2*L1 -> 1); stacked as [8, 2*L1] weight and [8] bias
    W_hidden = jax.random.normal(k5, (8, 2 * L1), dtype=jnp.float32) * (1.0 / np.sqrt(2 * L1))
    b_hidden = jnp.zeros((8,), dtype=jnp.float32)
    return {
        "stm_indices": stm_indices,
        "nstm_indices": nstm_indices,
        "table": table,
        "input_bias": input_bias,
        "W_hidden": W_hidden,
        "b_hidden": b_hidden,
    }

def _embedding_bag_sum(table, idx):
    # EmbeddingBag(mode='sum', padding_idx=N_FEATURES): gather + masked sum
    gathered = jnp.take(table, idx, axis=0)           # [B, T, L1]
    mask = (idx != N_FEATURES)[..., None]             # [B, T, 1]
    return jnp.where(mask, gathered, 0.0).sum(axis=1)  # [B, L1]

def reference(stm_indices, nstm_indices, table, input_bias, W_hidden, b_hidden):
    n_active = (stm_indices != N_FEATURES).sum(axis=-1, keepdims=True)
    bucket_idx = jnp.clip((n_active - 2) // 4, 0, 7)   # [B, 1]
    stm_embeddings = _embedding_bag_sum(table, stm_indices) + input_bias
    nstm_embeddings = _embedding_bag_sum(table, nstm_indices) + input_bias
    embeddings = jnp.clip(jnp.concatenate([stm_embeddings, nstm_embeddings], axis=-1), 0.0, 1.0)  # [B, 2*L1]
    heads = embeddings @ W_hidden.T + b_hidden         # [B, 8]
    out = jnp.take_along_axis(heads, bucket_idx, axis=-1)  # [B, 1]
    return out

if __name__ == "__main__":
    import jax
    _d = setup_inputs()
    print(jax.jit(kernel)(*tuple(_d.values())))

</pallas_src>

<mosaic_0001>
#map = affine_map<(d0, d1) -> (0, 0)>
module attributes {stable_mosaic.version = 14 : i64} {
  func.func @_sc_counts_body(%arg0: i32, %arg1: i32, %arg2: memref<4096x32xi32, #tpu.memory_space<hbm>>, %arg3: memref<4096x32xi32, #tpu.memory_space<hbm>>, %arg4: memref<4096x256xi32, #tpu.memory_space<hbm>>, %arg5: memref<4096x256xi32, #tpu.memory_space<hbm>>, %arg6: memref<64x32xi32, #tpu.memory_space<vmem>>, %arg7: memref<64x256xi32, #tpu.memory_space<vmem>>) attributes {dimension_semantics = [#tpu.dimension_semantics<core_parallel>, #tpu.dimension_semantics<subcore_parallel>], iteration_bounds = array<i64: 2, 16>, scalar_prefetch = 0 : i64, scratch_operands = 2 : i64, tpu.core_type = #tpu.core_type<sc_vector_subcore>, window_params = [{transform_indices = #map}, {transform_indices = #map}, {transform_indices = #map}, {transform_indices = #map}]} {
    %mul3A = arith.constant 2 : i32
    %mul3A_0 = arith.muli %arg1, %mul3A : i32
    %add3A = arith.addi %mul3A_0, %arg0 : i32
    %mul3A_1 = arith.constant 128 : i32
    %mul3A_2 = arith.muli %add3A, %mul3A_1 : i32
    %broadcast_in_dim3A = arith.constant 0 : i32
    %broadcast_in_dim3A_3 = vector.broadcast %broadcast_in_dim3A : i32 to vector<16xi32>
    %scan3A = arith.constant 0 : i32
    %scan3A_4 = arith.constant 0 : i32
    %scan3A_5 = arith.constant 64 : i32
    %scan3A_6 = arith.addi %scan3A_4, %scan3A_5 : i32
    %scan3A_7 = arith.constant 1 : i32
    scf.for %scan3A_23 = %scan3A_4 to %scan3A_6 step %scan3A_7  : i32 {
      %scan3A_24 = arith.constant 0 : i32
      %scan3A_25 = arith.constant 16 : i32
      %scan3A_26 = arith.addi %scan3A_24, %scan3A_25 : i32
      %scan3A_27 = arith.constant 1 : i32
      scf.for %scan3A_29 = %scan3A_24 to %scan3A_26 step %scan3A_27  : i32 {
        %mul3A_30 = arith.constant 16 : i32
        %mul3A_31 = arith.muli %scan3A_29, %mul3A_30 : i32
        %swap3A = arith.index_cast %scan3A_23 : i32 to index
        %swap3A_32 = arith.index_cast %mul3A_31 : i32 to index
        %swap3A_33 = tpu.vector_load %arg7[%swap3A, %swap3A_32] {strides = array<i32>} : memref<64x256xi32, #tpu.memory_space<vmem>>, vector<16xi32>,
        tpu.vector_store %arg7[%swap3A, %swap3A_32], %broadcast_in_dim3A_3 {strides = array<i32>} : memref<64x256xi32, #tpu.memory_space<vmem>>, vector<16xi32>,
      }
      %scan3A_28 = arith.constant 16 : i32
    }
    %scan3A_8 = arith.constant 64 : i32
    %scan3A_9 = arith.constant 0 : i32
    %scan3A_10 = arith.constant 0 : i32
    %scan3A_11 = arith.constant 2 : i32
    %scan3A_12 = arith.addi %scan3A_10, %scan3A_11 : i32
    %scan3A_13 = arith.constant 1 : i32
    %scan3A_14 = scf.for %scan3A_23 = %scan3A_10 to %scan3A_12 step %scan3A_13 iter_args(%scan3A_24 = %scan3A_9) -> (i32)  : i32 {
      %mul3A_25 = arith.constant 64 : i32
      %mul3A_26 = arith.muli %scan3A_23, %mul3A_25 : i32
      %add3A_27 = arith.addi %mul3A_2, %mul3A_26 : i32
      "tpu.region"() ({
        %run_scoped3A = tpu.sem_alloc : memref<!tpu.dma_semaphore, #tpu.memory_space<semaphore_mem>>
        %dma_start3A = arith.constant 0 : i32
        %dma_start3A_41 = tpu.memref_slice %arg2[%add3A_27, %dma_start3A] : memref<4096x32xi32, #tpu.memory_space<hbm>> -> memref<64x32xi32, #tpu.memory_space<hbm>>
        %dma_start3A_42 = arith.constant 0 : i32
        %dma_start3A_43 = tpu.memref_slice %arg2[%add3A_27, %dma_start3A_42] : memref<4096x32xi32, #tpu.memory_space<hbm>> -> memref<64x32xi32, #tpu.memory_space<hbm>>
        tpu.enqueue_dma source(%dma_start3A_43 : memref<64x32xi32, #tpu.memory_space<hbm>>) target(%arg6 : memref<64x32xi32, #tpu.memory_space<vmem>>) target_semaphore(%run_scoped3A : memref<!tpu.dma_semaphore, #tpu.memory_space<semaphore_mem>>)
        %dma_wait3A = arith.constant 0 : i32
        %dma_wait3A_44 = tpu.memref_slice %arg2[%add3A_27, %dma_wait3A] : memref<4096x32xi32, #tpu.memory_space<hbm>> -> memref<64x32xi32, #tpu.memory_space<hbm>>
        %dma_wait3A_45 = arith.constant 0 : i32
        %dma_wait3A_46 = tpu.memref_slice %arg2[%add3A_27, %dma_wait3A_45] : memref<4096x32xi32, #tpu.memory_space<hbm>> -> memref<64x32xi32, #tpu.memory_space<hbm>>
        tpu.wait_dma2 semaphore(%run_scoped3A : memref<!tpu.dma_semaphore, #tpu.memory_space<semaphore_mem>>) src(%dma_wait3A_46 : memref<64x32xi32, #tpu.memory_space<hbm>>) dst(%arg6 : memref<64x32xi32, #tpu.memory_space<vmem>>)
        tpu.yield
      }) : () -> ()
      %scan3A_28 = arith.constant 0 : i32
      %scan3A_29 = arith.constant 0 : i32
      %scan3A_30 = arith.constant 128 : i32
      %scan3A_31 = arith.addi %scan3A_29, %scan3A_30 : i32
      %scan3A_32 = arith.constant 1 : i32
      scf.for %scan3A_41 = %scan3A_29 to %scan3A_31 step %scan3A_32  : i32 {
        %shift_right_arithmetic3A = arith.constant 1 : i32
        %shift_right_arithmetic3A_42 = arith.shrsi %scan3A_41, %shift_right_arithmetic3A : i32
        %and3A = arith.constant 1 : i32
        %and3A_43 = arith.andi %scan3A_41, %and3A : i32
        %mul3A_44 = arith.constant 16 : i32
        %mul3A_45 = arith.muli %and3A_43, %mul3A_44 : i32
        %get3A = arith.index_cast %shift_right_arithmetic3A_42 : i32 to index
        %get3A_46 = arith.index_cast %mul3A_45 : i32 to index
        %get3A_47 = tpu.vector_load %arg6[%get3A, %get3A_46] {strides = array<i32>} : memref<64x32xi32, #tpu.memory_space<vmem>>, vector<16xi32>,
        %and3A_48 = arith.constant 255 : i32
        %and3A_49 = vector.broadcast %and3A_48 : i32 to vector<16xi32>
        %and3A_50 = arith.andi %get3A_47, %and3A_49 : vector<16xi32>
        %shift_right_logical3A = arith.constant 8 : i32
        %shift_right_logical3A_51 = vector.broadcast %shift_right_logical3A : i32 to vector<16xi32>
        %shift_right_logical3A_52 = arith.shrui %get3A_47, %shift_right_logical3A_51 : vector<16xi32>
        %broadcast_in_dim3A_53 = arith.constant 1 : i32
        %broadcast_in_dim3A_54 = vector.broadcast %broadcast_in_dim3A_53 : i32 to vector<16xi32>
        %mul3A_55 = arith.constant 8 : i32
        %mul3A_56 = vector.broadcast %mul3A_55 : i32 to vector<16xi32>
        %mul3A_57 = arith.muli %shift_right_logical3A_52, %mul3A_56 : vector<16xi32>
        %shift_left3A = arith.shli %broadcast_in_dim3A_54, %mul3A_57 : vector<16xi32>
        %broadcast_in_dim3A_58 = vector.broadcast %shift_right_arithmetic3A_42 : i32 to vector<16xi32>
        tpu.vector_store_idx %arg7[%broadcast_in_dim3A_58, %and3A_50], %shift_left3A {add = true} : memref<64x256xi32, #tpu.memory_space<vmem>>[vector<16xi32>, vector<16xi32>], vector<16xi32>,
      }
      %scan3A_33 = arith.constant 128 : i32
      "tpu.region"() ({
        %run_scoped3A = tpu.sem_alloc : memref<!tpu.dma_semaphore, #tpu.memory_space<semaphore_mem>>
        %dma_start3A = arith.constant 0 : i32
        %dma_start3A_41 = tpu.memref_slice %arg4[%add3A_27, %dma_start3A] : memref<4096x256xi32, #tpu.memory_space<hbm>> -> memref<64x256xi32, #tpu.memory_space<hbm>>
        %dma_start3A_42 = arith.constant 0 : i32
        %dma_start3A_43 = tpu.memref_slice %arg4[%add3A_27, %dma_start3A_42] : memref<4096x256xi32, #tpu.memory_space<hbm>> -> memref<64x256xi32, #tpu.memory_space<hbm>>
        tpu.enqueue_dma source(%arg7 : memref<64x256xi32, #tpu.memory_space<vmem>>) target(%dma_start3A_43 : memref<64x256xi32, #tpu.memory_space<hbm>>) target_semaphore(%run_scoped3A : memref<!tpu.dma_semaphore, #tpu.memory_space<semaphore_mem>>)
        %dma_wait3A = arith.constant 0 : i32
        %dma_wait3A_44 = tpu.memref_slice %arg4[%add3A_27, %dma_wait3A] : memref<4096x256xi32, #tpu.memory_space<hbm>> -> memref<64x256xi32, #tpu.memory_space<hbm>>
        %dma_wait3A_45 = arith.constant 0 : i32
        %dma_wait3A_46 = tpu.memref_slice %arg4[%add3A_27, %dma_wait3A_45] : memref<4096x256xi32, #tpu.memory_space<hbm>> -> memref<64x256xi32, #tpu.memory_space<hbm>>
        tpu.wait_dma2 semaphore(%run_scoped3A : memref<!tpu.dma_semaphore, #tpu.memory_space<semaphore_mem>>) src(%arg7 : memref<64x256xi32, #tpu.memory_space<vmem>>) dst(%dma_wait3A_46 : memref<64x256xi32, #tpu.memory_space<hbm>>)
        tpu.yield
      }) : () -> ()
      %scan3A_34 = arith.constant 0 : i32
      %scan3A_35 = arith.constant 0 : i32
      %scan3A_36 = arith.constant 128 : i32
      %scan3A_37 = arith.addi %scan3A_35, %scan3A_36 : i32
      %scan3A_38 = arith.constant 1 : i32
      scf.for %scan3A_41 = %scan3A_35 to %scan3A_37 step %scan3A_38  : i32 {
        %shift_right_arithmetic3A = arith.constant 1 : i32
        %shift_right_arithmetic3A_42 = arith.shrsi %scan3A_41, %shift_right_arithmetic3A : i32
        %and3A = arith.constant 1 : i32
        %and3A_43 = arith.andi %scan3A_41, %and3A : i32
        %mul3A_44 = arith.constant 16 : i32
        %mul3A_45 = arith.muli %and3A_43, %mul3A_44 : i32
        %get3A = arith.index_cast %shift_right_arithmetic3A_42 : i32 to index
        %get3A_46 = arith.index_cast %mul3A_45 : i32 to index
        %get3A_47 = tpu.vector_load %arg6[%get3A, %get3A_46] {strides = array<i32>} : memref<64x32xi32, #tpu.memory_space<vmem>>, vector<16xi32>,
        %and3A_48 = arith.constant 255 : i32
        %and3A_49 = vector.broadcast %and3A_48 : i32 to vector<16xi32>
        %and3A_50 = arith.andi %get3A_47, %and3A_49 : vector<16xi32>
        %shift_right_logical3A = arith.constant 8 : i32
        %shift_right_logical3A_51 = vector.broadcast %shift_right_logical3A : i32 to vector<16xi32>
        %shift_right_logical3A_52 = arith.shrui %get3A_47, %shift_right_logical3A_51 : vector<16xi32>
        %broadcast_in_dim3A_53 = arith.constant -1 : i32
        %broadcast_in_dim3A_54 = vector.broadcast %broadcast_in_dim3A_53 : i32 to vector<16xi32>
        %mul3A_55 = arith.constant 8 : i32
        %mul3A_56 = vector.broadcast %mul3A_55 : i32 to vector<16xi32>
        %mul3A_57 = arith.muli %shift_right_logical3A_52, %mul3A_56 : vector<16xi32>
        %shift_left3A = arith.shli %broadcast_in_dim3A_54, %mul3A_57 : vector<16xi32>
        %broadcast_in_dim3A_58 = vector.broadcast %shift_right_arithmetic3A_42 : i32 to vector<16xi32>
        tpu.vector_store_idx %arg7[%broadcast_in_dim3A_58, %and3A_50], %shift_left3A {add = true} : memref<64x256xi32, #tpu.memory_space<vmem>>[vector<16xi32>, vector<16xi32>], vector<16xi32>,
      }
      %scan3A_39 = arith.constant 128 : i32
      %scan3A_40 = arith.constant 0 : i32
      scf.yield %scan3A_40 : i32
    }
    %scan3A_15 = arith.constant 2 : i32
    %scan3A_16 = arith.constant 0 : i32
    %scan3A_17 = arith.constant 0 : i32
    %scan3A_18 = arith.constant 2 : i32
    %scan3A_19 = arith.addi %scan3A_17, %scan3A_18 : i32
    %scan3A_20 = arith.constant 1 : i32
    %scan3A_21 = scf.for %scan3A_23 = %scan3A_17 to %scan3A_19 step %scan3A_20 iter_args(%scan3A_24 = %scan3A_16) -> (i32)  : i32 {
      %mul3A_25 = arith.constant 64 : i32
      %mul3A_26 = arith.muli %scan3A_23, %mul3A_25 : i32
      %add3A_27 = arith.addi %mul3A_2, %mul3A_26 : i32
      "tpu.region"() ({
        %run_scoped3A = tpu.sem_alloc : memref<!tpu.dma_semaphore, #tpu.memory_space<semaphore_mem>>
        %dma_start3A = arith.constant 0 : i32
        %dma_start3A_41 = tpu.memref_slice %arg3[%add3A_27, %dma_start3A] : memref<4096x32xi32, #tpu.memory_space<hbm>> -> memref<64x32xi32, #tpu.memory_space<hbm>>
        %dma_start3A_42 = arith.constant 0 : i32
        %dma_start3A_43 = tpu.memref_slice %arg3[%add3A_27, %dma_start3A_42] : memref<4096x32xi32, #tpu.memory_space<hbm>> -> memref<64x32xi32, #tpu.memory_space<hbm>>
        tpu.enqueue_dma source(%dma_start3A_43 : memref<64x32xi32, #tpu.memory_space<hbm>>) target(%arg6 : memref<64x32xi32, #tpu.memory_space<vmem>>) target_semaphore(%run_scoped3A : memref<!tpu.dma_semaphore, #tpu.memory_space<semaphore_mem>>)
        %dma_wait3A = arith.constant 0 : i32
        %dma_wait3A_44 = tpu.memref_slice %arg3[%add3A_27, %dma_wait3A] : memref<4096x32xi32, #tpu.memory_space<hbm>> -> memref<64x32xi32, #tpu.memory_space<hbm>>
        %dma_wait3A_45 = arith.constant 0 : i32
        %dma_wait3A_46 = tpu.memref_slice %arg3[%add3A_27, %dma_wait3A_45] : memref<4096x32xi32, #tpu.memory_space<hbm>> -> memref<64x32xi32, #tpu.memory_space<hbm>>
        tpu.wait_dma2 semaphore(%run_scoped3A : memref<!tpu.dma_semaphore, #tpu.memory_space<semaphore_mem>>) src(%dma_wait3A_46 : memref<64x32xi32, #tpu.memory_space<hbm>>) dst(%arg6 : memref<64x32xi32, #tpu.memory_space<vmem>>)
        tpu.yield
      }) : () -> ()
      %scan3A_28 = arith.constant 0 : i32
      %scan3A_29 = arith.constant 0 : i32
      %scan3A_30 = arith.constant 128 : i32
      %scan3A_31 = arith.addi %scan3A_29, %scan3A_30 : i32
      %scan3A_32 = arith.constant 1 : i32
      scf.for %scan3A_41 = %scan3A_29 to %scan3A_31 step %scan3A_32  : i32 {
        %shift_right_arithmetic3A = arith.constant 1 : i32
        %shift_right_arithmetic3A_42 = arith.shrsi %scan3A_41, %shift_right_arithmetic3A : i32
        %and3A = arith.constant 1 : i32
        %and3A_43 = arith.andi %scan3A_41, %and3A : i32
        %mul3A_44 = arith.constant 16 : i32
        %mul3A_45 = arith.muli %and3A_43, %mul3A_44 : i32
        %get3A = arith.index_cast %shift_right_arithmetic3A_42 : i32 to index
        %get3A_46 = arith.index_cast %mul3A_45 : i32 to index
        %get3A_47 = tpu.vector_load %arg6[%get3A, %get3A_46] {strides = array<i32>} : memref<64x32xi32, #tpu.memory_space<vmem>>, vector<16xi32>,
        %and3A_48 = arith.constant 255 : i32
        %and3A_49 = vector.broadcast %and3A_48 : i32 to vector<16xi32>
        %and3A_50 = arith.andi %get3A_47, %and3A_49 : vector<16xi32>
        %shift_right_logical3A = arith.constant 8 : i32
        %shift_right_logical3A_51 = vector.broadcast %shift_right_logical3A : i32 to vector<16xi32>
        %shift_right_logical3A_52 = arith.shrui %get3A_47, %shift_right_logical3A_51 : vector<16xi32>
        %broadcast_in_dim3A_53 = arith.constant 1 : i32
        %broadcast_in_dim3A_54 = vector.broadcast %broadcast_in_dim3A_53 : i32 to vector<16xi32>
        %mul3A_55 = arith.constant 8 : i32
        %mul3A_56 = vector.broadcast %mul3A_55 : i32 to vector<16xi32>
        %mul3A_57 = arith.muli %shift_right_logical3A_52, %mul3A_56 : vector<16xi32>
        %shift_left3A = arith.shli %broadcast_in_dim3A_54, %mul3A_57 : vector<16xi32>
        %broadcast_in_dim3A_58 = vector.broadcast %shift_right_arithmetic3A_42 : i32 to vector<16xi32>
        tpu.vector_store_idx %arg7[%broadcast_in_dim3A_58, %and3A_50], %shift_left3A {add = true} : memref<64x256xi32, #tpu.memory_space<vmem>>[vector<16xi32>, vector<16xi32>], vector<16xi32>,
      }
      %scan3A_33 = arith.constant 128 : i32
      "tpu.region"() ({
        %run_scoped3A = tpu.sem_alloc : memref<!tpu.dma_semaphore, #tpu.memory_space<semaphore_mem>>
        %dma_start3A = arith.constant 0 : i32
        %dma_start3A_41 = tpu.memref_slice %arg5[%add3A_27, %dma_start3A] : memref<4096x256xi32, #tpu.memory_space<hbm>> -> memref<64x256xi32, #tpu.memory_space<hbm>>
        %dma_start3A_42 = arith.constant 0 : i32
        %dma_start3A_43 = tpu.memref_slice %arg5[%add3A_27, %dma_start3A_42] : memref<4096x256xi32, #tpu.memory_space<hbm>> -> memref<64x256xi32, #tpu.memory_space<hbm>>
        tpu.enqueue_dma source(%arg7 : memref<64x256xi32, #tpu.memory_space<vmem>>) target(%dma_start3A_43 : memref<64x256xi32, #tpu.memory_space<hbm>>) target_semaphore(%run_scoped3A : memref<!tpu.dma_semaphore, #tpu.memory_space<semaphore_mem>>)
        %dma_wait3A = arith.constant 0 : i32
        %dma_wait3A_44 = tpu.memref_slice %arg5[%add3A_27, %dma_wait3A] : memref<4096x256xi32, #tpu.memory_space<hbm>> -> memref<64x256xi32, #tpu.memory_space<hbm>>
        %dma_wait3A_45 = arith.constant 0 : i32
        %dma_wait3A_46 = tpu.memref_slice %arg5[%add3A_27, %dma_wait3A_45] : memref<4096x256xi32, #tpu.memory_space<hbm>> -> memref<64x256xi32, #tpu.memory_space<hbm>>
        tpu.wait_dma2 semaphore(%run_scoped3A : memref<!tpu.dma_semaphore, #tpu.memory_space<semaphore_mem>>) src(%arg7 : memref<64x256xi32, #tpu.memory_space<vmem>>) dst(%dma_wait3A_46 : memref<64x256xi32, #tpu.memory_space<hbm>>)
        tpu.yield
      }) : () -> ()
      %scan3A_34 = arith.constant 0 : i32
      %scan3A_35 = arith.constant 0 : i32
      %scan3A_36 = arith.constant 128 : i32
      %scan3A_37 = arith.addi %scan3A_35, %scan3A_36 : i32
      %scan3A_38 = arith.constant 1 : i32
      scf.for %scan3A_41 = %scan3A_35 to %scan3A_37 step %scan3A_38  : i32 {
        %shift_right_arithmetic3A = arith.constant 1 : i32
        %shift_right_arithmetic3A_42 = arith.shrsi %scan3A_41, %shift_right_arithmetic3A : i32
        %and3A = arith.constant 1 : i32
        %and3A_43 = arith.andi %scan3A_41, %and3A : i32
        %mul3A_44 = arith.constant 16 : i32
        %mul3A_45 = arith.muli %and3A_43, %mul3A_44 : i32
        %get3A = arith.index_cast %shift_right_arithmetic3A_42 : i32 to index
        %get3A_46 = arith.index_cast %mul3A_45 : i32 to index
        %get3A_47 = tpu.vector_load %arg6[%get3A, %get3A_46] {strides = array<i32>} : memref<64x32xi32, #tpu.memory_space<vmem>>, vector<16xi32>,
        %and3A_48 = arith.constant 255 : i32
        %and3A_49 = vector.broadcast %and3A_48 : i32 to vector<16xi32>
        %and3A_50 = arith.andi %get3A_47, %and3A_49 : vector<16xi32>
        %shift_right_logical3A = arith.constant 8 : i32
        %shift_right_logical3A_51 = vector.broadcast %shift_right_logical3A : i32 to vector<16xi32>
        %shift_right_logical3A_52 = arith.shrui %get3A_47, %shift_right_logical3A_51 : vector<16xi32>
        %broadcast_in_dim3A_53 = arith.constant -1 : i32
        %broadcast_in_dim3A_54 = vector.broadcast %broadcast_in_dim3A_53 : i32 to vector<16xi32>
        %mul3A_55 = arith.constant 8 : i32
        %mul3A_56 = vector.broadcast %mul3A_55 : i32 to vector<16xi32>
        %mul3A_57 = arith.muli %shift_right_logical3A_52, %mul3A_56 : vector<16xi32>
        %shift_left3A = arith.shli %broadcast_in_dim3A_54, %mul3A_57 : vector<16xi32>
        %broadcast_in_dim3A_58 = vector.broadcast %shift_right_arithmetic3A_42 : i32 to vector<16xi32>
        tpu.vector_store_idx %arg7[%broadcast_in_dim3A_58, %and3A_50], %shift_left3A {add = true} : memref<64x256xi32, #tpu.memory_space<vmem>>[vector<16xi32>, vector<16xi32>], vector<16xi32>,
      }
      %scan3A_39 = arith.constant 128 : i32
      %scan3A_40 = arith.constant 0 : i32
      scf.yield %scan3A_40 : i32
    }
    %scan3A_22 = arith.constant 2 : i32
    return
  }
}

#map = affine_map<(d0, d1) -> (0, 0)>
module attributes {stable_mosaic.version = 14 : i64} {
  func.func @_sc_counts_body(%arg0: i32, %arg1: i32, %arg2: memref<4096x32xi32, #tpu.memory_space<hbm>>, %arg3: memref<4096x32xi32, #tpu.memory_space<hbm>>, %arg4: memref<4096x256xi32, #tpu.memory_space<hbm>>, %arg5: memref<4096x256xi32, #tpu.memory_space<hbm>>, %arg6: memref<64x32xi32, #tpu.memory_space<vmem>>, %arg7: memref<64x256xi32, #tpu.memory_space<vmem>>) attributes {dimension_semantics = [#tpu.dimension_semantics<core_parallel>, #tpu.dimension_semantics<subcore_parallel>], iteration_bounds = array<i64: 2, 16>, scalar_prefetch = 0 : i64, scratch_operands = 2 : i64, tpu.core_type = #tpu.core_type<sc_vector_subcore>, window_params = [{transform_indices = #map}, {transform_indices = #map}, {transform_indices = #map}, {transform_indices = #map}]} {
    %mul3A = arith.constant 2 : i32
    %mul3A_0 = arith.muli %arg1, %mul3A : i32
    %add3A = arith.addi %mul3A_0, %arg0 : i32
    %mul3A_1 = arith.constant 128 : i32
    %mul3A_2 = arith.muli %add3A, %mul3A_1 : i32
    %broadcast_in_dim3A = arith.constant 0 : i32
    %broadcast_in_dim3A_3 = vector.broadcast %broadcast_in_dim3A : i32 to vector<16xi32>
    %scan3A = arith.constant 0 : i32
    %scan3A_4 = arith.constant 0 : i32
    %scan3A_5 = arith.constant 64 : i32
    %scan3A_6 = arith.addi %scan3A_4, %scan3A_5 : i32
    %scan3A_7 = arith.constant 1 : i32
    scf.for %scan3A_23 = %scan3A_4 to %scan3A_6 step %scan3A_7  : i32 {
      %scan3A_24 = arith.constant 0 : i32
      %scan3A_25 = arith.constant 16 : i32
      %scan3A_26 = arith.addi %scan3A_24, %scan3A_25 : i32
      %scan3A_27 = arith.constant 1 : i32
      scf.for %scan3A_29 = %scan3A_24 to %scan3A_26 step %scan3A_27  : i32 {
        %mul3A_30 = arith.constant 16 : i32
        %mul3A_31 = arith.muli %scan3A_29, %mul3A_30 : i32
        %swap3A = arith.index_cast %scan3A_23 : i32 to index
        %swap3A_32 = arith.index_cast %mul3A_31 : i32 to index
        %swap3A_33 = tpu.vector_load %arg7[%swap3A, %swap3A_32] {strides = array<i32>} : memref<64x256xi32, #tpu.memory_space<vmem>>, vector<16xi32>,
        tpu.vector_store %arg7[%swap3A, %swap3A_32], %broadcast_in_dim3A_3 {strides = array<i32>} : memref<64x256xi32, #tpu.memory_space<vmem>>, vector<16xi32>,
      }
      %scan3A_28 = arith.constant 16 : i32
    }
    %scan3A_8 = arith.constant 64 : i32
    %scan3A_9 = arith.constant 0 : i32
    %scan3A_10 = arith.constant 0 : i32
    %scan3A_11 = arith.constant 2 : i32
    %scan3A_12 = arith.addi %scan3A_10, %scan3A_11 : i32
    %scan3A_13 = arith.constant 1 : i32
    %scan3A_14 = scf.for %scan3A_23 = %scan3A_10 to %scan3A_12 step %scan3A_13 iter_args(%scan3A_24 = %scan3A_9) -> (i32)  : i32 {
      %mul3A_25 = arith.constant 64 : i32
      %mul3A_26 = arith.muli %scan3A_23, %mul3A_25 : i32
      %add3A_27 = arith.addi %mul3A_2, %mul3A_26 : i32
      "tpu.region"() ({
        %run_scoped3A = tpu.sem_alloc : memref<!tpu.dma_semaphore, #tpu.memory_space<semaphore_mem>>
        %dma_start3A = arith.constant 0 : i32
        %dma_start3A_41 = tpu.memref_slice %arg2[%add3A_27, %dma_start3A] : memref<4096x32xi32, #tpu.memory_space<hbm>> -> memref<64x32xi32, #tpu.memory_space<hbm>>
        %dma_start3A_42 = arith.constant 0 : i32
        %dma_start3A_43 = tpu.memref_slice %arg2[%add3A_27, %dma_start3A_42] : memref<4096x32xi32, #tpu.memory_space<hbm>> -> memref<64x32xi32, #tpu.memory_space<hbm>>
        tpu.enqueue_dma source(%dma_start3A_43 : memref<64x32xi32, #tpu.memory_space<hbm>>) target(%arg6 : memref<64x32xi32, #tpu.memory_space<vmem>>) target_semaphore(%run_scoped3A : memref<!tpu.dma_semaphore, #tpu.memory_space<semaphore_mem>>)
        %dma_wait3A = arith.constant 0 : i32
        %dma_wait3A_44 = tpu.memref_slice %arg2[%add3A_27, %dma_wait3A] : memref<4096x32xi32, #tpu.memory_space<hbm>> -> memref<64x32xi32, #tpu.memory_space<hbm>>
        %dma_wait3A_45 = arith.constant 0 : i32
        %dma_wait3A_46 = tpu.memref_slice %arg2[%add3A_27, %dma_wait3A_45] : memref<4096x32xi32, #tpu.memory_space<hbm>> -> memref<64x32xi32, #tpu.memory_space<hbm>>
        tpu.wait_dma2 semaphore(%run_scoped3A : memref<!tpu.dma_semaphore, #tpu.memory_space<semaphore_mem>>) src(%dma_wait3A_46 : memref<64x32xi32, #tpu.memory_space<hbm>>) dst(%arg6 : memref<64x32xi32, #tpu.memory_space<vmem>>)
        tpu.yield
      }) : () -> ()
      %scan3A_28 = arith.constant 0 : i32
      %scan3A_29 = arith.constant 0 : i32
      %scan3A_30 = arith.constant 128 : i32
      %scan3A_31 = arith.addi %scan3A_29, %scan3A_30 : i32
      %scan3A_32 = arith.constant 1 : i32
      scf.for %scan3A_41 = %scan3A_29 to %scan3A_31 step %scan3A_32  : i32 {
        %shift_right_arithmetic3A = arith.constant 1 : i32
        %shift_right_arithmetic3A_42 = arith.shrsi %scan3A_41, %shift_right_arithmetic3A : i32
        %and3A = arith.constant 1 : i32
        %and3A_43 = arith.andi %scan3A_41, %and3A : i32
        %mul3A_44 = arith.constant 16 : i32
        %mul3A_45 = arith.muli %and3A_43, %mul3A_44 : i32
        %get3A = arith.index_cast %shift_right_arithmetic3A_42 : i32 to index
        %get3A_46 = arith.index_cast %mul3A_45 : i32 to index
        %get3A_47 = tpu.vector_load %arg6[%get3A, %get3A_46] {strides = array<i32>} : memref<64x32xi32, #tpu.memory_space<vmem>>, vector<16xi32>,
        %and3A_48 = arith.constant 255 : i32
        %and3A_49 = vector.broadcast %and3A_48 : i32 to vector<16xi32>
        %and3A_50 = arith.andi %get3A_47, %and3A_49 : vector<16xi32>
        %shift_right_logical3A = arith.constant 8 : i32
        %shift_right_logical3A_51 = vector.broadcast %shift_right_logical3A : i32 to vector<16xi32>
        %shift_right_logical3A_52 = arith.shrui %get3A_47, %shift_right_logical3A_51 : vector<16xi32>
        %broadcast_in_dim3A_53 = arith.constant 1 : i32
        %broadcast_in_dim3A_54 = vector.broadcast %broadcast_in_dim3A_53 : i32 to vector<16xi32>
        %mul3A_55 = arith.constant 8 : i32
        %mul3A_56 = vector.broadcast %mul3A_55 : i32 to vector<16xi32>
        %mul3A_57 = arith.muli %shift_right_logical3A_52, %mul3A_56 : vector<16xi32>
        %shift_left3A = arith.shli %broadcast_in_dim3A_54, %mul3A_57 : vector<16xi32>
        %broadcast_in_dim3A_58 = vector.broadcast %shift_right_arithmetic3A_42 : i32 to vector<16xi32>
        tpu.vector_store_idx %arg7[%broadcast_in_dim3A_58, %and3A_50], %shift_left3A {add = true} : memref<64x256xi32, #tpu.memory_space<vmem>>[vector<16xi32>, vector<16xi32>], vector<16xi32>,
      }
      %scan3A_33 = arith.constant 128 : i32
      "tpu.region"() ({
        %run_scoped3A = tpu.sem_alloc : memref<!tpu.dma_semaphore, #tpu.memory_space<semaphore_mem>>
        %dma_start3A = arith.constant 0 : i32
        %dma_start3A_41 = tpu.memref_slice %arg4[%add3A_27, %dma_start3A] : memref<4096x256xi32, #tpu.memory_space<hbm>> -> memref<64x256xi32, #tpu.memory_space<hbm>>
        %dma_start3A_42 = arith.constant 0 : i32
        %dma_start3A_43 = tpu.memref_slice %arg4[%add3A_27, %dma_start3A_42] : memref<4096x256xi32, #tpu.memory_space<hbm>> -> memref<64x256xi32, #tpu.memory_space<hbm>>
        tpu.enqueue_dma source(%arg7 : memref<64x256xi32, #tpu.memory_space<vmem>>) target(%dma_start3A_43 : memref<64x256xi32, #tpu.memory_space<hbm>>) target_semaphore(%run_scoped3A : memref<!tpu.dma_semaphore, #tpu.memory_space<semaphore_mem>>)
        %dma_wait3A = arith.constant 0 : i32
        %dma_wait3A_44 = tpu.memref_slice %arg4[%add3A_27, %dma_wait3A] : memref<4096x256xi32, #tpu.memory_space<hbm>> -> memref<64x256xi32, #tpu.memory_space<hbm>>
        %dma_wait3A_45 = arith.constant 0 : i32
        %dma_wait3A_46 = tpu.memref_slice %arg4[%add3A_27, %dma_wait3A_45] : memref<4096x256xi32, #tpu.memory_space<hbm>> -> memref<64x256xi32, #tpu.memory_space<hbm>>
        tpu.wait_dma2 semaphore(%run_scoped3A : memref<!tpu.dma_semaphore, #tpu.memory_space<semaphore_mem>>) src(%arg7 : memref<64x256xi32, #tpu.memory_space<vmem>>) dst(%dma_wait3A_46 : memref<64x256xi32, #tpu.memory_space<hbm>>)
        tpu.yield
      }) : () -> ()
      %scan3A_34 = arith.constant 0 : i32
      %scan3A_35 = arith.constant 0 : i32
      %scan3A_36 = arith.constant 128 : i32
      %scan3A_37 = arith.addi %scan3A_35, %scan3A_36 : i32
      %scan3A_38 = arith.constant 1 : i32
      scf.for %scan3A_41 = %scan3A_35 to %scan3A_37 step %scan3A_38  : i32 {
        %shift_right_arithmetic3A = arith.constant 1 : i32
        %shift_right_arithmetic3A_42 = arith.shrsi %scan3A_41, %shift_right_arithmetic3A : i32
        %and3A = arith.constant 1 : i32
        %and3A_43 = arith.andi %scan3A_41, %and3A : i32
        %mul3A_44 = arith.constant 16 : i32
        %mul3A_45 = arith.muli %and3A_43, %mul3A_44 : i32
        %get3A = arith.index_cast %shift_right_arithmetic3A_42 : i32 to index
        %get3A_46 = arith.index_cast %mul3A_45 : i32 to index
        %get3A_47 = tpu.vector_load %arg6[%get3A, %get3A_46] {strides = array<i32>} : memref<64x32xi32, #tpu.memory_space<vmem>>, vector<16xi32>,
        %and3A_48 = arith.constant 255 : i32
        %and3A_49 = vector.broadcast %and3A_48 : i32 to vector<16xi32>
        %and3A_50 = arith.andi %get3A_47, %and3A_49 : vector<16xi32>
        %shift_right_logical3A = arith.constant 8 : i32
        %shift_right_logical3A_51 = vector.broadcast %shift_right_logical3A : i32 to vector<16xi32>
        %shift_right_logical3A_52 = arith.shrui %get3A_47, %shift_right_logical3A_51 : vector<16xi32>
        %broadcast_in_dim3A_53 = arith.constant -1 : i32
        %broadcast_in_dim3A_54 = vector.broadcast %broadcast_in_dim3A_53 : i32 to vector<16xi32>
        %mul3A_55 = arith.constant 8 : i32
        %mul3A_56 = vector.broadcast %mul3A_55 : i32 to vector<16xi32>
        %mul3A_57 = arith.muli %shift_right_logical3A_52, %mul3A_56 : vector<16xi32>
        %shift_left3A = arith.shli %broadcast_in_dim3A_54, %mul3A_57 : vector<16xi32>
        %broadcast_in_dim3A_58 = vector.broadcast %shift_right_arithmetic3A_42 : i32 to vector<16xi32>
        tpu.vector_store_idx %arg7[%broadcast_in_dim3A_58, %and3A_50], %shift_left3A {add = true} : memref<64x256xi32, #tpu.memory_space<vmem>>[vector<16xi32>, vector<16xi32>], vector<16xi32>,
      }
      %scan3A_39 = arith.constant 128 : i32
      %scan3A_40 = arith.constant 0 : i32
      scf.yield %scan3A_40 : i32
    }
    %scan3A_15 = arith.constant 2 : i32
    %scan3A_16 = arith.constant 0 : i32
    %scan3A_17 = arith.constant 0 : i32
    %scan3A_18 = arith.constant 2 : i32
    %scan3A_19 = arith.addi %scan3A_17, %scan3A_18 : i32
    %scan3A_20 = arith.constant 1 : i32
    %scan3A_21 = scf.for %scan3A_23 = %scan3A_17 to %scan3A_19 step %scan3A_20 iter_args(%scan3A_24 = %scan3A_16) -> (i32)  : i32 {
      %mul3A_25 = arith.constant 64 : i32
      %mul3A_26 = arith.muli %scan3A_23, %mul3A_25 : i32
      %add3A_27 = arith.addi %mul3A_2, %mul3A_26 : i32
      "tpu.region"() ({
        %run_scoped3A = tpu.sem_alloc : memref<!tpu.dma_semaphore, #tpu.memory_space<semaphore_mem>>
        %dma_start3A = arith.constant 0 : i32
        %dma_start3A_41 = tpu.memref_slice %arg3[%add3A_27, %dma_start3A] : memref<4096x32xi32, #tpu.memory_space<hbm>> -> memref<64x32xi32, #tpu.memory_space<hbm>>
        %dma_start3A_42 = arith.constant 0 : i32
        %dma_start3A_43 = tpu.memref_slice %arg3[%add3A_27, %dma_start3A_42] : memref<4096x32xi32, #tpu.memory_space<hbm>> -> memref<64x32xi32, #tpu.memory_space<hbm>>
        tpu.enqueue_dma source(%dma_start3A_43 : memref<64x32xi32, #tpu.memory_space<hbm>>) target(%arg6 : memref<64x32xi32, #tpu.memory_space<vmem>>) target_semaphore(%run_scoped3A : memref<!tpu.dma_semaphore, #tpu.memory_space<semaphore_mem>>)
        %dma_wait3A = arith.constant 0 : i32
        %dma_wait3A_44 = tpu.memref_slice %arg3[%add3A_27, %dma_wait3A] : memref<4096x32xi32, #tpu.memory_space<hbm>> -> memref<64x32xi32, #tpu.memory_space<hbm>>
        %dma_wait3A_45 = arith.constant 0 : i32
        %dma_wait3A_46 = tpu.memref_slice %arg3[%add3A_27, %dma_wait3A_45] : memref<4096x32xi32, #tpu.memory_space<hbm>> -> memref<64x32xi32, #tpu.memory_space<hbm>>
        tpu.wait_dma2 semaphore(%run_scoped3A : memref<!tpu.dma_semaphore, #tpu.memory_space<semaphore_mem>>) src(%dma_wait3A_46 : memref<64x32xi32, #tpu.memory_space<hbm>>) dst(%arg6 : memref<64x32xi32, #tpu.memory_space<vmem>>)
        tpu.yield
      }) : () -> ()
      %scan3A_28 = arith.constant 0 : i32
      %scan3A_29 = arith.constant 0 : i32
      %scan3A_30 = arith.constant 128 : i32
      %scan3A_31 = arith.addi %scan3A_29, %scan3A_30 : i32
      %scan3A_32 = arith.constant 1 : i32
      scf.for %scan3A_41 = %scan3A_29 to %scan3A_31 step %scan3A_32  : i32 {
        %shift_right_arithmetic3A = arith.constant 1 : i32
        %shift_right_arithmetic3A_42 = arith.shrsi %scan3A_41, %shift_right_arithmetic3A : i32
        %and3A = arith.constant 1 : i32
        %and3A_43 = arith.andi %scan3A_41, %and3A : i32
        %mul3A_44 = arith.constant 16 : i32
        %mul3A_45 = arith.muli %and3A_43, %mul3A_44 : i32
        %get3A = arith.index_cast %shift_right_arithmetic3A_42 : i32 to index
        %get3A_46 = arith.index_cast %mul3A_45 : i32 to index
        %get3A_47 = tpu.vector_load %arg6[%get3A, %get3A_46] {strides = array<i32>} : memref<64x32xi32, #tpu.memory_space<vmem>>, vector<16xi32>,
        %and3A_48 = arith.constant 255 : i32
        %and3A_49 = vector.broadcast %and3A_48 : i32 to vector<16xi32>
        %and3A_50 = arith.andi %get3A_47, %and3A_49 : vector<16xi32>
        %shift_right_logical3A = arith.constant 8 : i32
        %shift_right_logical3A_51 = vector.broadcast %shift_right_logical3A : i32 to vector<16xi32>
        %shift_right_logical3A_52 = arith.shrui %get3A_47, %shift_right_logical3A_51 : vector<16xi32>
        %broadcast_in_dim3A_53 = arith.constant 1 : i32
        %broadcast_in_dim3A_54 = vector.broadcast %broadcast_in_dim3A_53 : i32 to vector<16xi32>
        %mul3A_55 = arith.constant 8 : i32
        %mul3A_56 = vector.broadcast %mul3A_55 : i32 to vector<16xi32>
        %mul3A_57 = arith.muli %shift_right_logical3A_52, %mul3A_56 : vector<16xi32>
        %shift_left3A = arith.shli %broadcast_in_dim3A_54, %mul3A_57 : vector<16xi32>
        %broadcast_in_dim3A_58 = vector.broadcast %shift_right_arithmetic3A_42 : i32 to vector<16xi32>
        tpu.vector_store_idx %arg7[%broadcast_in_dim3A_58, %and3A_50], %shift_left3A {add = true} : memref<64x256xi32, #tpu.memory_space<vmem>>[vector<16xi32>, vector<16xi32>], vector<16xi32>,
      }
      %scan3A_33 = arith.constant 128 : i32
      "tpu.region"() ({
        %run_scoped3A = tpu.sem_alloc : memref<!tpu.dma_semaphore, #tpu.memory_space<semaphore_mem>>
        %dma_start3A = arith.constant 0 : i32
        %dma_start3A_41 = tpu.memref_slice %arg5[%add3A_27, %dma_start3A] : memref<4096x256xi32, #tpu.memory_space<hbm>> -> memref<64x256xi32, #tpu.memory_space<hbm>>
        %dma_start3A_42 = arith.constant 0 : i32
        %dma_start3A_43 = tpu.memref_slice %arg5[%add3A_27, %dma_start3A_42] : memref<4096x256xi32, #tpu.memory_space<hbm>> -> memref<64x256xi32, #tpu.memory_space<hbm>>
        tpu.enqueue_dma source(%arg7 : memref<64x256xi32, #tpu.memory_space<vmem>>) target(%dma_start3A_43 : memref<64x256xi32, #tpu.memory_space<hbm>>) target_semaphore(%run_scoped3A : memref<!tpu.dma_semaphore, #tpu.memory_space<semaphore_mem>>)
        %dma_wait3A = arith.constant 0 : i32
        %dma_wait3A_44 = tpu.memref_slice %arg5[%add3A_27, %dma_wait3A] : memref<4096x256xi32, #tpu.memory_space<hbm>> -> memref<64x256xi32, #tpu.memory_space<hbm>>
        %dma_wait3A_45 = arith.constant 0 : i32
        %dma_wait3A_46 = tpu.memref_slice %arg5[%add3A_27, %dma_wait3A_45] : memref<4096x256xi32, #tpu.memory_space<hbm>> -> memref<64x256xi32, #tpu.memory_space<hbm>>
        tpu.wait_dma2 semaphore(%run_scoped3A : memref<!tpu.dma_semaphore, #tpu.memory_space<semaphore_mem>>) src(%arg7 : memref<64x256xi32, #tpu.memory_space<vmem>>) dst(%dma_wait3A_46 : memref<64x256xi32, #tpu.memory_space<hbm>>)
        tpu.yield
      }) : () -> ()
      %scan3A_34 = arith.constant 0 : i32
      %scan3A_35 = arith.constant 0 : i32
      %scan3A_36 = arith.constant 128 : i32
      %scan3A_37 = arith.addi %scan3A_35, %scan3A_36 : i32
      %scan3A_38 = arith.constant 1 : i32
      scf.for %scan3A_41 = %scan3A_35 to %scan3A_37 step %scan3A_38  : i32 {
        %shift_right_arithmetic3A = arith.constant 1 : i32
        %shift_right_arithmetic3A_42 = arith.shrsi %scan3A_41, %shift_right_arithmetic3A : i32
        %and3A = arith.constant 1 : i32
        %and3A_43 = arith.andi %scan3A_41, %and3A : i32
        %mul3A_44 = arith.constant 16 : i32
        %mul3A_45 = arith.muli %and3A_43, %mul3A_44 : i32
        %get3A = arith.index_cast %shift_right_arithmetic3A_42 : i32 to index
        %get3A_46 = arith.index_cast %mul3A_45 : i32 to index
        %get3A_47 = tpu.vector_load %arg6[%get3A, %get3A_46] {strides = array<i32>} : memref<64x32xi32, #tpu.memory_space<vmem>>, vector<16xi32>,
        %and3A_48 = arith.constant 255 : i32
        %and3A_49 = vector.broadcast %and3A_48 : i32 to vector<16xi32>
        %and3A_50 = arith.andi %get3A_47, %and3A_49 : vector<16xi32>
        %shift_right_logical3A = arith.constant 8 : i32
        %shift_right_logical3A_51 = vector.broadcast %shift_right_logical3A : i32 to vector<16xi32>
        %shift_right_logical3A_52 = arith.shrui %get3A_47, %shift_right_logical3A_51 : vector<16xi32>
        %broadcast_in_dim3A_53 = arith.constant -1 : i32
        %broadcast_in_dim3A_54 = vector.broadcast %broadcast_in_dim3A_53 : i32 to vector<16xi32>
        %mul3A_55 = arith.constant 8 : i32
        %mul3A_56 = vector.broadcast %mul3A_55 : i32 to vector<16xi32>
        %mul3A_57 = arith.muli %shift_right_logical3A_52, %mul3A_56 : vector<16xi32>
        %shift_left3A = arith.shli %broadcast_in_dim3A_54, %mul3A_57 : vector<16xi32>
        %broadcast_in_dim3A_58 = vector.broadcast %shift_right_arithmetic3A_42 : i32 to vector<16xi32>
        tpu.vector_store_idx %arg7[%broadcast_in_dim3A_58, %and3A_50], %shift_left3A {add = true} : memref<64x256xi32, #tpu.memory_space<vmem>>[vector<16xi32>, vector<16xi32>], vector<16xi32>,
      }
      %scan3A_39 = arith.constant 128 : i32
      %scan3A_40 = arith.constant 0 : i32
      scf.yield %scan3A_40 : i32
    }
    %scan3A_22 = arith.constant 2 : i32
    return
  }
}

#map = affine_map<(d0, d1) -> (0, 0)>
module attributes {stable_mosaic.version = 14 : i64} {
  func.func @_sc_counts_body(%arg0: i32, %arg1: i32, %arg2: memref<4096x32xi32, #tpu.memory_space<hbm>>, %arg3: memref<4096x32xi32, #tpu.memory_space<hbm>>, %arg4: memref<4096x256xi32, #tpu.memory_space<hbm>>, %arg5: memref<4096x256xi32, #tpu.memory_space<hbm>>, %arg6: memref<64x32xi32, #tpu.memory_space<vmem>>, %arg7: memref<64x256xi32, #tpu.memory_space<vmem>>) attributes {dimension_semantics = [#tpu.dimension_semantics<core_parallel>, #tpu.dimension_semantics<subcore_parallel>], iteration_bounds = array<i64: 2, 16>, scalar_prefetch = 0 : i64, scratch_operands = 2 : i64, tpu.core_type = #tpu.core_type<sc_vector_subcore>, window_params = [{transform_indices = #map}, {transform_indices = #map}, {transform_indices = #map}, {transform_indices = #map}]} {
    %mul3A = arith.constant 2 : i32
    %mul3A_0 = arith.muli %arg1, %mul3A : i32
    %add3A = arith.addi %mul3A_0, %arg0 : i32
    %mul3A_1 = arith.constant 128 : i32
    %mul3A_2 = arith.muli %add3A, %mul3A_1 : i32
    %broadcast_in_dim3A = arith.constant 0 : i32
    %broadcast_in_dim3A_3 = vector.broadcast %broadcast_in_dim3A : i32 to vector<16xi32>
    %scan3A = arith.constant 0 : i32
    %scan3A_4 = arith.constant 0 : i32
    %scan3A_5 = arith.constant 64 : i32
    %scan3A_6 = arith.addi %scan3A_4, %scan3A_5 : i32
    %scan3A_7 = arith.constant 1 : i32
    scf.for %scan3A_23 = %scan3A_4 to %scan3A_6 step %scan3A_7  : i32 {
      %scan3A_24 = arith.constant 0 : i32
      %scan3A_25 = arith.constant 16 : i32
      %scan3A_26 = arith.addi %scan3A_24, %scan3A_25 : i32
      %scan3A_27 = arith.constant 1 : i32
      scf.for %scan3A_29 = %scan3A_24 to %scan3A_26 step %scan3A_27  : i32 {
        %mul3A_30 = arith.constant 16 : i32
        %mul3A_31 = arith.muli %scan3A_29, %mul3A_30 : i32
        %swap3A = arith.index_cast %scan3A_23 : i32 to index
        %swap3A_32 = arith.index_cast %mul3A_31 : i32 to index
        %swap3A_33 = tpu.vector_load %arg7[%swap3A, %swap3A_32] {strides = array<i32>} : memref<64x256xi32, #tpu.memory_space<vmem>>, vector<16xi32>,
        tpu.vector_store %arg7[%swap3A, %swap3A_32], %broadcast_in_dim3A_3 {strides = array<i32>} : memref<64x256xi32, #tpu.memory_space<vmem>>, vector<16xi32>,
      }
      %scan3A_28 = arith.constant 16 : i32
    }
    %scan3A_8 = arith.constant 64 : i32
    %scan3A_9 = arith.constant 0 : i32
    %scan3A_10 = arith.constant 0 : i32
    %scan3A_11 = arith.constant 2 : i32
    %scan3A_12 = arith.addi %scan3A_10, %scan3A_11 : i32
    %scan3A_13 = arith.constant 1 : i32
    %scan3A_14 = scf.for %scan3A_23 = %scan3A_10 to %scan3A_12 step %scan3A_13 iter_args(%scan3A_24 = %scan3A_9) -> (i32)  : i32 {
      %mul3A_25 = arith.constant 64 : i32
      %mul3A_26 = arith.muli %scan3A_23, %mul3A_25 : i32
      %add3A_27 = arith.addi %mul3A_2, %mul3A_26 : i32
      "tpu.region"() ({
        %run_scoped3A = tpu.sem_alloc : memref<!tpu.dma_semaphore, #tpu.memory_space<semaphore_mem>>
        %dma_start3A = arith.constant 0 : i32
        %dma_start3A_41 = tpu.memref_slice %arg2[%add3A_27, %dma_start3A] : memref<4096x32xi32, #tpu.memory_space<hbm>> -> memref<64x32xi32, #tpu.memory_space<hbm>>
        %dma_start3A_42 = arith.constant 0 : i32
        %dma_start3A_43 = tpu.memref_slice %arg2[%add3A_27, %dma_start3A_42] : memref<4096x32xi32, #tpu.memory_space<hbm>> -> memref<64x32xi32, #tpu.memory_space<hbm>>
        tpu.enqueue_dma source(%dma_start3A_43 : memref<64x32xi32, #tpu.memory_space<hbm>>) target(%arg6 : memref<64x32xi32, #tpu.memory_space<vmem>>) target_semaphore(%run_scoped3A : memref<!tpu.dma_semaphore, #tpu.memory_space<semaphore_mem>>)
        %dma_wait3A = arith.constant 0 : i32
        %dma_wait3A_44 = tpu.memref_slice %arg2[%add3A_27, %dma_wait3A] : memref<4096x32xi32, #tpu.memory_space<hbm>> -> memref<64x32xi32, #tpu.memory_space<hbm>>
        %dma_wait3A_45 = arith.constant 0 : i32
        %dma_wait3A_46 = tpu.memref_slice %arg2[%add3A_27, %dma_wait3A_45] : memref<4096x32xi32, #tpu.memory_space<hbm>> -> memref<64x32xi32, #tpu.memory_space<hbm>>
        tpu.wait_dma2 semaphore(%run_scoped3A : memref<!tpu.dma_semaphore, #tpu.memory_space<semaphore_mem>>) src(%dma_wait3A_46 : memref<64x32xi32, #tpu.memory_space<hbm>>) dst(%arg6 : memref<64x32xi32, #tpu.memory_space<vmem>>)
        tpu.yield
      }) : () -> ()
      %scan3A_28 = arith.constant 0 : i32
      %scan3A_29 = arith.constant 0 : i32
      %scan3A_30 = arith.constant 128 : i32
      %scan3A_31 = arith.addi %scan3A_29, %scan3A_30 : i32
      %scan3A_32 = arith.constant 1 : i32
      scf.for %scan3A_41 = %scan3A_29 to %scan3A_31 step %scan3A_32  : i32 {
        %shift_right_arithmetic3A = arith.constant 1 : i32
        %shift_right_arithmetic3A_42 = arith.shrsi %scan3A_41, %shift_right_arithmetic3A : i32
        %and3A = arith.constant 1 : i32
        %and3A_43 = arith.andi %scan3A_41, %and3A : i32
        %mul3A_44 = arith.constant 16 : i32
        %mul3A_45 = arith.muli %and3A_43, %mul3A_44 : i32
        %get3A = arith.index_cast %shift_right_arithmetic3A_42 : i32 to index
        %get3A_46 = arith.index_cast %mul3A_45 : i32 to index
        %get3A_47 = tpu.vector_load %arg6[%get3A, %get3A_46] {strides = array<i32>} : memref<64x32xi32, #tpu.memory_space<vmem>>, vector<16xi32>,
        %and3A_48 = arith.constant 255 : i32
        %and3A_49 = vector.broadcast %and3A_48 : i32 to vector<16xi32>
        %and3A_50 = arith.andi %get3A_47, %and3A_49 : vector<16xi32>
        %shift_right_logical3A = arith.constant 8 : i32
        %shift_right_logical3A_51 = vector.broadcast %shift_right_logical3A : i32 to vector<16xi32>
        %shift_right_logical3A_52 = arith.shrui %get3A_47, %shift_right_logical3A_51 : vector<16xi32>
        %broadcast_in_dim3A_53 = arith.constant 1 : i32
        %broadcast_in_dim3A_54 = vector.broadcast %broadcast_in_dim3A_53 : i32 to vector<16xi32>
        %mul3A_55 = arith.constant 8 : i32
        %mul3A_56 = vector.broadcast %mul3A_55 : i32 to vector<16xi32>
        %mul3A_57 = arith.muli %shift_right_logical3A_52, %mul3A_56 : vector<16xi32>
        %shift_left3A = arith.shli %broadcast_in_dim3A_54, %mul3A_57 : vector<16xi32>
        %broadcast_in_dim3A_58 = vector.broadcast %shift_right_arithmetic3A_42 : i32 to vector<16xi32>
        tpu.vector_store_idx %arg7[%broadcast_in_dim3A_58, %and3A_50], %shift_left3A {add = true} : memref<64x256xi32, #tpu.memory_space<vmem>>[vector<16xi32>, vector<16xi32>], vector<16xi32>,
      }
      %scan3A_33 = arith.constant 128 : i32
      "tpu.region"() ({
        %run_scoped3A = tpu.sem_alloc : memref<!tpu.dma_semaphore, #tpu.memory_space<semaphore_mem>>
        %dma_start3A = arith.constant 0 : i32
        %dma_start3A_41 = tpu.memref_slice %arg4[%add3A_27, %dma_start3A] : memref<4096x256xi32, #tpu.memory_space<hbm>> -> memref<64x256xi32, #tpu.memory_space<hbm>>
        %dma_start3A_42 = arith.constant 0 : i32
        %dma_start3A_43 = tpu.memref_slice %arg4[%add3A_27, %dma_start3A_42] : memref<4096x256xi32, #tpu.memory_space<hbm>> -> memref<64x256xi32, #tpu.memory_space<hbm>>
        tpu.enqueue_dma source(%arg7 : memref<64x256xi32, #tpu.memory_space<vmem>>) target(%dma_start3A_43 : memref<64x256xi32, #tpu.memory_space<hbm>>) target_semaphore(%run_scoped3A : memref<!tpu.dma_semaphore, #tpu.memory_space<semaphore_mem>>)
        %dma_wait3A = arith.constant 0 : i32
        %dma_wait3A_44 = tpu.memref_slice %arg4[%add3A_27, %dma_wait3A] : memref<4096x256xi32, #tpu.memory_space<hbm>> -> memref<64x256xi32, #tpu.memory_space<hbm>>
        %dma_wait3A_45 = arith.constant 0 : i32
        %dma_wait3A_46 = tpu.memref_slice %arg4[%add3A_27, %dma_wait3A_45] : memref<4096x256xi32, #tpu.memory_space<hbm>> -> memref<64x256xi32, #tpu.memory_space<hbm>>
        tpu.wait_dma2 semaphore(%run_scoped3A : memref<!tpu.dma_semaphore, #tpu.memory_space<semaphore_mem>>) src(%arg7 : memref<64x256xi32, #tpu.memory_space<vmem>>) dst(%dma_wait3A_46 : memref<64x256xi32, #tpu.memory_space<hbm>>)
        tpu.yield
      }) : () -> ()
      %scan3A_34 = arith.constant 0 : i32
      %scan3A_35 = arith.constant 0 : i32
      %scan3A_36 = arith.constant 128 : i32
      %scan3A_37 = arith.addi %scan3A_35, %scan3A_36 : i32
      %scan3A_38 = arith.constant 1 : i32
      scf.for %scan3A_41 = %scan3A_35 to %scan3A_37 step %scan3A_38  : i32 {
        %shift_right_arithmetic3A = arith.constant 1 : i32
        %shift_right_arithmetic3A_42 = arith.shrsi %scan3A_41, %shift_right_arithmetic3A : i32
        %and3A = arith.constant 1 : i32
        %and3A_43 = arith.andi %scan3A_41, %and3A : i32
        %mul3A_44 = arith.constant 16 : i32
        %mul3A_45 = arith.muli %and3A_43, %mul3A_44 : i32
        %get3A = arith.index_cast %shift_right_arithmetic3A_42 : i32 to index
        %get3A_46 = arith.index_cast %mul3A_45 : i32 to index
        %get3A_47 = tpu.vector_load %arg6[%get3A, %get3A_46] {strides = array<i32>} : memref<64x32xi32, #tpu.memory_space<vmem>>, vector<16xi32>,
        %and3A_48 = arith.constant 255 : i32
        %and3A_49 = vector.broadcast %and3A_48 : i32 to vector<16xi32>
        %and3A_50 = arith.andi %get3A_47, %and3A_49 : vector<16xi32>
        %shift_right_logical3A = arith.constant 8 : i32
        %shift_right_logical3A_51 = vector.broadcast %shift_right_logical3A : i32 to vector<16xi32>
        %shift_right_logical3A_52 = arith.shrui %get3A_47, %shift_right_logical3A_51 : vector<16xi32>
        %broadcast_in_dim3A_53 = arith.constant -1 : i32
        %broadcast_in_dim3A_54 = vector.broadcast %broadcast_in_dim3A_53 : i32 to vector<16xi32>
        %mul3A_55 = arith.constant 8 : i32
        %mul3A_56 = vector.broadcast %mul3A_55 : i32 to vector<16xi32>
        %mul3A_57 = arith.muli %shift_right_logical3A_52, %mul3A_56 : vector<16xi32>
        %shift_left3A = arith.shli %broadcast_in_dim3A_54, %mul3A_57 : vector<16xi32>
        %broadcast_in_dim3A_58 = vector.broadcast %shift_right_arithmetic3A_42 : i32 to vector<16xi32>
        tpu.vector_store_idx %arg7[%broadcast_in_dim3A_58, %and3A_50], %shift_left3A {add = true} : memref<64x256xi32, #tpu.memory_space<vmem>>[vector<16xi32>, vector<16xi32>], vector<16xi32>,
      }
      %scan3A_39 = arith.constant 128 : i32
      %scan3A_40 = arith.constant 0 : i32
      scf.yield %scan3A_40 : i32
    }
    %scan3A_15 = arith.constant 2 : i32
    %scan3A_16 = arith.constant 0 : i32
    %scan3A_17 = arith.constant 0 : i32
    %scan3A_18 = arith.constant 2 : i32
    %scan3A_19 = arith.addi %scan3A_17, %scan3A_18 : i32
    %scan3A_20 = arith.constant 1 : i32
    %scan3A_21 = scf.for %scan3A_23 = %scan3A_17 to %scan3A_19 step %scan3A_20 iter_args(%scan3A_24 = %scan3A_16) -> (i32)  : i32 {
      %mul3A_25 = arith.constant 64 : i32
      %mul3A_26 = arith.muli %scan3A_23, %mul3A_25 : i32
      %add3A_27 = arith.addi %mul3A_2, %mul3A_26 : i32
      "tpu.region"() ({
        %run_scoped3A = tpu.sem_alloc : memref<!tpu.dma_semaphore, #tpu.memory_space<semaphore_mem>>
        %dma_start3A = arith.constant 0 : i32
        %dma_start3A_41 = tpu.memref_slice %arg3[%add3A_27, %dma_start3A] : memref<4096x32xi32, #tpu.memory_space<hbm>> -> memref<64x32xi32, #tpu.memory_space<hbm>>
        %dma_start3A_42 = arith.constant 0 : i32
        %dma_start3A_43 = tpu.memref_slice %arg3[%add3A_27, %dma_start3A_42] : memref<4096x32xi32, #tpu.memory_space<hbm>> -> memref<64x32xi32, #tpu.memory_space<hbm>>
        tpu.enqueue_dma source(%dma_start3A_43 : memref<64x32xi32, #tpu.memory_space<hbm>>) target(%arg6 : memref<64x32xi32, #tpu.memory_space<vmem>>) target_semaphore(%run_scoped3A : memref<!tpu.dma_semaphore, #tpu.memory_space<semaphore_mem>>)
        %dma_wait3A = arith.constant 0 : i32
        %dma_wait3A_44 = tpu.memref_slice %arg3[%add3A_27, %dma_wait3A] : memref<4096x32xi32, #tpu.memory_space<hbm>> -> memref<64x32xi32, #tpu.memory_space<hbm>>
        %dma_wait3A_45 = arith.constant 0 : i32
        %dma_wait3A_46 = tpu.memref_slice %arg3[%add3A_27, %dma_wait3A_45] : memref<4096x32xi32, #tpu.memory_space<hbm>> -> memref<64x32xi32, #tpu.memory_space<hbm>>
        tpu.wait_dma2 semaphore(%run_scoped3A : memref<!tpu.dma_semaphore, #tpu.memory_space<semaphore_mem>>) src(%dma_wait3A_46 : memref<64x32xi32, #tpu.memory_space<hbm>>) dst(%arg6 : memref<64x32xi32, #tpu.memory_space<vmem>>)
        tpu.yield
      }) : () -> ()
      %scan3A_28 = arith.constant 0 : i32
      %scan3A_29 = arith.constant 0 : i32
      %scan3A_30 = arith.constant 128 : i32
      %scan3A_31 = arith.addi %scan3A_29, %scan3A_30 : i32
      %scan3A_32 = arith.constant 1 : i32
      scf.for %scan3A_41 = %scan3A_29 to %scan3A_31 step %scan3A_32  : i32 {
        %shift_right_arithmetic3A = arith.constant 1 : i32
        %shift_right_arithmetic3A_42 = arith.shrsi %scan3A_41, %shift_right_arithmetic3A : i32
        %and3A = arith.constant 1 : i32
        %and3A_43 = arith.andi %scan3A_41, %and3A : i32
        %mul3A_44 = arith.constant 16 : i32
        %mul3A_45 = arith.muli %and3A_43, %mul3A_44 : i32
        %get3A = arith.index_cast %shift_right_arithmetic3A_42 : i32 to index
        %get3A_46 = arith.index_cast %mul3A_45 : i32 to index
        %get3A_47 = tpu.vector_load %arg6[%get3A, %get3A_46] {strides = array<i32>} : memref<64x32xi32, #tpu.memory_space<vmem>>, vector<16xi32>,
        %and3A_48 = arith.constant 255 : i32
        %and3A_49 = vector.broadcast %and3A_48 : i32 to vector<16xi32>
        %and3A_50 = arith.andi %get3A_47, %and3A_49 : vector<16xi32>
        %shift_right_logical3A = arith.constant 8 : i32
        %shift_right_logical3A_51 = vector.broadcast %shift_right_logical3A : i32 to vector<16xi32>
        %shift_right_logical3A_52 = arith.shrui %get3A_47, %shift_right_logical3A_51 : vector<16xi32>
        %broadcast_in_dim3A_53 = arith.constant 1 : i32
        %broadcast_in_dim3A_54 = vector.broadcast %broadcast_in_dim3A_53 : i32 to vector<16xi32>
        %mul3A_55 = arith.constant 8 : i32
        %mul3A_56 = vector.broadcast %mul3A_55 : i32 to vector<16xi32>
        %mul3A_57 = arith.muli %shift_right_logical3A_52, %mul3A_56 : vector<16xi32>
        %shift_left3A = arith.shli %broadcast_in_dim3A_54, %mul3A_57 : vector<16xi32>
        %broadcast_in_dim3A_58 = vector.broadcast %shift_right_arithmetic3A_42 : i32 to vector<16xi32>
        tpu.vector_store_idx %arg7[%broadcast_in_dim3A_58, %and3A_50], %shift_left3A {add = true} : memref<64x256xi32, #tpu.memory_space<vmem>>[vector<16xi32>, vector<16xi32>], vector<16xi32>,
      }
      %scan3A_33 = arith.constant 128 : i32
      "tpu.region"() ({
        %run_scoped3A = tpu.sem_alloc : memref<!tpu.dma_semaphore, #tpu.memory_space<semaphore_mem>>
        %dma_start3A = arith.constant 0 : i32
        %dma_start3A_41 = tpu.memref_slice %arg5[%add3A_27, %dma_start3A] : memref<4096x256xi32, #tpu.memory_space<hbm>> -> memref<64x256xi32, #tpu.memory_space<hbm>>
        %dma_start3A_42 = arith.constant 0 : i32
        %dma_start3A_43 = tpu.memref_slice %arg5[%add3A_27, %dma_start3A_42] : memref<4096x256xi32, #tpu.memory_space<hbm>> -> memref<64x256xi32, #tpu.memory_space<hbm>>
        tpu.enqueue_dma source(%arg7 : memref<64x256xi32, #tpu.memory_space<vmem>>) target(%dma_start3A_43 : memref<64x256xi32, #tpu.memory_space<hbm>>) target_semaphore(%run_scoped3A : memref<!tpu.dma_semaphore, #tpu.memory_space<semaphore_mem>>)
        %dma_wait3A = arith.constant 0 : i32
        %dma_wait3A_44 = tpu.memref_slice %arg5[%add3A_27, %dma_wait3A] : memref<4096x256xi32, #tpu.memory_space<hbm>> -> memref<64x256xi32, #tpu.memory_space<hbm>>
        %dma_wait3A_45 = arith.constant 0 : i32
        %dma_wait3A_46 = tpu.memref_slice %arg5[%add3A_27, %dma_wait3A_45] : memref<4096x256xi32, #tpu.memory_space<hbm>> -> memref<64x256xi32, #tpu.memory_space<hbm>>
        tpu.wait_dma2 semaphore(%run_scoped3A : memref<!tpu.dma_semaphore, #tpu.memory_space<semaphore_mem>>) src(%arg7 : memref<64x256xi32, #tpu.memory_space<vmem>>) dst(%dma_wait3A_46 : memref<64x256xi32, #tpu.memory_space<hbm>>)
        tpu.yield
      }) : () -> ()
      %scan3A_34 = arith.constant 0 : i32
      %scan3A_35 = arith.constant 0 : i32
      %scan3A_36 = arith.constant 128 : i32
      %scan3A_37 = arith.addi %scan3A_35, %scan3A_36 : i32
      %scan3A_38 = arith.constant 1 : i32
      scf.for %scan3A_41 = %scan3A_35 to %scan3A_37 step %scan3A_38  : i32 {
        %shift_right_arithmetic3A = arith.constant 1 : i32
        %shift_right_arithmetic3A_42 = arith.shrsi %scan3A_41, %shift_right_arithmetic3A : i32
        %and3A = arith.constant 1 : i32
        %and3A_43 = arith.andi %scan3A_41, %and3A : i32
        %mul3A_44 = arith.constant 16 : i32
        %mul3A_45 = arith.muli %and3A_43, %mul3A_44 : i32
        %get3A = arith.index_cast %shift_right_arithmetic3A_42 : i32 to index
        %get3A_46 = arith.index_cast %mul3A_45 : i32 to index
        %get3A_47 = tpu.vector_load %arg6[%get3A, %get3A_46] {strides = array<i32>} : memref<64x32xi32, #tpu.memory_space<vmem>>, vector<16xi32>,
        %and3A_48 = arith.constant 255 : i32
        %and3A_49 = vector.broadcast %and3A_48 : i32 to vector<16xi32>
        %and3A_50 = arith.andi %get3A_47, %and3A_49 : vector<16xi32>
        %shift_right_logical3A = arith.constant 8 : i32
        %shift_right_logical3A_51 = vector.broadcast %shift_right_logical3A : i32 to vector<16xi32>
        %shift_right_logical3A_52 = arith.shrui %get3A_47, %shift_right_logical3A_51 : vector<16xi32>
        %broadcast_in_dim3A_53 = arith.constant -1 : i32
        %broadcast_in_dim3A_54 = vector.broadcast %broadcast_in_dim3A_53 : i32 to vector<16xi32>
        %mul3A_55 = arith.constant 8 : i32
        %mul3A_56 = vector.broadcast %mul3A_55 : i32 to vector<16xi32>
        %mul3A_57 = arith.muli %shift_right_logical3A_52, %mul3A_56 : vector<16xi32>
        %shift_left3A = arith.shli %broadcast_in_dim3A_54, %mul3A_57 : vector<16xi32>
        %broadcast_in_dim3A_58 = vector.broadcast %shift_right_arithmetic3A_42 : i32 to vector<16xi32>
        tpu.vector_store_idx %arg7[%broadcast_in_dim3A_58, %and3A_50], %shift_left3A {add = true} : memref<64x256xi32, #tpu.memory_space<vmem>>[vector<16xi32>, vector<16xi32>], vector<16xi32>,
      }
      %scan3A_39 = arith.constant 128 : i32
      %scan3A_40 = arith.constant 0 : i32
      scf.yield %scan3A_40 : i32
    }
    %scan3A_22 = arith.constant 2 : i32
    return
  }
}

#map = affine_map<(d0, d1) -> (0, 0)>
module attributes {stable_mosaic.version = 14 : i64} {
  func.func @_sc_counts_body(%arg0: i32, %arg1: i32, %arg2: memref<4096x32xi32, #tpu.memory_space<hbm>>, %arg3: memref<4096x32xi32, #tpu.memory_space<hbm>>, %arg4: memref<4096x256xi32, #tpu.memory_space<hbm>>, %arg5: memref<4096x256xi32, #tpu.memory_space<hbm>>, %arg6: memref<64x32xi32, #tpu.memory_space<vmem>>, %arg7: memref<64x256xi32, #tpu.memory_space<vmem>>) attributes {dimension_semantics = [#tpu.dimension_semantics<core_parallel>, #tpu.dimension_semantics<subcore_parallel>], iteration_bounds = array<i64: 2, 16>, scalar_prefetch = 0 : i64, scratch_operands = 2 : i64, tpu.core_type = #tpu.core_type<sc_vector_subcore>, window_params = [{transform_indices = #map}, {transform_indices = #map}, {transform_indices = #map}, {transform_indices = #map}]} {
    %mul3A = arith.constant 2 : i32
    %mul3A_0 = arith.muli %arg1, %mul3A : i32
    %add3A = arith.addi %mul3A_0, %arg0 : i32
    %mul3A_1 = arith.constant 128 : i32
    %mul3A_2 = arith.muli %add3A, %mul3A_1 : i32
    %broadcast_in_dim3A = arith.constant 0 : i32
    %broadcast_in_dim3A_3 = vector.broadcast %broadcast_in_dim3A : i32 to vector<16xi32>
    %scan3A = arith.constant 0 : i32
    %scan3A_4 = arith.constant 0 : i32
    %scan3A_5 = arith.constant 64 : i32
    %scan3A_6 = arith.addi %scan3A_4, %scan3A_5 : i32
    %scan3A_7 = arith.constant 1 : i32
    scf.for %scan3A_23 = %scan3A_4 to %scan3A_6 step %scan3A_7  : i32 {
      %scan3A_24 = arith.constant 0 : i32
      %scan3A_25 = arith.constant 16 : i32
      %scan3A_26 = arith.addi %scan3A_24, %scan3A_25 : i32
      %scan3A_27 = arith.constant 1 : i32
      scf.for %scan3A_29 = %scan3A_24 to %scan3A_26 step %scan3A_27  : i32 {
        %mul3A_30 = arith.constant 16 : i32
        %mul3A_31 = arith.muli %scan3A_29, %mul3A_30 : i32
        %swap3A = arith.index_cast %scan3A_23 : i32 to index
        %swap3A_32 = arith.index_cast %mul3A_31 : i32 to index
        %swap3A_33 = tpu.vector_load %arg7[%swap3A, %swap3A_32] {strides = array<i32>} : memref<64x256xi32, #tpu.memory_space<vmem>>, vector<16xi32>,
        tpu.vector_store %arg7[%swap3A, %swap3A_32], %broadcast_in_dim3A_3 {strides = array<i32>} : memref<64x256xi32, #tpu.memory_space<vmem>>, vector<16xi32>,
      }
      %scan3A_28 = arith.constant 16 : i32
    }
    %scan3A_8 = arith.constant 64 : i32
    %scan3A_9 = arith.constant 0 : i32
    %scan3A_10 = arith.constant 0 : i32
    %scan3A_11 = arith.constant 2 : i32
    %scan3A_12 = arith.addi %scan3A_10, %scan3A_11 : i32
    %scan3A_13 = arith.constant 1 : i32
    %scan3A_14 = scf.for %scan3A_23 = %scan3A_10 to %scan3A_12 step %scan3A_13 iter_args(%scan3A_24 = %scan3A_9) -> (i32)  : i32 {
      %mul3A_25 = arith.constant 64 : i32
      %mul3A_26 = arith.muli %scan3A_23, %mul3A_25 : i32
      %add3A_27 = arith.addi %mul3A_2, %mul3A_26 : i32
      "tpu.region"() ({
        %run_scoped3A = tpu.sem_alloc : memref<!tpu.dma_semaphore, #tpu.memory_space<semaphore_mem>>
        %dma_start3A = arith.constant 0 : i32
        %dma_start3A_41 = tpu.memref_slice %arg2[%add3A_27, %dma_start3A] : memref<4096x32xi32, #tpu.memory_space<hbm>> -> memref<64x32xi32, #tpu.memory_space<hbm>>
        %dma_start3A_42 = arith.constant 0 : i32
        %dma_start3A_43 = tpu.memref_slice %arg2[%add3A_27, %dma_start3A_42] : memref<4096x32xi32, #tpu.memory_space<hbm>> -> memref<64x32xi32, #tpu.memory_space<hbm>>
        tpu.enqueue_dma source(%dma_start3A_43 : memref<64x32xi32, #tpu.memory_space<hbm>>) target(%arg6 : memref<64x32xi32, #tpu.memory_space<vmem>>) target_semaphore(%run_scoped3A : memref<!tpu.dma_semaphore, #tpu.memory_space<semaphore_mem>>)
        %dma_wait3A = arith.constant 0 : i32
        %dma_wait3A_44 = tpu.memref_slice %arg2[%add3A_27, %dma_wait3A] : memref<4096x32xi32, #tpu.memory_space<hbm>> -> memref<64x32xi32, #tpu.memory_space<hbm>>
        %dma_wait3A_45 = arith.constant 0 : i32
        %dma_wait3A_46 = tpu.memref_slice %arg2[%add3A_27, %dma_wait3A_45] : memref<4096x32xi32, #tpu.memory_space<hbm>> -> memref<64x32xi32, #tpu.memory_space<hbm>>
        tpu.wait_dma2 semaphore(%run_scoped3A : memref<!tpu.dma_semaphore, #tpu.memory_space<semaphore_mem>>) src(%dma_wait3A_46 : memref<64x32xi32, #tpu.memory_space<hbm>>) dst(%arg6 : memref<64x32xi32, #tpu.memory_space<vmem>>)
        tpu.yield
      }) : () -> ()
      %scan3A_28 = arith.constant 0 : i32
      %scan3A_29 = arith.constant 0 : i32
      %scan3A_30 = arith.constant 128 : i32
      %scan3A_31 = arith.addi %scan3A_29, %scan3A_30 : i32
      %scan3A_32 = arith.constant 1 : i32
      scf.for %scan3A_41 = %scan3A_29 to %scan3A_31 step %scan3A_32  : i32 {
        %shift_right_arithmetic3A = arith.constant 1 : i32
        %shift_right_arithmetic3A_42 = arith.shrsi %scan3A_41, %shift_right_arithmetic3A : i32
        %and3A = arith.constant 1 : i32
        %and3A_43 = arith.andi %scan3A_41, %and3A : i32
        %mul3A_44 = arith.constant 16 : i32
        %mul3A_45 = arith.muli %and3A_43, %mul3A_44 : i32
        %get3A = arith.index_cast %shift_right_arithmetic3A_42 : i32 to index
        %get3A_46 = arith.index_cast %mul3A_45 : i32 to index
        %get3A_47 = tpu.vector_load %arg6[%get3A, %get3A_46] {strides = array<i32>} : memref<64x32xi32, #tpu.memory_space<vmem>>, vector<16xi32>,
        %and3A_48 = arith.constant 255 : i32
        %and3A_49 = vector.broadcast %and3A_48 : i32 to vector<16xi32>
        %and3A_50 = arith.andi %get3A_47, %and3A_49 : vector<16xi32>
        %shift_right_logical3A = arith.constant 8 : i32
        %shift_right_logical3A_51 = vector.broadcast %shift_right_logical3A : i32 to vector<16xi32>
        %shift_right_logical3A_52 = arith.shrui %get3A_47, %shift_right_logical3A_51 : vector<16xi32>
        %broadcast_in_dim3A_53 = arith.constant 1 : i32
        %broadcast_in_dim3A_54 = vector.broadcast %broadcast_in_dim3A_53 : i32 to vector<16xi32>
        %mul3A_55 = arith.constant 8 : i32
        %mul3A_56 = vector.broadcast %mul3A_55 : i32 to vector<16xi32>
        %mul3A_57 = arith.muli %shift_right_logical3A_52, %mul3A_56 : vector<16xi32>
        %shift_left3A = arith.shli %broadcast_in_dim3A_54, %mul3A_57 : vector<16xi32>
        %broadcast_in_dim3A_58 = vector.broadcast %shift_right_arithmetic3A_42 : i32 to vector<16xi32>
        tpu.vector_store_idx %arg7[%broadcast_in_dim3A_58, %and3A_50], %shift_left3A {add = true} : memref<64x256xi32, #tpu.memory_space<vmem>>[vector<16xi32>, vector<16xi32>], vector<16xi32>,
      }
      %scan3A_33 = arith.constant 128 : i32
      "tpu.region"() ({
        %run_scoped3A = tpu.sem_alloc : memref<!tpu.dma_semaphore, #tpu.memory_space<semaphore_mem>>
        %dma_start3A = arith.constant 0 : i32
        %dma_start3A_41 = tpu.memref_slice %arg4[%add3A_27, %dma_start3A] : memref<4096x256xi32, #tpu.memory_space<hbm>> -> memref<64x256xi32, #tpu.memory_space<hbm>>
        %dma_start3A_42 = arith.constant 0 : i32
        %dma_start3A_43 = tpu.memref_slice %arg4[%add3A_27, %dma_start3A_42] : memref<4096x256xi32, #tpu.memory_space<hbm>> -> memref<64x256xi32, #tpu.memory_space<hbm>>
        tpu.enqueue_dma source(%arg7 : memref<64x256xi32, #tpu.memory_space<vmem>>) target(%dma_start3A_43 : memref<64x256xi32, #tpu.memory_space<hbm>>) target_semaphore(%run_scoped3A : memref<!tpu.dma_semaphore, #tpu.memory_space<semaphore_mem>>)
        %dma_wait3A = arith.constant 0 : i32
        %dma_wait3A_44 = tpu.memref_slice %arg4[%add3A_27, %dma_wait3A] : memref<4096x256xi32, #tpu.memory_space<hbm>> -> memref<64x256xi32, #tpu.memory_space<hbm>>
        %dma_wait3A_45 = arith.constant 0 : i32
        %dma_wait3A_46 = tpu.memref_slice %arg4[%add3A_27, %dma_wait3A_45] : memref<4096x256xi32, #tpu.memory_space<hbm>> -> memref<64x256xi32, #tpu.memory_space<hbm>>
        tpu.wait_dma2 semaphore(%run_scoped3A : memref<!tpu.dma_semaphore, #tpu.memory_space<semaphore_mem>>) src(%arg7 : memref<64x256xi32, #tpu.memory_space<vmem>>) dst(%dma_wait3A_46 : memref<64x256xi32, #tpu.memory_space<hbm>>)
        tpu.yield
      }) : () -> ()
      %scan3A_34 = arith.constant 0 : i32
      %scan3A_35 = arith.constant 0 : i32
      %scan3A_36 = arith.constant 128 : i32
      %scan3A_37 = arith.addi %scan3A_35, %scan3A_36 : i32
      %scan3A_38 = arith.constant 1 : i32
      scf.for %scan3A_41 = %scan3A_35 to %scan3A_37 step %scan3A_38  : i32 {
        %shift_right_arithmetic3A = arith.constant 1 : i32
        %shift_right_arithmetic3A_42 = arith.shrsi %scan3A_41, %shift_right_arithmetic3A : i32
        %and3A = arith.constant 1 : i32
        %and3A_43 = arith.andi %scan3A_41, %and3A : i32
        %mul3A_44 = arith.constant 16 : i32
        %mul3A_45 = arith.muli %and3A_43, %mul3A_44 : i32
        %get3A = arith.index_cast %shift_right_arithmetic3A_42 : i32 to index
        %get3A_46 = arith.index_cast %mul3A_45 : i32 to index
        %get3A_47 = tpu.vector_load %arg6[%get3A, %get3A_46] {strides = array<i32>} : memref<64x32xi32, #tpu.memory_space<vmem>>, vector<16xi32>,
        %and3A_48 = arith.constant 255 : i32
        %and3A_49 = vector.broadcast %and3A_48 : i32 to vector<16xi32>
        %and3A_50 = arith.andi %get3A_47, %and3A_49 : vector<16xi32>
        %shift_right_logical3A = arith.constant 8 : i32
        %shift_right_logical3A_51 = vector.broadcast %shift_right_logical3A : i32 to vector<16xi32>
        %shift_right_logical3A_52 = arith.shrui %get3A_47, %shift_right_logical3A_51 : vector<16xi32>
        %broadcast_in_dim3A_53 = arith.constant -1 : i32
        %broadcast_in_dim3A_54 = vector.broadcast %broadcast_in_dim3A_53 : i32 to vector<16xi32>
        %mul3A_55 = arith.constant 8 : i32
        %mul3A_56 = vector.broadcast %mul3A_55 : i32 to vector<16xi32>
        %mul3A_57 = arith.muli %shift_right_logical3A_52, %mul3A_56 : vector<16xi32>
        %shift_left3A = arith.shli %broadcast_in_dim3A_54, %mul3A_57 : vector<16xi32>
        %broadcast_in_dim3A_58 = vector.broadcast %shift_right_arithmetic3A_42 : i32 to vector<16xi32>
        tpu.vector_store_idx %arg7[%broadcast_in_dim3A_58, %and3A_50], %shift_left3A {add = true} : memref<64x256xi32, #tpu.memory_space<vmem>>[vector<16xi32>, vector<16xi32>], vector<16xi32>,
      }
      %scan3A_39 = arith.constant 128 : i32
      %scan3A_40 = arith.constant 0 : i32
      scf.yield %scan3A_40 : i32
    }
    %scan3A_15 = arith.constant 2 : i32
    %scan3A_16 = arith.constant 0 : i32
    %scan3A_17 = arith.constant 0 : i32
    %scan3A_18 = arith.constant 2 : i32
    %scan3A_19 = arith.addi %scan3A_17, %scan3A_18 : i32
    %scan3A_20 = arith.constant 1 : i32
    %scan3A_21 = scf.for %scan3A_23 = %scan3A_17 to %scan3A_19 step %scan3A_20 iter_args(%scan3A_24 = %scan3A_16) -> (i32)  : i32 {
      %mul3A_25 = arith.constant 64 : i32
      %mul3A_26 = arith.muli %scan3A_23, %mul3A_25 : i32
      %add3A_27 = arith.addi %mul3A_2, %mul3A_26 : i32
      "tpu.region"() ({
        %run_scoped3A = tpu.sem_alloc : memref<!tpu.dma_semaphore, #tpu.memory_space<semaphore_mem>>
        %dma_start3A = arith.constant 0 : i32
        %dma_start3A_41 = tpu.memref_slice %arg3[%add3A_27, %dma_start3A] : memref<4096x32xi32, #tpu.memory_space<hbm>> -> memref<64x32xi32, #tpu.memory_space<hbm>>
        %dma_start3A_42 = arith.constant 0 : i32
        %dma_start3A_43 = tpu.memref_slice %arg3[%add3A_27, %dma_start3A_42] : memref<4096x32xi32, #tpu.memory_space<hbm>> -> memref<64x32xi32, #tpu.memory_space<hbm>>
        tpu.enqueue_dma source(%dma_start3A_43 : memref<64x32xi32, #tpu.memory_space<hbm>>) target(%arg6 : memref<64x32xi32, #tpu.memory_space<vmem>>) target_semaphore(%run_scoped3A : memref<!tpu.dma_semaphore, #tpu.memory_space<semaphore_mem>>)
        %dma_wait3A = arith.constant 0 : i32
        %dma_wait3A_44 = tpu.memref_slice %arg3[%add3A_27, %dma_wait3A] : memref<4096x32xi32, #tpu.memory_space<hbm>> -> memref<64x32xi32, #tpu.memory_space<hbm>>
        %dma_wait3A_45 = arith.constant 0 : i32
        %dma_wait3A_46 = tpu.memref_slice %arg3[%add3A_27, %dma_wait3A_45] : memref<4096x32xi32, #tpu.memory_space<hbm>> -> memref<64x32xi32, #tpu.memory_space<hbm>>
        tpu.wait_dma2 semaphore(%run_scoped3A : memref<!tpu.dma_semaphore, #tpu.memory_space<semaphore_mem>>) src(%dma_wait3A_46 : memref<64x32xi32, #tpu.memory_space<hbm>>) dst(%arg6 : memref<64x32xi32, #tpu.memory_space<vmem>>)
        tpu.yield
      }) : () -> ()
      %scan3A_28 = arith.constant 0 : i32
      %scan3A_29 = arith.constant 0 : i32
      %scan3A_30 = arith.constant 128 : i32
      %scan3A_31 = arith.addi %scan3A_29, %scan3A_30 : i32
      %scan3A_32 = arith.constant 1 : i32
      scf.for %scan3A_41 = %scan3A_29 to %scan3A_31 step %scan3A_32  : i32 {
        %shift_right_arithmetic3A = arith.constant 1 : i32
        %shift_right_arithmetic3A_42 = arith.shrsi %scan3A_41, %shift_right_arithmetic3A : i32
        %and3A = arith.constant 1 : i32
        %and3A_43 = arith.andi %scan3A_41, %and3A : i32
        %mul3A_44 = arith.constant 16 : i32
        %mul3A_45 = arith.muli %and3A_43, %mul3A_44 : i32
        %get3A = arith.index_cast %shift_right_arithmetic3A_42 : i32 to index
        %get3A_46 = arith.index_cast %mul3A_45 : i32 to index
        %get3A_47 = tpu.vector_load %arg6[%get3A, %get3A_46] {strides = array<i32>} : memref<64x32xi32, #tpu.memory_space<vmem>>, vector<16xi32>,
        %and3A_48 = arith.constant 255 : i32
        %and3A_49 = vector.broadcast %and3A_48 : i32 to vector<16xi32>
        %and3A_50 = arith.andi %get3A_47, %and3A_49 : vector<16xi32>
        %shift_right_logical3A = arith.constant 8 : i32
        %shift_right_logical3A_51 = vector.broadcast %shift_right_logical3A : i32 to vector<16xi32>
        %shift_right_logical3A_52 = arith.shrui %get3A_47, %shift_right_logical3A_51 : vector<16xi32>
        %broadcast_in_dim3A_53 = arith.constant 1 : i32
        %broadcast_in_dim3A_54 = vector.broadcast %broadcast_in_dim3A_53 : i32 to vector<16xi32>
        %mul3A_55 = arith.constant 8 : i32
        %mul3A_56 = vector.broadcast %mul3A_55 : i32 to vector<16xi32>
        %mul3A_57 = arith.muli %shift_right_logical3A_52, %mul3A_56 : vector<16xi32>
        %shift_left3A = arith.shli %broadcast_in_dim3A_54, %mul3A_57 : vector<16xi32>
        %broadcast_in_dim3A_58 = vector.broadcast %shift_right_arithmetic3A_42 : i32 to vector<16xi32>
        tpu.vector_store_idx %arg7[%broadcast_in_dim3A_58, %and3A_50], %shift_left3A {add = true} : memref<64x256xi32, #tpu.memory_space<vmem>>[vector<16xi32>, vector<16xi32>], vector<16xi32>,
      }
      %scan3A_33 = arith.constant 128 : i32
      "tpu.region"() ({
        %run_scoped3A = tpu.sem_alloc : memref<!tpu.dma_semaphore, #tpu.memory_space<semaphore_mem>>
        %dma_start3A = arith.constant 0 : i32
        %dma_start3A_41 = tpu.memref_slice %arg5[%add3A_27, %dma_start3A] : memref<4096x256xi32, #tpu.memory_space<hbm>> -> memref<64x256xi32, #tpu.memory_space<hbm>>
        %dma_start3A_42 = arith.constant 0 : i32
        %dma_start3A_43 = tpu.memref_slice %arg5[%add3A_27, %dma_start3A_42] : memref<4096x256xi32, #tpu.memory_space<hbm>> -> memref<64x256xi32, #tpu.memory_space<hbm>>
        tpu.enqueue_dma source(%arg7 : memref<64x256xi32, #tpu.memory_space<vmem>>) target(%dma_start3A_43 : memref<64x256xi32, #tpu.memory_space<hbm>>) target_semaphore(%run_scoped3A : memref<!tpu.dma_semaphore, #tpu.memory_space<semaphore_mem>>)
        %dma_wait3A = arith.constant 0 : i32
        %dma_wait3A_44 = tpu.memref_slice %arg5[%add3A_27, %dma_wait3A] : memref<4096x256xi32, #tpu.memory_space<hbm>> -> memref<64x256xi32, #tpu.memory_space<hbm>>
        %dma_wait3A_45 = arith.constant 0 : i32
        %dma_wait3A_46 = tpu.memref_slice %arg5[%add3A_27, %dma_wait3A_45] : memref<4096x256xi32, #tpu.memory_space<hbm>> -> memref<64x256xi32, #tpu.memory_space<hbm>>
        tpu.wait_dma2 semaphore(%run_scoped3A : memref<!tpu.dma_semaphore, #tpu.memory_space<semaphore_mem>>) src(%arg7 : memref<64x256xi32, #tpu.memory_space<vmem>>) dst(%dma_wait3A_46 : memref<64x256xi32, #tpu.memory_space<hbm>>)
        tpu.yield
      }) : () -> ()
      %scan3A_34 = arith.constant 0 : i32
      %scan3A_35 = arith.constant 0 : i32
      %scan3A_36 = arith.constant 128 : i32
      %scan3A_37 = arith.addi %scan3A_35, %scan3A_36 : i32
      %scan3A_38 = arith.constant 1 : i32
      scf.for %scan3A_41 = %scan3A_35 to %scan3A_37 step %scan3A_38  : i32 {
        %shift_right_arithmetic3A = arith.constant 1 : i32
        %shift_right_arithmetic3A_42 = arith.shrsi %scan3A_41, %shift_right_arithmetic3A : i32
        %and3A = arith.constant 1 : i32
        %and3A_43 = arith.andi %scan3A_41, %and3A : i32
        %mul3A_44 = arith.constant 16 : i32
        %mul3A_45 = arith.muli %and3A_43, %mul3A_44 : i32
        %get3A = arith.index_cast %shift_right_arithmetic3A_42 : i32 to index
        %get3A_46 = arith.index_cast %mul3A_45 : i32 to index
        %get3A_47 = tpu.vector_load %arg6[%get3A, %get3A_46] {strides = array<i32>} : memref<64x32xi32, #tpu.memory_space<vmem>>, vector<16xi32>,
        %and3A_48 = arith.constant 255 : i32
        %and3A_49 = vector.broadcast %and3A_48 : i32 to vector<16xi32>
        %and3A_50 = arith.andi %get3A_47, %and3A_49 : vector<16xi32>
        %shift_right_logical3A = arith.constant 8 : i32
        %shift_right_logical3A_51 = vector.broadcast %shift_right_logical3A : i32 to vector<16xi32>
        %shift_right_logical3A_52 = arith.shrui %get3A_47, %shift_right_logical3A_51 : vector<16xi32>
        %broadcast_in_dim3A_53 = arith.constant -1 : i32
        %broadcast_in_dim3A_54 = vector.broadcast %broadcast_in_dim3A_53 : i32 to vector<16xi32>
        %mul3A_55 = arith.constant 8 : i32
        %mul3A_56 = vector.broadcast %mul3A_55 : i32 to vector<16xi32>
        %mul3A_57 = arith.muli %shift_right_logical3A_52, %mul3A_56 : vector<16xi32>
        %shift_left3A = arith.shli %broadcast_in_dim3A_54, %mul3A_57 : vector<16xi32>
        %broadcast_in_dim3A_58 = vector.broadcast %shift_right_arithmetic3A_42 : i32 to vector<16xi32>
        tpu.vector_store_idx %arg7[%broadcast_in_dim3A_58, %and3A_50], %shift_left3A {add = true} : memref<64x256xi32, #tpu.memory_space<vmem>>[vector<16xi32>, vector<16xi32>], vector<16xi32>,
      }
      %scan3A_39 = arith.constant 128 : i32
      %scan3A_40 = arith.constant 0 : i32
      scf.yield %scan3A_40 : i32
    }
    %scan3A_22 = arith.constant 2 : i32
    return
  }
}

module attributes {stable_mosaic.version = 14 : i64} {
  func.func @_tc_body(%arg0: i32, %arg1: memref<1024x256xi32, #tpu.memory_space<vmem>>, %arg2: memref<1024x256xi32, #tpu.memory_space<vmem>>, %arg3: memref<768x1024xbf16, #tpu.memory_space<vmem>>, %arg4: memref<1x1024xf32, #tpu.memory_space<vmem>>, %arg5: memref<8x2048xbf16, #tpu.memory_space<vmem>>, %arg6: memref<1x8xf32, #tpu.memory_space<vmem>>, %arg7: memref<1024x1xf32, #tpu.memory_space<vmem>>) attributes {dimension_semantics = [#tpu.dimension_semantics<arbitrary>], iteration_bounds = array<i64: 4>, scalar_prefetch = 0 : i64, scratch_operands = 0 : i64, tpu.core_type = #tpu.core_type<tc>, window_params = [{transform_indices = @transform_0, window_bounds = array<i64: 1024, 256>}, {transform_indices = @transform_1, window_bounds = array<i64: 1024, 256>}, {pipeline_mode = #tpu.pipeline_mode<synchronous>, transform_indices = @transform_2, window_bounds = array<i64: 768, 1024>}, {pipeline_mode = #tpu.pipeline_mode<synchronous>, transform_indices = @transform_3, window_bounds = array<i64: 1, 1024>}, {pipeline_mode = #tpu.pipeline_mode<synchronous>, transform_indices = @transform_4, window_bounds = array<i64: 8, 2048>}, {pipeline_mode = #tpu.pipeline_mode<synchronous>, transform_indices = @transform_5, window_bounds = array<i64: 1, 8>}, {transform_indices = @transform_6, window_bounds = array<i64: 1024, 1>}]} {
    %get3A = arith.constant 0 : index
    %get3A_0 = arith.constant 0 : index
    %get3A_1 = vector.load %arg3[%get3A, %get3A_0] : memref<768x1024xbf16, #tpu.memory_space<vmem>>, vector<768x1024xbf16>
    %get3A_2 = arith.constant 0 : index
    %get3A_3 = arith.constant 0 : index
    %get3A_4 = vector.load %arg1[%get3A_2, %get3A_3] : memref<1024x256xi32, #tpu.memory_space<vmem>>, vector<1024x256xi32>
    %get3A_5 = arith.constant 0 : index
    %get3A_6 = arith.constant 0 : index
    %get3A_7 = vector.load %arg2[%get3A_5, %get3A_6] : memref<1024x256xi32, #tpu.memory_space<vmem>>, vector<1024x256xi32>
    %get3A_8 = arith.constant 0 : index
    %get3A_9 = arith.constant 0 : index
    %get3A_10 = vector.load %arg4[%get3A_8, %get3A_9] : memref<1x1024xf32, #tpu.memory_space<vmem>>, vector<1x1024xf32>
    %and3A = arith.constant 255 : i32
    %and3A_11 = vector.broadcast %and3A : i32 to vector<1024x256xi32>
    %and3A_12 = arith.andi %get3A_4, %and3A_11 : vector<1024x256xi32>
    %convert_element_type3A = arith.sitofp %and3A_12 : vector<1024x256xi32> to vector<1024x256xbf16>
    %slice3A = vector.extract_strided_slice %get3A_1 {offsets = [0, 0], sizes = [256, 1024], strides = [1, 1]} : vector<768x1024xbf16> to vector<256x1024xbf16>
    %dot_general3A = arith.constant dense<0.000000e+00> : vector<1024x1024xf32>
    %dot_general3A_13 = tpu.matmul %convert_element_type3A, %slice3A, %dot_general3A {dimension_numbers = #tpu.dot_dimension_numbers<[1], [0], [0], [1], [0, 0, 1, 1], [], []>, transpose_lhs_hint = false} : vector<1024x256xbf16>, vector<256x1024xbf16>, vector<1024x1024xf32> -> vector<1024x1024xf32>
    %shift_right_logical3A = arith.constant 8 : i32
    %shift_right_logical3A_14 = vector.broadcast %shift_right_logical3A : i32 to vector<1024x256xi32>
    %shift_right_logical3A_15 = arith.shrui %get3A_4, %shift_right_logical3A_14 : vector<1024x256xi32>
    %and3A_16 = arith.constant 255 : i32
    %and3A_17 = vector.broadcast %and3A_16 : i32 to vector<1024x256xi32>
    %and3A_18 = arith.andi %shift_right_logical3A_15, %and3A_17 : vector<1024x256xi32>
    %convert_element_type3A_19 = arith.sitofp %and3A_18 : vector<1024x256xi32> to vector<1024x256xbf16>
    %slice3A_20 = vector.extract_strided_slice %get3A_1 {offsets = [256, 0], sizes = [256, 1024], strides = [1, 1]} : vector<768x1024xbf16> to vector<256x1024xbf16>
    %dot_general3A_21 = arith.constant dense<0.000000e+00> : vector<1024x1024xf32>
    %dot_general3A_22 = tpu.matmul %convert_element_type3A_19, %slice3A_20, %dot_general3A_21 {dimension_numbers = #tpu.dot_dimension_numbers<[1], [0], [0], [1], [0, 0, 1, 1], [], []>, transpose_lhs_hint = false} : vector<1024x256xbf16>, vector<256x1024xbf16>, vector<1024x1024xf32> -> vector<1024x1024xf32>
    %add3A = arith.addf %dot_general3A_13, %dot_general3A_22 : vector<1024x1024xf32>
    %shift_right_logical3A_23 = arith.constant 16 : i32
    %shift_right_logical3A_24 = vector.broadcast %shift_right_logical3A_23 : i32 to vector<1024x256xi32>
    %shift_right_logical3A_25 = arith.shrui %get3A_4, %shift_right_logical3A_24 : vector<1024x256xi32>
    %and3A_26 = arith.constant 255 : i32
    %and3A_27 = vector.broadcast %and3A_26 : i32 to vector<1024x256xi32>
    %and3A_28 = arith.andi %shift_right_logical3A_25, %and3A_27 : vector<1024x256xi32>
    %convert_element_type3A_29 = arith.sitofp %and3A_28 : vector<1024x256xi32> to vector<1024x256xbf16>
    %slice3A_30 = vector.extract_strided_slice %get3A_1 {offsets = [512, 0], sizes = [256, 1024], strides = [1, 1]} : vector<768x1024xbf16> to vector<256x1024xbf16>
    %dot_general3A_31 = arith.constant dense<0.000000e+00> : vector<1024x1024xf32>
    %dot_general3A_32 = tpu.matmul %convert_element_type3A_29, %slice3A_30, %dot_general3A_31 {dimension_numbers = #tpu.dot_dimension_numbers<[1], [0], [0], [1], [0, 0, 1, 1], [], []>, transpose_lhs_hint = false} : vector<1024x256xbf16>, vector<256x1024xbf16>, vector<1024x1024xf32> -> vector<1024x1024xf32>
    %add3A_33 = arith.addf %add3A, %dot_general3A_32 : vector<1024x1024xf32>
    %add3A_34 = vector.broadcast %get3A_10 : vector<1x1024xf32> to vector<1024x1024xf32>
    %add3A_35 = arith.addf %add3A_33, %add3A_34 : vector<1024x1024xf32>
    %jit3A = arith.constant 0.000000e+00 : f32
    %jit3A_36 = arith.constant 1.000000e+00 : f32
    %max3A = vector.broadcast %jit3A : f32 to vector<1024x1024xf32>
    %max3A_37 = arith.maximumf %max3A, %add3A_35 : vector<1024x1024xf32>
    %min3A = vector.broadcast %jit3A_36 : f32 to vector<1024x1024xf32>
    %min3A_38 = arith.minimumf %min3A, %max3A_37 : vector<1024x1024xf32>
    %and3A_39 = arith.constant 255 : i32
    %and3A_40 = vector.broadcast %and3A_39 : i32 to vector<1024x256xi32>
    %and3A_41 = arith.andi %get3A_7, %and3A_40 : vector<1024x256xi32>
    %convert_element_type3A_42 = arith.sitofp %and3A_41 : vector<1024x256xi32> to vector<1024x256xbf16>
    %slice3A_43 = vector.extract_strided_slice %get3A_1 {offsets = [0, 0], sizes = [256, 1024], strides = [1, 1]} : vector<768x1024xbf16> to vector<256x1024xbf16>
    %dot_general3A_44 = arith.constant dense<0.000000e+00> : vector<1024x1024xf32>
    %dot_general3A_45 = tpu.matmul %convert_element_type3A_42, %slice3A_43, %dot_general3A_44 {dimension_numbers = #tpu.dot_dimension_numbers<[1], [0], [0], [1], [0, 0, 1, 1], [], []>, transpose_lhs_hint = false} : vector<1024x256xbf16>, vector<256x1024xbf16>, vector<1024x1024xf32> -> vector<1024x1024xf32>
    %shift_right_logical3A_46 = arith.constant 8 : i32
    %shift_right_logical3A_47 = vector.broadcast %shift_right_logical3A_46 : i32 to vector<1024x256xi32>
    %shift_right_logical3A_48 = arith.shrui %get3A_7, %shift_right_logical3A_47 : vector<1024x256xi32>
    %and3A_49 = arith.constant 255 : i32
    %and3A_50 = vector.broadcast %and3A_49 : i32 to vector<1024x256xi32>
    %and3A_51 = arith.andi %shift_right_logical3A_48, %and3A_50 : vector<1024x256xi32>
    %convert_element_type3A_52 = arith.sitofp %and3A_51 : vector<1024x256xi32> to vector<1024x256xbf16>
    %slice3A_53 = vector.extract_strided_slice %get3A_1 {offsets = [256, 0], sizes = [256, 1024], strides = [1, 1]} : vector<768x1024xbf16> to vector<256x1024xbf16>
    %dot_general3A_54 = arith.constant dense<0.000000e+00> : vector<1024x1024xf32>
    %dot_general3A_55 = tpu.matmul %convert_element_type3A_52, %slice3A_53, %dot_general3A_54 {dimension_numbers = #tpu.dot_dimension_numbers<[1], [0], [0], [1], [0, 0, 1, 1], [], []>, transpose_lhs_hint = false} : vector<1024x256xbf16>, vector<256x1024xbf16>, vector<1024x1024xf32> -> vector<1024x1024xf32>
    %add3A_56 = arith.addf %dot_general3A_45, %dot_general3A_55 : vector<1024x1024xf32>
    %shift_right_logical3A_57 = arith.constant 16 : i32
    %shift_right_logical3A_58 = vector.broadcast %shift_right_logical3A_57 : i32 to vector<1024x256xi32>
    %shift_right_logical3A_59 = arith.shrui %get3A_7, %shift_right_logical3A_58 : vector<1024x256xi32>
    %and3A_60 = arith.constant 255 : i32
    %and3A_61 = vector.broadcast %and3A_60 : i32 to vector<1024x256xi32>
    %and3A_62 = arith.andi %shift_right_logical3A_59, %and3A_61 : vector<1024x256xi32>
    %convert_element_type3A_63 = arith.sitofp %and3A_62 : vector<1024x256xi32> to vector<1024x256xbf16>
    %slice3A_64 = vector.extract_strided_slice %get3A_1 {offsets = [512, 0], sizes = [256, 1024], strides = [1, 1]} : vector<768x1024xbf16> to vector<256x1024xbf16>
    %dot_general3A_65 = arith.constant dense<0.000000e+00> : vector<1024x1024xf32>
    %dot_general3A_66 = tpu.matmul %convert_element_type3A_63, %slice3A_64, %dot_general3A_65 {dimension_numbers = #tpu.dot_dimension_numbers<[1], [0], [0], [1], [0, 0, 1, 1], [], []>, transpose_lhs_hint = false} : vector<1024x256xbf16>, vector<256x1024xbf16>, vector<1024x1024xf32> -> vector<1024x1024xf32>
    %add3A_67 = arith.addf %add3A_56, %dot_general3A_66 : vector<1024x1024xf32>
    %add3A_68 = vector.broadcast %get3A_10 : vector<1x1024xf32> to vector<1024x1024xf32>
    %add3A_69 = arith.addf %add3A_67, %add3A_68 : vector<1024x1024xf32>
    %jit3A_70 = arith.constant 0.000000e+00 : f32
    %jit3A_71 = arith.constant 1.000000e+00 : f32
    %max3A_72 = vector.broadcast %jit3A_70 : f32 to vector<1024x1024xf32>
    %max3A_73 = arith.maximumf %max3A_72, %add3A_69 : vector<1024x1024xf32>
    %min3A_74 = vector.broadcast %jit3A_71 : f32 to vector<1024x1024xf32>
    %min3A_75 = arith.minimumf %min3A_74, %max3A_73 : vector<1024x1024xf32>
    %get3A_76 = arith.constant 0 : index
    %get3A_77 = arith.constant 0 : index
    %get3A_78 = vector.load %arg5[%get3A_76, %get3A_77] : memref<8x2048xbf16, #tpu.memory_space<vmem>>, vector<8x2048xbf16>
    %convert_element_type3A_79 = arith.truncf %min3A_38 : vector<1024x1024xf32> to vector<1024x1024xbf16>
    %slice3A_80 = vector.extract_strided_slice %get3A_78 {offsets = [0, 0], sizes = [8, 1024], strides = [1, 1]} : vector<8x2048xbf16> to vector<8x1024xbf16>
    %dot_general3A_81 = arith.constant dense<0.000000e+00> : vector<1024x8xf32>
    %dot_general3A_82 = tpu.matmul %convert_element_type3A_79, %slice3A_80, %dot_general3A_81 {dimension_numbers = #tpu.dot_dimension_numbers<[1], [1], [0], [0], [0, 0, 1, 0], [], []>, transpose_lhs_hint = false} : vector<1024x1024xbf16>, vector<8x1024xbf16>, vector<1024x8xf32> -> vector<1024x8xf32>
    %convert_element_type3A_83 = arith.truncf %min3A_75 : vector<1024x1024xf32> to vector<1024x1024xbf16>
    %slice3A_84 = vector.extract_strided_slice %get3A_78 {offsets = [0, 1024], sizes = [8, 1024], strides = [1, 1]} : vector<8x2048xbf16> to vector<8x1024xbf16>
    %dot_general3A_85 = arith.constant dense<0.000000e+00> : vector<1024x8xf32>
    %dot_general3A_86 = tpu.matmul %convert_element_type3A_83, %slice3A_84, %dot_general3A_85 {dimension_numbers = #tpu.dot_dimension_numbers<[1], [1], [0], [0], [0, 0, 1, 0], [], []>, transpose_lhs_hint = false} : vector<1024x1024xbf16>, vector<8x1024xbf16>, vector<1024x8xf32> -> vector<1024x8xf32>
    %add3A_87 = arith.addf %dot_general3A_82, %dot_general3A_86 : vector<1024x8xf32>
    %get3A_88 = arith.constant 0 : index
    %get3A_89 = arith.constant 0 : index
    %get3A_90 = vector.load %arg6[%get3A_88, %get3A_89] : memref<1x8xf32, #tpu.memory_space<vmem>>, vector<1x8xf32>
    %add3A_91 = vector.broadcast %get3A_90 : vector<1x8xf32> to vector<1024x8xf32>
    %add3A_92 = arith.addf %add3A_87, %add3A_91 : vector<1024x8xf32>
    %slice3A_93 = vector.extract_strided_slice %get3A_4 {offsets = [0, 0], sizes = [1024, 1], strides = [1, 1]} : vector<1024x256xi32> to vector<1024x1xi32>
    %shift_right_logical3A_94 = arith.constant 24 : i32
    %shift_right_logical3A_95 = vector.broadcast %shift_right_logical3A_94 : i32 to vector<1024x1xi32>
    %shift_right_logical3A_96 = arith.shrui %slice3A_93, %shift_right_logical3A_95 : vector<1024x1xi32>
    %sub3A = arith.constant 32 : i32
    %sub3A_97 = vector.broadcast %sub3A : i32 to vector<1024x1xi32>
    %sub3A_98 = arith.subi %sub3A_97, %shift_right_logical3A_96 : vector<1024x1xi32>
    %sub3A_99 = arith.constant 2 : i32
    %sub3A_100 = vector.broadcast %sub3A_99 : i32 to vector<1024x1xi32>
    %sub3A_101 = arith.subi %sub3A_98, %sub3A_100 : vector<1024x1xi32>
    %shift_right_arithmetic3A = arith.constant 2 : i32
    %shift_right_arithmetic3A_102 = vector.broadcast %shift_right_arithmetic3A : i32 to vector<1024x1xi32>
    %shift_right_arithmetic3A_103 = arith.shrsi %sub3A_101, %shift_right_arithmetic3A_102 : vector<1024x1xi32>
    %jit3A_104 = arith.constant 0 : i32
    %jit3A_105 = arith.constant 7 : i32
    %max3A_106 = vector.broadcast %jit3A_104 : i32 to vector<1024x1xi32>
    %max3A_107 = arith.maxsi %max3A_106, %shift_right_arithmetic3A_103 : vector<1024x1xi32>
    %min3A_108 = vector.broadcast %jit3A_105 : i32 to vector<1024x1xi32>
    %min3A_109 = arith.minsi %min3A_108, %max3A_107 : vector<1024x1xi32>
    %iota3A = tpu.iota {dimensions = array<i32: 1>} : vector<1024x8xi32>
    %eq3A = vector.broadcast %min3A_109 : vector<1024x1xi32> to vector<1024x8xi32>
    %eq3A_110 = arith.cmpi eq, %iota3A, %eq3A : vector<1024x8xi32>
    %jit3A_111 = arith.constant 0.000000e+00 : f32
    %broadcast_in_dim3A = vector.broadcast %jit3A_111 : f32 to vector<1024x8xf32>
    %select_n3A = arith.select %eq3A_110, %add3A_92, %broadcast_in_dim3A : vector<1024x8xi1>, vector<1024x8xf32>
    %reduce_sum3A = arith.constant dense<0.000000e+00> : vector<1024xf32>
    %reduce_sum3A_112 = vector.multi_reduction <add>, %select_n3A, %reduce_sum3A [1] : vector<1024x8xf32> to vector<1024xf32>
    %broadcast_in_dim3A_113 = vector.shape_cast %reduce_sum3A_112 : vector<1024xf32> to vector<1024x1xf32>
    %swap3A = arith.constant 0 : index
    %swap3A_114 = arith.constant 0 : index
    %swap3A_115 = vector.load %arg7[%swap3A, %swap3A_114] : memref<1024x1xf32, #tpu.memory_space<vmem>>, vector<1024x1xf32>
    tpu.vector_store %arg7[%swap3A, %swap3A_114], %broadcast_in_dim3A_113 {strides = array<i32>} : memref<1024x1xf32, #tpu.memory_space<vmem>>, vector<1024x1xf32>,
    return
  }
  func.func @transform_0(%arg0: i32) -> (i32, i32) {
    %c0_i32 = arith.constant 0 : i32
    %c0_i32_0 = arith.constant 0 : i32
    return %arg0, %c0_i32 : i32, i32
  }
  func.func @transform_1(%arg0: i32) -> (i32, i32) {
    %c0_i32 = arith.constant 0 : i32
    %c0_i32_0 = arith.constant 0 : i32
    return %arg0, %c0_i32 : i32, i32
  }
  func.func @transform_2(%arg0: i32) -> (i32, i32) {
    %c0_i32 = arith.constant 0 : i32
    %c0_i32_0 = arith.constant 0 : i32
    %c0_i32_1 = arith.constant 0 : i32
    return %c0_i32, %c0_i32_0 : i32, i32
  }
  func.func @transform_3(%arg0: i32) -> (i32, i32) {
    %c0_i32 = arith.constant 0 : i32
    %c0_i32_0 = arith.constant 0 : i32
    %c0_i32_1 = arith.constant 0 : i32
    return %c0_i32, %c0_i32_0 : i32, i32
  }
  func.func @transform_4(%arg0: i32) -> (i32, i32) {
    %c0_i32 = arith.constant 0 : i32
    %c0_i32_0 = arith.constant 0 : i32
    %c0_i32_1 = arith.constant 0 : i32
    return %c0_i32, %c0_i32_0 : i32, i32
  }
  func.func @transform_5(%arg0: i32) -> (i32, i32) {
    %c0_i32 = arith.constant 0 : i32
    %c0_i32_0 = arith.constant 0 : i32
    %c0_i32_1 = arith.constant 0 : i32
    return %c0_i32, %c0_i32_0 : i32, i32
  }
  func.func @transform_6(%arg0: i32) -> (i32, i32) {
    %c0_i32 = arith.constant 0 : i32
    %c0_i32_0 = arith.constant 0 : i32
    return %arg0, %c0_i32 : i32, i32
  }
}

</mosaic_0001>

<sc_bundles>
// kernel: kernel.10.cloned.1.call-start
scs
__scs_entry_jumppad:
0x0: {  	(pc) =	sbr.rel $0x88, $3  }
0x1: {  	(tag) =	ssettag $0x0;
	lr =	simm.s32 $0x1  }
0x2: {  	[smem:$0x3F9B] =	sst lr;
	_ =	strace $0xD0000000  }
0x3: {  	_ = 	snop  }
0x4: {  	_ = 	snop  }
0x5: {  	_ = 	snop  }
0x6: {  	_ = 	snop  }
0x7: {  	_ = 	snop  }
__scs_overlays_trampoline_lowered:
0x8: {  	[smem:$0x3FAA] =	sst s0  }
0x9: {  	[smem:$0x3FAB] =	sst s1  }
0xa: {  	[smem:$0x3FAC] =	sst s2  }
0xb: {  	[smem:$0x3FAD] =	sst s3  }
0xc: {  	[smem:$0x3FAE] =	sst s4  }
0xd: {  	[smem:$0x3FAF] =	sst s5  }
0xe: {  	[smem:$0x3FB0] =	sst s6  }
0xf: {  	[smem:$0x3FB1] =	sst s7  }
0x10: {  	[smem:$0x3FB2] =	sst s8  }
0x11: {  	[smem:$0x3FB3] =	sst s9;
	s0 =	simm.s32 @!p0 $0x0  }
0x12: {  	s1 =	sld [smem:$0x3F99];
	s0 =	simm.s32 @p0 $0x1  }
0x13: {  	[smem:$0x3FB4] =	sst s0;
	s0 =	simm.s32 @!p1 $0x0  }
0x14: {  	s2 =	sld [smem:$0x3F98];
	s0 =	simm.s32 @p1 $0x1  }
0x15: {  	[smem:$0x3FB5] =	sst s0;
	s0 =	simm.s32 @!p2 $0x0  }
0x16: {  	s3 =	sld [smem:$0x3FDB];
	s0 =	simm.s32 @p2 $0x1  }
0x17: {  	s4 =	simm.s32 $0x1BF5;
	[smem:$0x3FB7] =	sst s0  }
0x18: {  	s0 =	sld [smem:$0x3F9A];
	_ =	swait.ge [sflag:s4], $0x0  }
0x19: {  	s7 =	sld [smem:$0x3F9B]  }
0x1a: {  	s8 =	sadd.s32 $0xFFFFE003, lr  }
0x1b: {  	s9 =	sadd.s32 $0xFFFFFEF7, lr;
	s5 =	simm.s32 $0xFFFFFFFF;
	p2 =	slt.u32 s8, $0xFFFFF086  }
0x1c: {  	p1 =	slt.u32 s9, $0xF7A;
	s5 =	simm.s32 @!p2 $0x0  }
0x1d: {  	s5 =	simm.s32 @p1 $0x1;
	p0 =	seq.s32 s7, s2  }
0x1e: {  	s7 =	smul.u32 @!p0 $0xF7A, s2;
	p2 =	seq.s32 @!p0 s5, $0x0  }
0x1f: {  	s9 =	smul.u32 $0xF7A, s1;
	s8 =	simm.s32 @!p0 $0x1BF5;
	p2 =	por !p2, p0  }
0x20: {  	[sflag:s8] =	ssyncset.s32 @!p0 $0xFFFFF086;
	s6 =	sadd.s32 @!p0 s3, s7;
	s7 =	simm.s32 @!p0 $0x108  }
0x21: {  	s3 =	sadd.s32 s3, s9;
	s6 =	sadd.s32 @!p0 $0x88, s6;
	s7 =	simm.s32 @p2 $0x1082  }
0x22: {  	[simem:s7], [sflag:s8] =	dma.local @!p0 [hbm:s6], $0xF7A  }
0x23: {  	s9 =	sor.u32 $0xD0000000, s2;
	s6 =	simm.s32 $0x108;
	_ =	swait.ge @!p0 [sflag:s8], $0x0  }
0x24: {  	s3 =	sadd.s32 $0x88, s3;
	s6 =	simm.s32 @!p1 $0x1082;
	[sflag:s4] =	ssyncset.s32 $0xFFFFF086  }
0x25: {  	[simem:s6], [sflag:s4] =	dma.local [hbm:s3], $0xF7A  }
0x26: {  	[smem:$0x3F9B] =	sst s1;
	(tag) =	ssettag s2;
	_ =	strace s9  }
0x27: {  	s1 =	sld [smem:$0x3FAB]  }
0x28: {  	s2 =	sld [smem:$0x3FAC]  }
0x29: {  	s4 =	sld [smem:$0x3FAE]  }
0x2a: {  	p0 =	seq.s32 s5, $0x0;
	s5 =	sld [smem:$0x3FAF]  }
0x2b: {  	s6 =	sld [smem:$0x3FB0]  }
0x2c: {  	s7 =	sld [smem:$0x3FB1]  }
0x2d: {  	s3 =	simm.s32 $0x108;
	s8 =	sld [smem:$0x3FB2]  }
0x2e: {  	s3 =	simm.s32 @!p0 $0x1082;
	s9 =	sld [smem:$0x3FB3]  }
0x2f: {  	lr =	sadd.s32 s0, s3;
	s0 =	sld [smem:$0x3FAA]  }
0x30: {  	s3 =	sld [smem:$0x3FAD]  }
0x31: {  	[smem:$0x3FB6] =	sst s10  }
0x32: {  	s10 =	sld [smem:$0x3FB4];
	_ =	sdelay $0x3  }
0x33: {  	p0 =	seq.s32 s10, $0x1;
	s10 =	sld [smem:$0x3FB6];
	_ =	sdelay $0x3  }
0x34: {  	[smem:$0x3FB6] =	sst s10  }
0x35: {  	s10 =	sld [smem:$0x3FB5];
	_ =	sdelay $0x3  }
0x36: {  	p1 =	seq.s32 s10, $0x1;
	s10 =	sld [smem:$0x3FB6];
	_ =	sdelay $0x3  }
0x37: {  	[smem:$0x3FB6] =	sst s10  }
0x38: {  	s10 =	sld [smem:$0x3FB7]  }
0x39: {  	_ = 	snop;
	(pc) =	sbr.ind lr, $3  }
0x3a: {  	_ = 	snop  }
0x3b: {  	_ = 	snop  }
0x3c: {  	p2 =	seq.s32 s10, $0x1;
	s10 =	sld [smem:$0x3FB6]  }
0x3d: {  	_ =	shalt  }
0x3e: {  	_ =	shalt  }
0x3f: {  	_ =	shalt  }
0x40: {  	_ =	shalt  }
0x41: {  	_ =	shalt  }
0x42: {  	_ =	shalt  }
0x43: {  	_ =	shalt  }
0x44: {  	_ =	shalt  }
0x45: {  	_ =	shalt  }
0x46: {  	_ =	shalt  }
0x47: {  	_ =	shalt  }
0x48: {  	_ =	shalt  }
0x49: {  	_ =	shalt  }
0x4a: {  	_ =	shalt  }
0x4b: {  	_ =	shalt  }
0x4c: {  	_ =	shalt  }
0x4d: {  	_ =	shalt  }
0x4e: {  	_ =	shalt  }
0x4f: {  	_ =	shalt  }
0x50: {  	_ =	shalt  }
0x51: {  	_ =	shalt  }
0x52: {  	_ =	shalt  }
0x53: {  	_ =	shalt  }
0x54: {  	_ =	shalt  }
0x55: {  	_ =	shalt  }
0x56: {  	_ =	shalt  }
0x57: {  	_ =	shalt  }
0x58: {  	_ =	shalt  }
0x59: {  	_ =	shalt  }
0x5a: {  	_ =	shalt  }
0x5b: {  	_ =	shalt  }
0x5c: {  	_ =	shalt  }
0x5d: {  	_ =	shalt  }
0x5e: {  	_ =	shalt  }
0x5f: {  	_ =	shalt  }
0x60: {  	_ =	shalt  }
0x61: {  	_ =	shalt  }
0x62: {  	_ =	shalt  }
0x63: {  	_ =	shalt  }
0x64: {  	_ =	shalt  }
0x65: {  	_ =	shalt  }
0x66: {  	_ =	shalt  }
0x67: {  	_ =	shalt  }
0x68: {  	_ =	shalt  }
0x69: {  	_ =	shalt  }
0x6a: {  	_ =	shalt  }
0x6b: {  	_ =	shalt  }
0x6c: {  	_ =	shalt  }
0x6d: {  	_ =	shalt  }
0x6e: {  	_ =	shalt  }
0x6f: {  	_ =	shalt  }
0x70: {  	_ =	shalt  }
0x71: {  	_ =	shalt  }
0x72: {  	_ =	shalt  }
0x73: {  	_ =	shalt  }
0x74: {  	_ =	shalt  }
0x75: {  	_ =	shalt  }
0x76: {  	_ =	shalt  }
0x77: {  	_ =	shalt  }
0x78: {  	_ =	shalt  }
0x79: {  	_ =	shalt  }
0x7a: {  	_ =	shalt  }
0x7b: {  	_ =	shalt  }
0x7c: {  	_ =	shalt  }
0x7d: {  	_ =	shalt  }
0x7e: {  	_ =	shalt  }
0x7f: {  	_ =	shalt  }
0x80: {  	_ =	shalt  }
0x81: {  	_ =	shalt  }
0x82: {  	_ =	shalt  }
0x83: {  	_ =	shalt  }
0x84: {  	_ =	shalt  }
0x85: {  	_ =	shalt  }
0x86: {  	_ =	shalt  }
0x87: {  	_ =	shalt  }
.Lfunc_end0:
.L_simem_size_0:
called_computation_lowered:
.L_overlay_start_0:
0x88: {  	s2 =	sld [smem:$0x3FD9]  }
0x89: {  	s3 =	sld [smem:$0x3FFE];
	_ =	sdelay $0x1  }
0x8a: {  	s1 =	srdreg.scid  }
0x8b: {  	s0 =	sand.u32 $0x1, s1  }
0x8c: {  	s16 =	sshll.u32 s0, $0xA;
	s2 =	sadd.s32 s3, s2  }
0x8d: {  	s2 =	sadd.s32 s2, s16  }
0x8e: {  	[smem:$0x3FC2] =	sst s2  }
0x8f: {  	_ = 	snop  }
0x90: {  	(tm) =	ssettm $0x1  }
0x91: {  	s17 =	sld [smem:$0x3FFB];
	_ =	sdelay $0x3  }
0x92: {  	_ =	strace s17  }
0x93: {  	s2 =	sld [smem:$0x3FFC];
	_ =	sdelay $0x3  }
0x94: {  	_ =	strace s2  }
0x95: {  	s2 =	sld [smem:$0x3FFD];
	_ =	sdelay $0x3  }
0x96: {  	_ =	strace s2  }
0x97: {  	_ =	strace $0x8FFFFFFF  }
0x98: {  	s18 =	sld [smem:$0x3FDB];
	_ =	sdelay $0x1  }
0x99: {  	s19 =	simm.s32 $_scs_section_size  }
0x9a: {  	s4 =	simm.s32 $_size__tile_overlayer_lowered;
	s5 =	simm.s32 $_tile_overlayer_lowered  }
0x9b: {  	s22 =	simm.s32 $0x1BFF;
	s21 =	sshll.u32 s5, $0x1;
	s2 =	sadd.s32 s19, s18  }
0x9c: {  	s6 =	simm.s32 $0x0;
	s20 =	sshll.u32 s4, $0x1;
	s4 =	sadd.s32 s21, s2  }
0x9d: {  	[timem:s6], [sflag:s22] =	dma.local [hbm:s4], s20  }
0x9e: {  	_ =	swait.ge [sflag:s22], s20  }
0x9f: {  	s3 =	ssub.s32 $0x0, s20;
	[sflag:s22] =	ssyncset.done $0x0  }
0xa0: {  	[sflag:s22] =	ssyncadd.s32 s3;
	_ =	sdelay $0x1  }
0xa1: {  	s23 =	simm.s32 $0x1B8B  }
0xa2: {  	_ =	swait.ge [sflag:s23], $0x1  }
0xa3: {  	[sflag:s23] =	ssyncset.done $0x0  }
0xa4: {  	s25 =	simm.s32 $0x1B8E;
	s24 =	sld [smem:$0x3FFE];
	[sflag:s23] =	ssyncadd.s32 $0xFFFFFFFF  }
0xa5: {  	s26 =	simm.s32 $execute0_lowered;
	[smem:$0x3FD2] =	sst s25  }
0xa6: {  	s4 =	sshll.u32 s26, $0x1;
	_ =	strace $0x80000046;
	[dreg:$0x1] =	wrdreg $0xFFFFFFFF  }
0xa7: {  	s28 =	simm.s32 $_size_execute0_lowered;
	s2 =	sadd.s32 s2, s4;
	[dreg:$0x0] =	wrdreg $0x0  }
0xa8: {  	s4 =	sshll.u32 s28, $0x1;
	[dreg:$0x2] =	wrdreg s2  }
0xa9: {  	[dreg:$0x3] =	wrdreg s4  }
0xaa: {  	[dreg:$0x4] =	wrdreg $0xC0  }
0xab: {  	_ =	task [dreg:s6], $0x5FFFF  }
0xac: {  	[dreg:$0x1] =	wrdreg $0xFFFFFFFF  }
0xad: {  	[dreg:$0x0] =	wrdreg $0x60  }
0xae: {  	[dreg:$0x2] =	wrdreg s24  }
0xaf: {  	[dreg:$0x3] =	wrdreg $0x9  }
0xb0: {  	_ =	task.clear_ibuf [dreg:s6], $0x4FFFF;
	_ =	strace $0x90000046  }
0xb1: {  	s29 =	simm.s32 $0x9;
	_ =	strace $0x80000048  }
0xb2: {  	_ =	swait.ge [sflag:s29], $0x1  }
0xb3: {  	[sflag:s29] =	ssyncadd.s32 $0xFFFFFFFF  }
0xb4: {  	_ =	strace $0x90000048  }
0xb5: {  	_ =	sfence  }
0xb6: {  	s30 =	sld [smem:$0x0];
	_ =	sdelay $0x2  }
0xb7: {  	s31 =	sshll.u32 s1, $0xD;
	s1 =	sshrl.u32 s1, $0x2  }
0xb8: {  	s3 =	sand.u32 $0x4000, s31;
	s1 =	sadd.s32 s1, s30  }
0xb9: {  	s0 =	sor.u32 s3, s0;
	s1 =	sshll.u32 s1, $0x11  }
0xba: {  	s0 =	sor.u32 s1, s0  }
0xbb: {  	s0 =	sadd.s32 $0x8F2B, s0  }
0xbc: {  	[sflag:s0] =	ssyncadd.remote.s32 $0x1  }
0xbd: {  	_ =	sfence.sel $0xFFFF  }
0xbe: {  	[dreg:$0x0] =	wrdreg $0xFFFFFFFF;
	(pc) =	sbr.abs _section_cstart, $3  }
0xbf: {  	[dreg:$0x1] =	wrdreg $0xFFFFFFFF  }
0xc0: {  	_ =	task.clear_ibuf [dreg:s6], $0x2FFFF;
	_ =	strace $0x9FFFFFFF  }
0xc1: {  	(tm) =	ssettm $0x7FFFFFFF  }
tec
execute0_lowered:
.L_overlay_start_1:
0x0: {  	(tag) =	ssettag $0x1  }
0x1: {  	s6 =	rddreg [dreg:$0x0]  }
0x2: {  	s0 =	rddreg [dreg:$0x1];
	s1 =	simm.s32 $0x0;
	s2 =	srdreg.scid  }
0x3: {  	s10 =	simm.s32 $0x2000;
	s11 =	simm.s32 $0x0;
	[smem:$0x7FF] =	sst s1  }
0x4: {  	s7 =	sand.u32 $0x1, s2;
	s3 =	sadd.s32 $0x3C00, s6;
	s4 =	sadd.s32 $0x13C00, s6  }
0x5: {  	s5 =	sadd.s32 $0x23C00, s6;
	s2 =	stileid.u32;
	s8 =	ssub.s32 $0x2, s7  }
0x6: {  	s6 =	sadd.s32 $0x43C00, s6;
	_ =	strace $0x80000047;
	s9 =	sshrl.u32 s8, $0x1  }
0x7: {  	s31 =	sshll.u32 s2, $0x8;
	s7 =	sshll.u32 s7, $0x7;
	s8 =	ssub.s32 s8, s9  }
0x8: {  	v0 =	vimm.s32 $0x0;
	v1 =	vimm.s32 $0x1;
	v2 =	vimm.s32 $0xFFFFFFFF;
	s7 =	sor.u32 s7, s31;
	s9 =	simm.s32 $0x1;
	s8 =	smax.u32 s8, $0x1  }
.LBB2_1:
0x9: {  	s12 =	sand.u32 $0x3800, s1;
	s13 =	sand.u32 $0x380, s1  }
0xa: {  	s12 =	sor.u32 s13, s12  }
0xb: {  	[tilespmem:s12+$0x2470] =	vst v0  }
0xc: {  	[tilespmem:s12+$0x2000] =	vst v0  }
0xd: {  	[tilespmem:s12+$0x2010] =	vst v0  }
0xe: {  	[tilespmem:s12+$0x2020] =	vst v0  }
0xf: {  	[tilespmem:s12+$0x2030] =	vst v0  }
0x10: {  	[tilespmem:s12+$0x2040] =	vst v0  }
0x11: {  	[tilespmem:s12+$0x2050] =	vst v0  }
0x12: {  	[tilespmem:s12+$0x2060] =	vst v0  }
0x13: {  	[tilespmem:s12+$0x2070] =	vst v0  }
0x14: {  	[tilespmem:s12+$0x2400] =	vst v0  }
0x15: {  	[tilespmem:s12+$0x2410] =	vst v0  }
0x16: {  	[tilespmem:s12+$0x2420] =	vst v0  }
0x17: {  	[tilespmem:s12+$0x2430] =	vst v0  }
0x18: {  	s14 =	simm.s32 $0x100;
	s13 =	simm.s32 $0x80;
	[tilespmem:s12+$0x2440] =	vst v0  }
0x19: {  	s15 =	sand.u32 $0x3800, s14;
	s14 =	simm.s32 $0x200;
	s16 =	sand.u32 $0x380, s13;
	[tilespmem:s12+$0x2450] =	vst v0  }
.LBB2_2:
0x1a: {  	p0 =	sne.s32 s14, $0x3F00;
	[tilespmem:s12+$0x2460] =	vst v0;
	s12 =	sor.u32 s16, s15  }
0x1b: {  	[tilespmem:s12+$0x2470] =	vst v0  }
0x1c: {  	[tilespmem:s12+$0x2000] =	vst v0  }
0x1d: {  	[tilespmem:s12+$0x2010] =	vst v0  }
0x1e: {  	[tilespmem:s12+$0x2020] =	vst v0  }
0x1f: {  	[tilespmem:s12+$0x2030] =	vst v0  }
0x20: {  	[tilespmem:s12+$0x2040] =	vst v0  }
0x21: {  	[tilespmem:s12+$0x2050] =	vst v0  }
0x22: {  	[tilespmem:s12+$0x2060] =	vst v0  }
0x23: {  	[tilespmem:s12+$0x2070] =	vst v0  }
0x24: {  	[tilespmem:s12+$0x2400] =	vst v0  }
.Ltmp0:
0x25: {  	[tilespmem:s12+$0x2410] =	vst v0;
	(pc) =	sbr.rel @p0 .LBB2_2-.Ltmp0, $4  }
0x26: {  	[tilespmem:s12+$0x2420] =	vst v0  }
0x27: {  	[tilespmem:s12+$0x2430] =	vst v0  }
0x28: {  	s13 =	sadd.s32 $0x80, s13;
	[tilespmem:s12+$0x2440] =	vst v0  }
0x29: {  	s15 =	sand.u32 $0x3800, s14;
	s14 =	sadd.s32 $0x100, s14;
	s16 =	sand.u32 $0x380, s13;
	[tilespmem:s12+$0x2450] =	vst v0  }
0x2a: {  	s13 =	sor.u32 s16, s15;
	[tilespmem:s12+$0x2460] =	vst v0  }
0x2b: {  	[tilespmem:s13+$0x2470] =	vst v0  }
0x2c: {  	[tilespmem:s13+$0x2000] =	vst v0  }
0x2d: {  	[tilespmem:s13+$0x2010] =	vst v0  }
0x2e: {  	[tilespmem:s13+$0x2020] =	vst v0  }
0x2f: {  	[tilespmem:s13+$0x2030] =	vst v0  }
0x30: {  	[tilespmem:s13+$0x2040] =	vst v0  }
0x31: {  	[tilespmem:s13+$0x2050] =	vst v0  }
0x32: {  	[tilespmem:s13+$0x2060] =	vst v0  }
0x33: {  	[tilespmem:s13+$0x2070] =	vst v0  }
0x34: {  	[tilespmem:s13+$0x2400] =	vst v0  }
0x35: {  	[tilespmem:s13+$0x2410] =	vst v0  }
0x36: {  	[tilespmem:s13+$0x2420] =	vst v0  }
0x37: {  	[tilespmem:s13+$0x2430] =	vst v0  }
0x38: {  	[tilespmem:s13+$0x2440] =	vst v0  }
0x39: {  	[tilespmem:s13+$0x2450] =	vst v0  }
0x3a: {  	p2 =	por $0x1, $0x1;
	s14 =	simm.s32 $0x0;
	[tilespmem:s13+$0x2460] =	vst v0;
	s13 =	simm.s32 $0x0  }
.LBB2_4:
0x3b: {  	s12 =	sor.u32 s7, s14  }
0x3c: {  	s14 =	sshll.u32 s12, $0x4  }
0x3d: {  	s14 =	sadd.s32 s3, s14  }
0x3e: {  	[tilespmem:s13], [sflag:$0x1] =	stream.linear.gather [hbm4b:s14+s13], $0x2000, $0x38;
	[tilespmem:$0x6000] =	vst v63  }
0x3f: {  	s30 =	simm.s32 $0x0;
	_ =	swait.ge [sflag:s9], $0x2000  }
0x40: {  	s15 =	sand.u32 $0x10, s13;
	s14 =	sand.u32 $0x3FFFFF80, s30;
	[sflag:s9] =	ssyncset.done $0x0  }
0x41: {  	s14 =	sor.u32 s15, s14;
	[sflag:s9] =	ssyncadd.s32 $0xFFFFE000  }
0x42: {  	v3 =	vld [tilespmem:s14+$0x0]  }
0x43: {  	s31 =	simm.s32 $0x0  }
0x44: {  	v4 =	vmov s31  }
0x45: {  	v5 =	vshll.u32 v4, $0x8;
	v4 =	vshll.u32 v4, $0x7  }
0x46: {  	v5 =	vand.u32 $0x3800, v5;
	v4 =	vand.u32 $0x380, v4  }
0x47: {  	v4 =	vor.u32 v5, v4;
	v6 =	vand.u32 $0x7F, v3;
	v7 =	vshll.u32 v3, $0x3  }
0x48: {  	v5 =	vand.u32 $0x400, v7;
	v4 =	vor.u32 v6, v4  }
0x49: {  	v6 =	vshrl.u32 v3, $0x5;
	v3 =	vor.u32 v5, v4;
	_ =	sdelay $0x1  }
0x4a: {  	p0 =	por p2, p2;
	s17 =	simm.s32 $0x40  }
0x4b: {  	s16 =	simm.s32 $0x10;
	s15 =	simm.s32 $0x2;
	s14 =	simm.s32 $0x1;
	v4 =	vand.u32 $0x7FFFFF8, v6  }
.LBB2_5:
0x4c: {  	p1 =	sne.s32 s15, $0x7F;
	s18 =	sand.u32 $0x10, s16;
	s17 =	sand.u32 $0x3FFFFF80, s17;
	v4 =	vshll.u32 v1, v4  }
0x4d: {  	s17 =	sor.u32 s18, s17;
	[tilespmem:v3+s10+$0x0] =	vst.idx.add.s32.msk $0xffff, v4  }
0x4e: {  	v4 =	vld [tilespmem:s17+$0x0]  }
0x4f: {  	s17 =	sshrl.u32 s14, $0x1;
	s14 =	smov.u32 s15  }
0x50: {  	v3 =	vmov s17  }
0x51: {  	v5 =	vshll.u32 v3, $0x8;
	v3 =	vshll.u32 v3, $0x7  }
0x52: {  	v5 =	vand.u32 $0x3800, v5;
	v3 =	vand.u32 $0x380, v3  }
0x53: {  	v3 =	vor.u32 v5, v3;
	v6 =	vand.u32 $0x7F, v4;
	v7 =	vshll.u32 v4, $0x3  }
.Ltmp1:
0x54: {  	v5 =	vand.u32 $0x400, v7;
	v3 =	vor.u32 v6, v3;
	(pc) =	sbr.rel @p1 .LBB2_5-.Ltmp1, $3  }
0x55: {  	v3 =	vor.u32 v5, v3;
	_ =	sdelay $0x1  }
0x56: {  	v4 =	vshrl.u32 v4, $0x5  }
0x57: {  	s16 =	sadd.s32 $0x10, s16;
	s15 =	sadd.s32 $0x1, s15;
	s17 =	sshll.u32 s14, $0x6;
	v4 =	vand.u32 $0x7FFFFF8, v4  }
0x58: {  	_ =	sdelay $0x2  }
0x59: {  	s15 =	sand.u32 $0x10, s16;
	s28 =	sand.u32 $0x3FFFFF80, s17;
	v4 =	vshll.u32 v1, v4  }
0x5a: {  	s15 =	sor.u32 s15, s28;
	[tilespmem:v3+s10+$0x0] =	vst.idx.add.s32.msk $0xffff, v4  }
0x5b: {  	v3 =	vld [tilespmem:s15+$0x0]  }
0x5c: {  	s14 =	sshrl.u32 s14, $0x1  }
0x5d: {  	v4 =	vmov s14  }
0x5e: {  	v5 =	vshll.u32 v4, $0x8;
	v4 =	vshll.u32 v4, $0x7  }
0x5f: {  	v5 =	vand.u32 $0x3800, v5;
	v4 =	vand.u32 $0x380, v4  }
0x60: {  	v4 =	vor.u32 v5, v4;
	v6 =	vand.u32 $0x7F, v3;
	v7 =	vshll.u32 v3, $0x3  }
0x61: {  	v5 =	vand.u32 $0x400, v7;
	v4 =	vor.u32 v6, v4  }
0x62: {  	v4 =	vor.u32 v5, v4;
	_ =	sdelay $0x1  }
0x63: {  	v3 =	vshrl.u32 v3, $0x5  }
0x64: {  	v3 =	vand.u32 $0x7FFFFF8, v3  }
0x65: {  	s12 =	sshll.u32 s12, $0x5;
	v3 =	vshll.u32 v1, v3  }
0x66: {  	s29 =	simm.s32 $0x0;
	s12 =	sadd.s32 s5, s12;
	[tilespmem:v4+s10+$0x0] =	vst.idx.add.s32.msk $0xffff, v3  }
0x67: {  	[hbm4b:s12+s29] =	stream.linear.scatter [tilespmem:s10], [sflag:$0x1], $0x4000, $0x38;
	[tilespmem:$0x6000] =	vst v63  }
0x68: {  	s30 =	simm.s32 $0x0;
	_ =	swait.ge [sflag:s9], $0x4000  }
0x69: {  	s14 =	sand.u32 $0x10, s29;
	s12 =	sand.u32 $0x3FFFFF80, s30;
	[sflag:s9] =	ssyncset.done $0x0  }
0x6a: {  	s12 =	sor.u32 s14, s12;
	[sflag:s9] =	ssyncadd.s32 $0xFFFFC000  }
0x6b: {  	v3 =	vld [tilespmem:s12+$0x0]  }
0x6c: {  	s31 =	simm.s32 $0x0  }
0x6d: {  	v4 =	vmov s31  }
0x6e: {  	v5 =	vshll.u32 v4, $0x8;
	v4 =	vshll.u32 v4, $0x7  }
0x6f: {  	v5 =	vand.u32 $0x3800, v5;
	v4 =	vand.u32 $0x380, v4  }
0x70: {  	v4 =	vor.u32 v5, v4;
	v6 =	vand.u32 $0x7F, v3;
	v7 =	vshll.u32 v3, $0x3  }
0x71: {  	v5 =	vand.u32 $0x400, v7;
	v4 =	vor.u32 v6, v4  }
0x72: {  	v6 =	vshrl.u32 v3, $0x5;
	v3 =	vor.u32 v5, v4;
	_ =	sdelay $0x1  }
0x73: {  	s16 =	simm.s32 $0x40  }
0x74: {  	s15 =	simm.s32 $0x10;
	s14 =	simm.s32 $0x2;
	s12 =	simm.s32 $0x1;
	v4 =	vand.u32 $0x7FFFFF8, v6  }
.LBB2_7:
0x75: {  	p1 =	sne.s32 s14, $0x7F;
	s17 =	sand.u32 $0x10, s15;
	s16 =	sand.u32 $0x3FFFFF80, s16;
	v4 =	vshll.u32 v2, v4  }
0x76: {  	s16 =	sor.u32 s17, s16;
	[tilespmem:v3+s10+$0x0] =	vst.idx.add.s32.msk $0xffff, v4  }
0x77: {  	v4 =	vld [tilespmem:s16+$0x0]  }
0x78: {  	s16 =	sshrl.u32 s12, $0x1;
	s12 =	smov.u32 s14  }
0x79: {  	v3 =	vmov s16  }
0x7a: {  	v5 =	vshll.u32 v3, $0x8;
	v3 =	vshll.u32 v3, $0x7  }
0x7b: {  	v5 =	vand.u32 $0x3800, v5;
	v3 =	vand.u32 $0x380, v3  }
0x7c: {  	v3 =	vor.u32 v5, v3;
	v6 =	vand.u32 $0x7F, v4;
	v7 =	vshll.u32 v4, $0x3  }
.Ltmp2:
0x7d: {  	v5 =	vand.u32 $0x400, v7;
	v3 =	vor.u32 v6, v3;
	(pc) =	sbr.rel @p1 .LBB2_7-.Ltmp2, $3  }
0x7e: {  	v3 =	vor.u32 v5, v3;
	_ =	sdelay $0x1  }
0x7f: {  	v4 =	vshrl.u32 v4, $0x5  }
0x80: {  	s15 =	sadd.s32 $0x10, s15;
	s14 =	sadd.s32 $0x1, s14;
	s16 =	sshll.u32 s12, $0x6;
	v4 =	vand.u32 $0x7FFFFF8, v4  }
0x81: {  	_ =	sdelay $0x2  }
0x82: {  	s14 =	sand.u32 $0x10, s15;
	s31 =	sand.u32 $0x3FFFFF80, s16;
	v4 =	vshll.u32 v2, v4  }
0x83: {  	s14 =	sor.u32 s14, s31;
	[tilespmem:v3+s10+$0x0] =	vst.idx.add.s32.msk $0xffff, v4  }
0x84: {  	v3 =	vld [tilespmem:s14+$0x0]  }
0x85: {  	s12 =	sshrl.u32 s12, $0x1  }
0x86: {  	v62 =	vmov s12  }
0x87: {  	v5 =	vshll.u32 v62, $0x8;
	v4 =	vshll.u32 v62, $0x7  }
0x88: {  	v5 =	vand.u32 $0x3800, v5;
	v4 =	vand.u32 $0x380, v4  }
0x89: {  	v4 =	vor.u32 v5, v4;
	v6 =	vand.u32 $0x7F, v3;
	v7 =	vshll.u32 v3, $0x3  }
0x8a: {  	v63 =	vand.u32 $0x400, v7;
	v4 =	vor.u32 v6, v4  }
0x8b: {  	v4 =	vor.u32 v63, v4  }
.Ltmp3:
0x8c: {  	_ = 	snop;
	(pc) =	sbr.rel @p0 .LBB2_4-.Ltmp3, $4  }
0x8d: {  	v3 =	vshrl.u32 v3, $0x5  }
0x8e: {  	v3 =	vand.u32 $0x7FFFFF8, v3  }
0x8f: {  	p1 =	por $0x1, $0x1;
	v3 =	vshll.u32 v2, v3  }
0x90: {  	p2 =	por $0x0, $0x0;
	s12 =	simm.s32 $0x0;
	s14 =	simm.s32 $0x40;
	[tilespmem:v4+s10+$0x0] =	vst.idx.add.s32.msk $0xffff, v3  }
0x91: {  	s13 =	simm.s32 $0x0  }
.LBB2_10:
0x92: {  	s13 =	sor.u32 s7, s13  }
0x93: {  	s14 =	sshll.u32 s13, $0x4  }
0x94: {  	s14 =	sadd.s32 s4, s14  }
0x95: {  	[tilespmem:s12], [sflag:$0x1] =	stream.linear.gather [hbm4b:s14+s12], $0x2000, $0x38;
	[tilespmem:$0x6000] =	vst v63  }
0x96: {  	s30 =	simm.s32 $0x0;
	_ =	swait.ge [sflag:s9], $0x2000  }
0x97: {  	s15 =	sand.u32 $0x10, s12;
	s14 =	sand.u32 $0x3FFFFF80, s30;
	[sflag:s9] =	ssyncset.done $0x0  }
0x98: {  	s14 =	sor.u32 s15, s14;
	[sflag:s9] =	ssyncadd.s32 $0xFFFFE000  }
0x99: {  	v3 =	vld [tilespmem:s14+$0x0]  }
0x9a: {  	s31 =	simm.s32 $0x0  }
0x9b: {  	v4 =	vmov s31  }
0x9c: {  	v5 =	vshll.u32 v4, $0x8;
	v4 =	vshll.u32 v4, $0x7  }
0x9d: {  	v5 =	vand.u32 $0x3800, v5;
	v4 =	vand.u32 $0x380, v4  }
0x9e: {  	v4 =	vor.u32 v5, v4;
	v6 =	vand.u32 $0x7F, v3;
	v7 =	vshll.u32 v3, $0x3  }
0x9f: {  	v5 =	vand.u32 $0x400, v7;
	v4 =	vor.u32 v6, v4  }
0xa0: {  	v6 =	vshrl.u32 v3, $0x5;
	v3 =	vor.u32 v5, v4;
	_ =	sdelay $0x1  }
0xa1: {  	p0 =	por p1, p1;
	s17 =	simm.s32 $0x40  }
0xa2: {  	s16 =	simm.s32 $0x10;
	s15 =	simm.s32 $0x2;
	s14 =	simm.s32 $0x1;
	v4 =	vand.u32 $0x7FFFFF8, v6  }
.LBB2_11:
0xa3: {  	p1 =	sne.s32 s15, $0x7F;
	s18 =	sand.u32 $0x10, s16;
	s17 =	sand.u32 $0x3FFFFF80, s17;
	v4 =	vshll.u32 v1, v4  }
0xa4: {  	s17 =	sor.u32 s18, s17;
	[tilespmem:v3+s10+$0x0] =	vst.idx.add.s32.msk $0xffff, v4  }
0xa5: {  	v4 =	vld [tilespmem:s17+$0x0]  }
0xa6: {  	s17 =	sshrl.u32 s14, $0x1;
	s14 =	smov.u32 s15  }
0xa7: {  	v3 =	vmov s17  }
0xa8: {  	v5 =	vshll.u32 v3, $0x8;
	v3 =	vshll.u32 v3, $0x7  }
0xa9: {  	v5 =	vand.u32 $0x3800, v5;
	v3 =	vand.u32 $0x380, v3  }
0xaa: {  	v3 =	vor.u32 v5, v3;
	v6 =	vand.u32 $0x7F, v4;
	v7 =	vshll.u32 v4, $0x3  }
.Ltmp4:
0xab: {  	v5 =	vand.u32 $0x400, v7;
	v3 =	vor.u32 v6, v3;
	(pc) =	sbr.rel @p1 .LBB2_11-.Ltmp4, $3  }
0xac: {  	v3 =	vor.u32 v5, v3;
	_ =	sdelay $0x1  }
0xad: {  	v4 =	vshrl.u32 v4, $0x5  }
0xae: {  	s16 =	sadd.s32 $0x10, s16;
	s15 =	sadd.s32 $0x1, s15;
	s17 =	sshll.u32 s14, $0x6;
	v4 =	vand.u32 $0x7FFFFF8, v4  }
0xaf: {  	_ =	sdelay $0x2  }
0xb0: {  	s15 =	sand.u32 $0x10, s16;
	s28 =	sand.u32 $0x3FFFFF80, s17;
	v4 =	vshll.u32 v1, v4  }
0xb1: {  	s15 =	sor.u32 s15, s28;
	[tilespmem:v3+s10+$0x0] =	vst.idx.add.s32.msk $0xffff, v4  }
0xb2: {  	v3 =	vld [tilespmem:s15+$0x0]  }
0xb3: {  	s14 =	sshrl.u32 s14, $0x1  }
0xb4: {  	v4 =	vmov s14  }
0xb5: {  	v5 =	vshll.u32 v4, $0x8;
	v4 =	vshll.u32 v4, $0x7  }
0xb6: {  	v5 =	vand.u32 $0x3800, v5;
	v4 =	vand.u32 $0x380, v4  }
0xb7: {  	v4 =	vor.u32 v5, v4;
	v6 =	vand.u32 $0x7F, v3;
	v7 =	vshll.u32 v3, $0x3  }
0xb8: {  	v5 =	vand.u32 $0x400, v7;
	v4 =	vor.u32 v6, v4  }
0xb9: {  	v4 =	vor.u32 v5, v4;
	_ =	sdelay $0x1  }
0xba: {  	v3 =	vshrl.u32 v3, $0x5  }
0xbb: {  	v3 =	vand.u32 $0x7FFFFF8, v3  }
0xbc: {  	s13 =	sshll.u32 s13, $0x5;
	v3 =	vshll.u32 v1, v3  }
0xbd: {  	s29 =	simm.s32 $0x0;
	s13 =	sadd.s32 s6, s13;
	[tilespmem:v4+s10+$0x0] =	vst.idx.add.s32.msk $0xffff, v3  }
0xbe: {  	[hbm4b:s13+s29] =	stream.linear.scatter [tilespmem:s10], [sflag:$0x1], $0x4000, $0x38;
	[tilespmem:$0x6000] =	vst v63  }
0xbf: {  	s30 =	simm.s32 $0x0;
	_ =	swait.ge [sflag:s9], $0x4000  }
0xc0: {  	s14 =	sand.u32 $0x10, s29;
	s13 =	sand.u32 $0x3FFFFF80, s30;
	[sflag:s9] =	ssyncset.done $0x0  }
0xc1: {  	s13 =	sor.u32 s14, s13;
	[sflag:s9] =	ssyncadd.s32 $0xFFFFC000  }
0xc2: {  	v3 =	vld [tilespmem:s13+$0x0]  }
0xc3: {  	s31 =	simm.s32 $0x0  }
0xc4: {  	v4 =	vmov s31  }
0xc5: {  	v5 =	vshll.u32 v4, $0x8;
	v4 =	vshll.u32 v4, $0x7  }
0xc6: {  	v5 =	vand.u32 $0x3800, v5;
	v4 =	vand.u32 $0x380, v4  }
0xc7: {  	v4 =	vor.u32 v5, v4;
	v6 =	vand.u32 $0x7F, v3;
	v7 =	vshll.u32 v3, $0x3  }
0xc8: {  	v5 =	vand.u32 $0x400, v7;
	v4 =	vor.u32 v6, v4  }
0xc9: {  	v6 =	vshrl.u32 v3, $0x5;
	v3 =	vor.u32 v5, v4;
	_ =	sdelay $0x1  }
0xca: {  	s16 =	simm.s32 $0x40  }
0xcb: {  	s15 =	simm.s32 $0x10;
	s14 =	simm.s32 $0x2;
	s13 =	simm.s32 $0x1;
	v4 =	vand.u32 $0x7FFFFF8, v6  }
.LBB2_13:
0xcc: {  	p1 =	sne.s32 s14, $0x7F;
	s17 =	sand.u32 $0x10, s15;
	s16 =	sand.u32 $0x3FFFFF80, s16;
	v4 =	vshll.u32 v2, v4  }
0xcd: {  	s16 =	sor.u32 s17, s16;
	[tilespmem:v3+s10+$0x0] =	vst.idx.add.s32.msk $0xffff, v4  }
0xce: {  	v4 =	vld [tilespmem:s16+$0x0]  }
0xcf: {  	s16 =	sshrl.u32 s13, $0x1;
	s13 =	smov.u32 s14  }
0xd0: {  	v3 =	vmov s16  }
0xd1: {  	v5 =	vshll.u32 v3, $0x8;
	v3 =	vshll.u32 v3, $0x7  }
0xd2: {  	v5 =	vand.u32 $0x3800, v5;
	v3 =	vand.u32 $0x380, v3  }
0xd3: {  	v3 =	vor.u32 v5, v3;
	v6 =	vand.u32 $0x7F, v4;
	v7 =	vshll.u32 v4, $0x3  }
.Ltmp5:
0xd4: {  	v5 =	vand.u32 $0x400, v7;
	v3 =	vor.u32 v6, v3;
	(pc) =	sbr.rel @p1 .LBB2_13-.Ltmp5, $3  }
0xd5: {  	v3 =	vor.u32 v5, v3;
	_ =	sdelay $0x1  }
0xd6: {  	v4 =	vshrl.u32 v4, $0x5  }
0xd7: {  	s15 =	sadd.s32 $0x10, s15;
	s14 =	sadd.s32 $0x1, s14;
	s16 =	sshll.u32 s13, $0x6;
	v4 =	vand.u32 $0x7FFFFF8, v4  }
0xd8: {  	_ =	sdelay $0x2  }
0xd9: {  	s14 =	sand.u32 $0x10, s15;
	s31 =	sand.u32 $0x3FFFFF80, s16;
	v4 =	vshll.u32 v2, v4  }
0xda: {  	s14 =	sor.u32 s14, s31;
	[tilespmem:v3+s10+$0x0] =	vst.idx.add.s32.msk $0xffff, v4  }
0xdb: {  	v3 =	vld [tilespmem:s14+$0x0]  }
0xdc: {  	s13 =	sshrl.u32 s13, $0x1  }
0xdd: {  	v62 =	vmov s13  }
0xde: {  	v5 =	vshll.u32 v62, $0x8;
	v4 =	vshll.u32 v62, $0x7  }
0xdf: {  	v5 =	vand.u32 $0x3800, v5;
	v4 =	vand.u32 $0x380, v4  }
0xe0: {  	v4 =	vor.u32 v5, v4;
	v6 =	vand.u32 $0x7F, v3;
	v7 =	vshll.u32 v3, $0x3  }
0xe1: {  	v63 =	vand.u32 $0x400, v7;
	v4 =	vor.u32 v6, v4  }
0xe2: {  	v4 =	vor.u32 v63, v4  }
.Ltmp6:
0xe3: {  	_ = 	snop;
	(pc) =	sbr.rel @p0 .LBB2_10-.Ltmp6, $4  }
0xe4: {  	v3 =	vshrl.u32 v3, $0x5  }
0xe5: {  	v3 =	vand.u32 $0x7FFFFF8, v3  }
0xe6: {  	v3 =	vshll.u32 v2, v3  }
0xe7: {  	p1 =	por $0x0, $0x0;
	s13 =	simm.s32 $0x40;
	[tilespmem:v4+s10+$0x0] =	vst.idx.add.s32.msk $0xffff, v3  }
0xe8: {  	s11 =	sadd.s32 $0x1, s11  }
0xe9: {  	p0 =	sne.s32 s11, s8  }
.Ltmp7:
0xea: {  	_ = 	snop;
	(pc) =	sbr.rel @p0 .LBB2_1-.Ltmp7, $1  }
0xeb: {  	_ =	sdelay $0x3  }
0xec: {  	_ =	sfence.sel $0x180000  }
0xed: {  	[bflag:$0x0] =	sbarrier.arrive $0xFFFF  }
0xee: {  	p0 =	sne.s32 s2, $0x0;
	_ =	strace $0x90000047  }
0xef: {  	s0 =	sadd.s32 @!p0 $0x100000, s0;
	[bflag:$0x2] =	sbarrier.arrive $0xFFFF  }
0xf0: {  	[sflag:s0] =	ssyncadd.tile.s32 @!p0 $0x1;
	_ =	shalt  }
.Lfunc_end2:
_tile_overlayer_lowered:
.L_overlay_start_2:
0xf1: {  	(tag) =	ssettag $0x2  }
0xf2: {  	s0 =	rddreg [dreg:$0x0];
	s2 =	stileid.u32  }
0xf3: {  	s1 =	rddreg [dreg:$0x1];
	p0 =	sne.s32 s2, $0x0  }
0xf4: {  	s3 =	rddreg [dreg:$0x2];
	[bflag:$0x3] =	sbarrier.arrive $0xFFFF;
	s2 =	simm.s32 @!p0 $0x1C01  }
0xf5: {  	[timem:s3], [sflag:s2] =	dma.local @!p0 [hbm:s0], s1  }
0xf6: {  	s0 =	simm.s32 @!p0 $0x1  }
0xf7: {  	_ =	swait.ge @!p0 [sflag:s0], s1  }
0xf8: {  	s1 =	ssub.s32 @!p0 $0x0, s1;
	[sflag:s0] =	ssyncset.done @!p0 $0x0  }
0xf9: {  	[sflag:s0] =	ssyncadd.s32 @!p0 s1  }
0xfa: {  	[bflag:$0x3] =	sbarrier.arrive $0xFFFF  }
0xfb: {  	_ =	shalt  }

// kernel: kernel.13.cloned.1.call-start
scs
__scs_entry_jumppad:
0x0: {  	(pc) =	sbr.rel $0x88, $3  }
0x1: {  	(tag) =	ssettag $0x0;
	lr =	simm.s32 $0x1  }
0x2: {  	[smem:$0x3F9B] =	sst lr;
	_ =	strace $0xD0000000  }
0x3: {  	_ = 	snop  }
0x4: {  	_ = 	snop  }
0x5: {  	_ = 	snop  }
0x6: {  	_ = 	snop  }
0x7: {  	_ = 	snop  }
__scs_overlays_trampoline_lowered:
0x8: {  	[smem:$0x3FAA] =	sst s0  }
0x9: {  	[smem:$0x3FAB] =	sst s1  }
0xa: {  	[smem:$0x3FAC] =	sst s2  }
0xb: {  	[smem:$0x3FAD] =	sst s3  }
0xc: {  	[smem:$0x3FAE] =	sst s4  }
0xd: {  	[smem:$0x3FAF] =	sst s5  }
0xe: {  	[smem:$0x3FB0] =	sst s6  }
0xf: {  	[smem:$0x3FB1] =	sst s7  }
0x10: {  	[smem:$0x3FB2] =	sst s8  }
0x11: {  	[smem:$0x3FB3] =	sst s9;
	s0 =	simm.s32 @!p0 $0x0  }
0x12: {  	s1 =	sld [smem:$0x3F99];
	s0 =	simm.s32 @p0 $0x1  }
0x13: {  	[smem:$0x3FB4] =	sst s0;
	s0 =	simm.s32 @!p1 $0x0  }
0x14: {  	s2 =	sld [smem:$0x3F98];
	s0 =	simm.s32 @p1 $0x1  }
0x15: {  	[smem:$0x3FB5] =	sst s0;
	s0 =	simm.s32 @!p2 $0x0  }
0x16: {  	s3 =	sld [smem:$0x3FDB];
	s0 =	simm.s32 @p2 $0x1  }
0x17: {  	s4 =	simm.s32 $0x1BF5;
	[smem:$0x3FB7] =	sst s0  }
0x18: {  	s0 =	sld [smem:$0x3F9A];
	_ =	swait.ge [sflag:s4], $0x0  }
0x19: {  	s7 =	sld [smem:$0x3F9B]  }
0x1a: {  	s8 =	sadd.s32 $0xFFFFE003, lr  }
0x1b: {  	s9 =	sadd.s32 $0xFFFFFEF7, lr;
	s5 =	simm.s32 $0xFFFFFFFF;
	p2 =	slt.u32 s8, $0xFFFFF086  }
0x1c: {  	p1 =	slt.u32 s9, $0xF7A;
	s5 =	simm.s32 @!p2 $0x0  }
0x1d: {  	s5 =	simm.s32 @p1 $0x1;
	p0 =	seq.s32 s7, s2  }
0x1e: {  	s7 =	smul.u32 @!p0 $0xF7A, s2;
	p2 =	seq.s32 @!p0 s5, $0x0  }
0x1f: {  	s9 =	smul.u32 $0xF7A, s1;
	s8 =	simm.s32 @!p0 $0x1BF5;
	p2 =	por !p2, p0  }
0x20: {  	[sflag:s8] =	ssyncset.s32 @!p0 $0xFFFFF086;
	s6 =	sadd.s32 @!p0 s3, s7;
	s7 =	simm.s32 @!p0 $0x108  }
0x21: {  	s3 =	sadd.s32 s3, s9;
	s6 =	sadd.s32 @!p0 $0x88, s6;
	s7 =	simm.s32 @p2 $0x1082  }
0x22: {  	[simem:s7], [sflag:s8] =	dma.local @!p0 [hbm:s6], $0xF7A  }
0x23: {  	s9 =	sor.u32 $0xD0000000, s2;
	s6 =	simm.s32 $0x108;
	_ =	swait.ge @!p0 [sflag:s8], $0x0  }
0x24: {  	s3 =	sadd.s32 $0x88, s3;
	s6 =	simm.s32 @!p1 $0x1082;
	[sflag:s4] =	ssyncset.s32 $0xFFFFF086  }
0x25: {  	[simem:s6], [sflag:s4] =	dma.local [hbm:s3], $0xF7A  }
0x26: {  	[smem:$0x3F9B] =	sst s1;
	(tag) =	ssettag s2;
	_ =	strace s9  }
0x27: {  	s1 =	sld [smem:$0x3FAB]  }
0x28: {  	s2 =	sld [smem:$0x3FAC]  }
0x29: {  	s4 =	sld [smem:$0x3FAE]  }
0x2a: {  	p0 =	seq.s32 s5, $0x0;
	s5 =	sld [smem:$0x3FAF]  }
0x2b: {  	s6 =	sld [smem:$0x3FB0]  }
0x2c: {  	s7 =	sld [smem:$0x3FB1]  }
0x2d: {  	s3 =	simm.s32 $0x108;
	s8 =	sld [smem:$0x3FB2]  }
0x2e: {  	s3 =	simm.s32 @!p0 $0x1082;
	s9 =	sld [smem:$0x3FB3]  }
0x2f: {  	lr =	sadd.s32 s0, s3;
	s0 =	sld [smem:$0x3FAA]  }
0x30: {  	s3 =	sld [smem:$0x3FAD]  }
0x31: {  	[smem:$0x3FB6] =	sst s10  }
0x32: {  	s10 =	sld [smem:$0x3FB4];
	_ =	sdelay $0x3  }
0x33: {  	p0 =	seq.s32 s10, $0x1;
	s10 =	sld [smem:$0x3FB6];
	_ =	sdelay $0x3  }
0x34: {  	[smem:$0x3FB6] =	sst s10  }
0x35: {  	s10 =	sld [smem:$0x3FB5];
	_ =	sdelay $0x3  }
0x36: {  	p1 =	seq.s32 s10, $0x1;
	s10 =	sld [smem:$0x3FB6];
	_ =	sdelay $0x3  }
0x37: {  	[smem:$0x3FB6] =	sst s10  }
0x38: {  	s10 =	sld [smem:$0x3FB7]  }
0x39: {  	_ = 	snop;
	(pc) =	sbr.ind lr, $3  }
0x3a: {  	_ = 	snop  }
0x3b: {  	_ = 	snop  }
0x3c: {  	p2 =	seq.s32 s10, $0x1;
	s10 =	sld [smem:$0x3FB6]  }
0x3d: {  	_ =	shalt  }
0x3e: {  	_ =	shalt  }
0x3f: {  	_ =	shalt  }
0x40: {  	_ =	shalt  }
0x41: {  	_ =	shalt  }
0x42: {  	_ =	shalt  }
0x43: {  	_ =	shalt  }
0x44: {  	_ =	shalt  }
0x45: {  	_ =	shalt  }
0x46: {  	_ =	shalt  }
0x47: {  	_ =	shalt  }
0x48: {  	_ =	shalt  }
0x49: {  	_ =	shalt  }
0x4a: {  	_ =	shalt  }
0x4b: {  	_ =	shalt  }
0x4c: {  	_ =	shalt  }
0x4d: {  	_ =	shalt  }
0x4e: {  	_ =	shalt  }
0x4f: {  	_ =	shalt  }
0x50: {  	_ =	shalt  }
0x51: {  	_ =	shalt  }
0x52: {  	_ =	shalt  }
0x53: {  	_ =	shalt  }
0x54: {  	_ =	shalt  }
0x55: {  	_ =	shalt  }
0x56: {  	_ =	shalt  }
0x57: {  	_ =	shalt  }
0x58: {  	_ =	shalt  }
0x59: {  	_ =	shalt  }
0x5a: {  	_ =	shalt  }
0x5b: {  	_ =	shalt  }
0x5c: {  	_ =	shalt  }
0x5d: {  	_ =	shalt  }
0x5e: {  	_ =	shalt  }
0x5f: {  	_ =	shalt  }
0x60: {  	_ =	shalt  }
0x61: {  	_ =	shalt  }
0x62: {  	_ =	shalt  }
0x63: {  	_ =	shalt  }
0x64: {  	_ =	shalt  }
0x65: {  	_ =	shalt  }
0x66: {  	_ =	shalt  }
0x67: {  	_ =	shalt  }
0x68: {  	_ =	shalt  }
0x69: {  	_ =	shalt  }
0x6a: {  	_ =	shalt  }
0x6b: {  	_ =	shalt  }
0x6c: {  	_ =	shalt  }
0x6d: {  	_ =	shalt  }
0x6e: {  	_ =	shalt  }
0x6f: {  	_ =	shalt  }
0x70: {  	_ =	shalt  }
0x71: {  	_ =	shalt  }
0x72: {  	_ =	shalt  }
0x73: {  	_ =	shalt  }
0x74: {  	_ =	shalt  }
0x75: {  	_ =	shalt  }
0x76: {  	_ =	shalt  }
0x77: {  	_ =	shalt  }
0x78: {  	_ =	shalt  }
0x79: {  	_ =	shalt  }
0x7a: {  	_ =	shalt  }
0x7b: {  	_ =	shalt  }
0x7c: {  	_ =	shalt  }
0x7d: {  	_ =	shalt  }
0x7e: {  	_ =	shalt  }
0x7f: {  	_ =	shalt  }
0x80: {  	_ =	shalt  }
0x81: {  	_ =	shalt  }
0x82: {  	_ =	shalt  }
0x83: {  	_ =	shalt  }
0x84: {  	_ =	shalt  }
0x85: {  	_ =	shalt  }
0x86: {  	_ =	shalt  }
0x87: {  	_ =	shalt  }
.Lfunc_end0:
.L_simem_size_0:
called_computation.1_lowered:
.L_overlay_start_0:
0x88: {  	s2 =	sld [smem:$0x3FD9]  }
0x89: {  	s3 =	sld [smem:$0x3FFE];
	_ =	sdelay $0x1  }
0x8a: {  	s1 =	srdreg.scid  }
0x8b: {  	s0 =	sand.u32 $0x1, s1  }
0x8c: {  	s17 =	sshll.u32 s0, $0xA;
	s2 =	sadd.s32 s3, s2  }
0x8d: {  	s2 =	sadd.s32 s2, s17  }
0x8e: {  	[smem:$0x3FC2] =	sst s2  }
0x8f: {  	_ = 	snop  }
0x90: {  	(tm) =	ssettm $0x1  }
0x91: {  	s18 =	sld [smem:$0x3FFB];
	_ =	sdelay $0x3  }
0x92: {  	_ =	strace s18  }
0x93: {  	s2 =	sld [smem:$0x3FFC];
	_ =	sdelay $0x3  }
0x94: {  	_ =	strace s2  }
0x95: {  	s2 =	sld [smem:$0x3FFD];
	_ =	sdelay $0x3  }
0x96: {  	_ =	strace s2  }
0x97: {  	_ =	strace $0x8FFFFFFF  }
0x98: {  	s19 =	sld [smem:$0x3FDB];
	_ =	sdelay $0x1  }
0x99: {  	s20 =	simm.s32 $_scs_section_size  }
0x9a: {  	s4 =	simm.s32 $_size__tile_overlayer_lowered;
	s5 =	simm.s32 $_tile_overlayer_lowered  }
0x9b: {  	s6 =	simm.s32 $0x1BFF;
	s21 =	sshll.u32 s5, $0x1;
	s3 =	sadd.s32 s20, s19  }
0x9c: {  	s22 =	simm.s32 $0x0;
	s4 =	sshll.u32 s4, $0x1;
	s5 =	sadd.s32 s21, s3  }
0x9d: {  	[timem:s22], [sflag:s6] =	dma.local [hbm:s5], s4  }
0x9e: {  	_ =	swait.ge [sflag:s6], s4  }
0x9f: {  	s4 =	ssub.s32 $0x0, s4;
	[sflag:s6] =	ssyncset.done $0x0  }
0xa0: {  	[sflag:s6] =	ssyncadd.s32 s4;
	_ =	sdelay $0x1  }
0xa1: {  	s23 =	simm.s32 $0x1B8B  }
0xa2: {  	_ =	swait.ge [sflag:s23], $0x1  }
0xa3: {  	[sflag:s23] =	ssyncset.done $0x0  }
0xa4: {  	[sflag:s23] =	ssyncadd.s32 $0xFFFFFFFF  }
0xa5: {  	s4 =	sld [smem:$0x0]  }
0xa6: {  	s5 =	sand.u32 $0xFFFFFFFE, s1  }
0xa7: {  	p0 =	sne.s32 s1, s5  }
0xa8: {  	s5 =	sshll.u32 @p0 s5, $0xE  }
0xa9: {  	s5 =	sadd.s32 @p0 $0x11B8D, s5;
	s6 =	sshll.u32 @p0 s4, $0x11  }
0xaa: {  	s5 =	sor.u32 @p0 s6, s5  }
0xab: {  	[sflag:s5] =	ssyncadd.remote.s32 @p0 $0x1;
	_ =	sdelay $0x1  }
0xac: {  	s5 =	simm.s32 @p0 $0x1B8D  }
0xad: {  	_ =	swait.eq @p0 [sflag:s5], $0x1  }
0xae: {  	[sflag:s5] =	ssyncadd.s32 @p0 $0xFFFFFFFF  }
0xaf: {  	s6 =	sshll.u32 @!p0 s1, $0xE  }
0xb0: {  	s6 =	sor.u32 @!p0 $0x4000, s6;
	s5 =	simm.s32 @!p0 $0x1B8D  }
0xb1: {  	s4 =	sshll.u32 @!p0 s4, $0x11;
	s6 =	sadd.s32 @!p0 $0x11B8D, s6;
	_ =	swait.eq @!p0 [sflag:s5], $0x1  }
0xb2: {  	s4 =	sor.u32 @!p0 s4, s6;
	[sflag:s5] =	ssyncadd.s32 @!p0 $0xFFFFFFFF  }
0xb3: {  	s25 =	simm.s32 $0x1B8E;
	s24 =	sld [smem:$0x3FFE];
	[sflag:s4] =	ssyncadd.remote.s32 @!p0 $0x1  }
0xb4: {  	s26 =	simm.s32 $execute0_lowered;
	[smem:$0x3FD2] =	sst s25  }
0xb5: {  	s5 =	sshll.u32 s26, $0x1;
	_ =	strace $0x80000049;
	[dreg:$0x1] =	wrdreg $0xFFFFFFFF  }
0xb6: {  	s28 =	simm.s32 $_size_execute0_lowered;
	s3 =	sadd.s32 s3, s5;
	[dreg:$0x0] =	wrdreg $0x0  }
0xb7: {  	s5 =	sshll.u32 s28, $0x1;
	[dreg:$0x2] =	wrdreg s3  }
0xb8: {  	[dreg:$0x3] =	wrdreg s5  }
0xb9: {  	[dreg:$0x4] =	wrdreg $0xC0  }
0xba: {  	_ =	task [dreg:s22], $0x5FFFF  }
0xbb: {  	[dreg:$0x1] =	wrdreg $0xFFFFFFFF  }
0xbc: {  	[dreg:$0x0] =	wrdreg $0x60  }
0xbd: {  	[dreg:$0x2] =	wrdreg s24  }
0xbe: {  	[dreg:$0x3] =	wrdreg $0xA  }
0xbf: {  	_ =	task.clear_ibuf [dreg:s22], $0x4FFFF;
	_ =	strace $0x90000049  }
0xc0: {  	s29 =	simm.s32 $0xA;
	_ =	strace $0x8000004B  }
0xc1: {  	_ =	swait.ge [sflag:s29], $0x1  }
0xc2: {  	[sflag:s29] =	ssyncadd.s32 $0xFFFFFFFF  }
0xc3: {  	_ =	strace $0x9000004B  }
0xc4: {  	_ =	sfence  }
0xc5: {  	s30 =	sld [smem:$0x0];
	_ =	sdelay $0x2  }
0xc6: {  	s31 =	sshll.u32 s1, $0xD;
	s1 =	sshrl.u32 s1, $0x2  }
0xc7: {  	s4 =	sand.u32 $0x4000, s31;
	s1 =	sadd.s32 s1, s30  }
0xc8: {  	s0 =	sor.u32 s4, s0;
	s1 =	sshll.u32 s1, $0x11  }
0xc9: {  	s0 =	sor.u32 s1, s0  }
0xca: {  	s0 =	sadd.s32 $0x8F2B, s0  }
0xcb: {  	[sflag:s0] =	ssyncadd.remote.s32 $0x1  }
0xcc: {  	_ =	sfence.sel $0xFFFF  }
0xcd: {  	[dreg:$0x0] =	wrdreg $0xFFFFFFFF;
	(pc) =	sbr.abs _section_cstart, $3  }
0xce: {  	[dreg:$0x1] =	wrdreg $0xFFFFFFFF  }
0xcf: {  	_ =	task.clear_ibuf [dreg:s22], $0x2FFFF;
	_ =	strace $0x9FFFFFFF  }
0xd0: {  	(tm) =	ssettm $0x7FFFFFFF  }
0xd1: {  	_ =	shalt  }
tec
execute0_lowered:
.L_overlay_start_1:
0x0: {  	(tag) =	ssettag $0x1  }
0x1: {  	s6 =	rddreg [dreg:$0x0]  }
0x2: {  	s0 =	rddreg [dreg:$0x1];
	s1 =	simm.s32 $0x0;
	s2 =	srdreg.scid  }
0x3: {  	s10 =	simm.s32 $0x2000;
	s11 =	simm.s32 $0x0;
	[smem:$0x7FF] =	sst s1  }
0x4: {  	s7 =	sand.u32 $0x1, s2;
	s3 =	sadd.s32 $0x63C00, s6;
	s4 =	sadd.s32 $0x73C00, s6  }
0x5: {  	s5 =	sadd.s32 $0x83C00, s6;
	s2 =	stileid.u32;
	s8 =	ssub.s32 $0x2, s7  }
0x6: {  	s6 =	sadd.s32 $0xA3C00, s6;
	_ =	strace $0x8000004A;
	s9 =	sshrl.u32 s8, $0x1  }
0x7: {  	s31 =	sshll.u32 s2, $0x8;
	s7 =	sshll.u32 s7, $0x7;
	s8 =	ssub.s32 s8, s9  }
0x8: {  	v0 =	vimm.s32 $0x0;
	v1 =	vimm.s32 $0x1;
	v2 =	vimm.s32 $0xFFFFFFFF;
	s7 =	sor.u32 s7, s31;
	s9 =	simm.s32 $0x1;
	s8 =	smax.u32 s8, $0x1  }
.LBB2_1:
0x9: {  	s12 =	sand.u32 $0x3800, s1;
	s13 =	sand.u32 $0x380, s1  }
0xa: {  	s12 =	sor.u32 s13, s12  }
0xb: {  	[tilespmem:s12+$0x2470] =	vst v0  }
0xc: {  	[tilespmem:s12+$0x2000] =	vst v0  }
0xd: {  	[tilespmem:s12+$0x2010] =	vst v0  }
0xe: {  	[tilespmem:s12+$0x2020] =	vst v0  }
0xf: {  	[tilespmem:s12+$0x2030] =	vst v0  }
0x10: {  	[tilespmem:s12+$0x2040] =	vst v0  }
0x11: {  	[tilespmem:s12+$0x2050] =	vst v0  }
0x12: {  	[tilespmem:s12+$0x2060] =	vst v0  }
0x13: {  	[tilespmem:s12+$0x2070] =	vst v0  }
0x14: {  	[tilespmem:s12+$0x2400] =	vst v0  }
0x15: {  	[tilespmem:s12+$0x2410] =	vst v0  }
0x16: {  	[tilespmem:s12+$0x2420] =	vst v0  }
0x17: {  	[tilespmem:s12+$0x2430] =	vst v0  }
0x18: {  	s14 =	simm.s32 $0x100;
	s13 =	simm.s32 $0x80;
	[tilespmem:s12+$0x2440] =	vst v0  }
0x19: {  	s15 =	sand.u32 $0x3800, s14;
	s14 =	simm.s32 $0x200;
	s16 =	sand.u32 $0x380, s13;
	[tilespmem:s12+$0x2450] =	vst v0  }
.LBB2_2:
0x1a: {  	p0 =	sne.s32 s14, $0x3F00;
	[tilespmem:s12+$0x2460] =	vst v0;
	s12 =	sor.u32 s16, s15  }
0x1b: {  	[tilespmem:s12+$0x2470] =	vst v0  }
0x1c: {  	[tilespmem:s12+$0x2000] =	vst v0  }
0x1d: {  	[tilespmem:s12+$0x2010] =	vst v0  }
0x1e: {  	[tilespmem:s12+$0x2020] =	vst v0  }
0x1f: {  	[tilespmem:s12+$0x2030] =	vst v0  }
0x20: {  	[tilespmem:s12+$0x2040] =	vst v0  }
0x21: {  	[tilespmem:s12+$0x2050] =	vst v0  }
0x22: {  	[tilespmem:s12+$0x2060] =	vst v0  }
0x23: {  	[tilespmem:s12+$0x2070] =	vst v0  }
0x24: {  	[tilespmem:s12+$0x2400] =	vst v0  }
.Ltmp0:
0x25: {  	[tilespmem:s12+$0x2410] =	vst v0;
	(pc) =	sbr.rel @p0 .LBB2_2-.Ltmp0, $4  }
0x26: {  	[tilespmem:s12+$0x2420] =	vst v0  }
0x27: {  	[tilespmem:s12+$0x2430] =	vst v0  }
0x28: {  	s13 =	sadd.s32 $0x80, s13;
	[tilespmem:s12+$0x2440] =	vst v0  }
0x29: {  	s15 =	sand.u32 $0x3800, s14;
	s14 =	sadd.s32 $0x100, s14;
	s16 =	sand.u32 $0x380, s13;
	[tilespmem:s12+$0x2450] =	vst v0  }
0x2a: {  	s13 =	sor.u32 s16, s15;
	[tilespmem:s12+$0x2460] =	vst v0  }
0x2b: {  	[tilespmem:s13+$0x2470] =	vst v0  }
0x2c: {  	[tilespmem:s13+$0x2000] =	vst v0  }
0x2d: {  	[tilespmem:s13+$0x2010] =	vst v0  }
0x2e: {  	[tilespmem:s13+$0x2020] =	vst v0  }
0x2f: {  	[tilespmem:s13+$0x2030] =	vst v0  }
0x30: {  	[tilespmem:s13+$0x2040] =	vst v0  }
0x31: {  	[tilespmem:s13+$0x2050] =	vst v0  }
0x32: {  	[tilespmem:s13+$0x2060] =	vst v0  }
0x33: {  	[tilespmem:s13+$0x2070] =	vst v0  }
0x34: {  	[tilespmem:s13+$0x2400] =	vst v0  }
0x35: {  	[tilespmem:s13+$0x2410] =	vst v0  }
0x36: {  	[tilespmem:s13+$0x2420] =	vst v0  }
0x37: {  	[tilespmem:s13+$0x2430] =	vst v0  }
0x38: {  	[tilespmem:s13+$0x2440] =	vst v0  }
0x39: {  	[tilespmem:s13+$0x2450] =	vst v0  }
0x3a: {  	p2 =	por $0x1, $0x1;
	s14 =	simm.s32 $0x0;
	[tilespmem:s13+$0x2460] =	vst v0;
	s13 =	simm.s32 $0x0  }
.LBB2_4:
0x3b: {  	s12 =	sor.u32 s7, s14  }
0x3c: {  	s14 =	sshll.u32 s12, $0x4  }
0x3d: {  	s14 =	sadd.s32 s3, s14  }
0x3e: {  	[tilespmem:s13], [sflag:$0x1] =	stream.linear.gather [hbm4b:s14+s13], $0x2000, $0x38;
	[tilespmem:$0x6000] =	vst v63  }
0x3f: {  	s30 =	simm.s32 $0x0;
	_ =	swait.ge [sflag:s9], $0x2000  }
0x40: {  	s15 =	sand.u32 $0x10, s13;
	s14 =	sand.u32 $0x3FFFFF80, s30;
	[sflag:s9] =	ssyncset.done $0x0  }
0x41: {  	s14 =	sor.u32 s15, s14;
	[sflag:s9] =	ssyncadd.s32 $0xFFFFE000  }
0x42: {  	v3 =	vld [tilespmem:s14+$0x0]  }
0x43: {  	s31 =	simm.s32 $0x0  }
0x44: {  	v4 =	vmov s31  }
0x45: {  	v5 =	vshll.u32 v4, $0x8;
	v4 =	vshll.u32 v4, $0x7  }
0x46: {  	v5 =	vand.u32 $0x3800, v5;
	v4 =	vand.u32 $0x380, v4  }
0x47: {  	v4 =	vor.u32 v5, v4;
	v6 =	vand.u32 $0x7F, v3;
	v7 =	vshll.u32 v3, $0x3  }
0x48: {  	v5 =	vand.u32 $0x400, v7;
	v4 =	vor.u32 v6, v4  }
0x49: {  	v6 =	vshrl.u32 v3, $0x5;
	v3 =	vor.u32 v5, v4;
	_ =	sdelay $0x1  }
0x4a: {  	p0 =	por p2, p2;
	s17 =	simm.s32 $0x40  }
0x4b: {  	s16 =	simm.s32 $0x10;
	s15 =	simm.s32 $0x2;
	s14 =	simm.s32 $0x1;
	v4 =	vand.u32 $0x7FFFFF8, v6  }
.LBB2_5:
0x4c: {  	p1 =	sne.s32 s15, $0x7F;
	s18 =	sand.u32 $0x10, s16;
	s17 =	sand.u32 $0x3FFFFF80, s17;
	v4 =	vshll.u32 v1, v4  }
0x4d: {  	s17 =	sor.u32 s18, s17;
	[tilespmem:v3+s10+$0x0] =	vst.idx.add.s32.msk $0xffff, v4  }
0x4e: {  	v4 =	vld [tilespmem:s17+$0x0]  }
0x4f: {  	s17 =	sshrl.u32 s14, $0x1;
	s14 =	smov.u32 s15  }
0x50: {  	v3 =	vmov s17  }
0x51: {  	v5 =	vshll.u32 v3, $0x8;
	v3 =	vshll.u32 v3, $0x7  }
0x52: {  	v5 =	vand.u32 $0x3800, v5;
	v3 =	vand.u32 $0x380, v3  }
0x53: {  	v3 =	vor.u32 v5, v3;
	v6 =	vand.u32 $0x7F, v4;
	v7 =	vshll.u32 v4, $0x3  }
.Ltmp1:
0x54: {  	v5 =	vand.u32 $0x400, v7;
	v3 =	vor.u32 v6, v3;
	(pc) =	sbr.rel @p1 .LBB2_5-.Ltmp1, $3  }
0x55: {  	v3 =	vor.u32 v5, v3;
	_ =	sdelay $0x1  }
0x56: {  	v4 =	vshrl.u32 v4, $0x5  }
0x57: {  	s16 =	sadd.s32 $0x10, s16;
	s15 =	sadd.s32 $0x1, s15;
	s17 =	sshll.u32 s14, $0x6;
	v4 =	vand.u32 $0x7FFFFF8, v4  }
0x58: {  	_ =	sdelay $0x2  }
0x59: {  	s15 =	sand.u32 $0x10, s16;
	s28 =	sand.u32 $0x3FFFFF80, s17;
	v4 =	vshll.u32 v1, v4  }
0x5a: {  	s15 =	sor.u32 s15, s28;
	[tilespmem:v3+s10+$0x0] =	vst.idx.add.s32.msk $0xffff, v4  }
0x5b: {  	v3 =	vld [tilespmem:s15+$0x0]  }
0x5c: {  	s14 =	sshrl.u32 s14, $0x1  }
0x5d: {  	v4 =	vmov s14  }
0x5e: {  	v5 =	vshll.u32 v4, $0x8;
	v4 =	vshll.u32 v4, $0x7  }
0x5f: {  	v5 =	vand.u32 $0x3800, v5;
	v4 =	vand.u32 $0x380, v4  }
0x60: {  	v4 =	vor.u32 v5, v4;
	v6 =	vand.u32 $0x7F, v3;
	v7 =	vshll.u32 v3, $0x3  }
0x61: {  	v5 =	vand.u32 $0x400, v7;
	v4 =	vor.u32 v6, v4  }
0x62: {  	v4 =	vor.u32 v5, v4;
	_ =	sdelay $0x1  }
0x63: {  	v3 =	vshrl.u32 v3, $0x5  }
0x64: {  	v3 =	vand.u32 $0x7FFFFF8, v3  }
0x65: {  	s12 =	sshll.u32 s12, $0x5;
	v3 =	vshll.u32 v1, v3  }
0x66: {  	s29 =	simm.s32 $0x0;
	s12 =	sadd.s32 s5, s12;
	[tilespmem:v4+s10+$0x0] =	vst.idx.add.s32.msk $0xffff, v3  }
0x67: {  	[hbm4b:s12+s29] =	stream.linear.scatter [tilespmem:s10], [sflag:$0x1], $0x4000, $0x38;
	[tilespmem:$0x6000] =	vst v63  }
0x68: {  	s30 =	simm.s32 $0x0;
	_ =	swait.ge [sflag:s9], $0x4000  }
0x69: {  	s14 =	sand.u32 $0x10, s29;
	s12 =	sand.u32 $0x3FFFFF80, s30;
	[sflag:s9] =	ssyncset.done $0x0  }
0x6a: {  	s12 =	sor.u32 s14, s12;
	[sflag:s9] =	ssyncadd.s32 $0xFFFFC000  }
0x6b: {  	v3 =	vld [tilespmem:s12+$0x0]  }
0x6c: {  	s31 =	simm.s32 $0x0  }
0x6d: {  	v4 =	vmov s31  }
0x6e: {  	v5 =	vshll.u32 v4, $0x8;
	v4 =	vshll.u32 v4, $0x7  }
0x6f: {  	v5 =	vand.u32 $0x3800, v5;
	v4 =	vand.u32 $0x380, v4  }
0x70: {  	v4 =	vor.u32 v5, v4;
	v6 =	vand.u32 $0x7F, v3;
	v7 =	vshll.u32 v3, $0x3  }
0x71: {  	v5 =	vand.u32 $0x400, v7;
	v4 =	vor.u32 v6, v4  }
0x72: {  	v6 =	vshrl.u32 v3, $0x5;
	v3 =	vor.u32 v5, v4;
	_ =	sdelay $0x1  }
0x73: {  	s16 =	simm.s32 $0x40  }
0x74: {  	s15 =	simm.s32 $0x10;
	s14 =	simm.s32 $0x2;
	s12 =	simm.s32 $0x1;
	v4 =	vand.u32 $0x7FFFFF8, v6  }
.LBB2_7:
0x75: {  	p1 =	sne.s32 s14, $0x7F;
	s17 =	sand.u32 $0x10, s15;
	s16 =	sand.u32 $0x3FFFFF80, s16;
	v4 =	vshll.u32 v2, v4  }
0x76: {  	s16 =	sor.u32 s17, s16;
	[tilespmem:v3+s10+$0x0] =	vst.idx.add.s32.msk $0xffff, v4  }
0x77: {  	v4 =	vld [tilespmem:s16+$0x0]  }
0x78: {  	s16 =	sshrl.u32 s12, $0x1;
	s12 =	smov.u32 s14  }
0x79: {  	v3 =	vmov s16  }
0x7a: {  	v5 =	vshll.u32 v3, $0x8;
	v3 =	vshll.u32 v3, $0x7  }
0x7b: {  	v5 =	vand.u32 $0x3800, v5;
	v3 =	vand.u32 $0x380, v3  }
0x7c: {  	v3 =	vor.u32 v5, v3;
	v6 =	vand.u32 $0x7F, v4;
	v7 =	vshll.u32 v4, $0x3  }
.Ltmp2:
0x7d: {  	v5 =	vand.u32 $0x400, v7;
	v3 =	vor.u32 v6, v3;
	(pc) =	sbr.rel @p1 .LBB2_7-.Ltmp2, $3  }
0x7e: {  	v3 =	vor.u32 v5, v3;
	_ =	sdelay $0x1  }
0x7f: {  	v4 =	vshrl.u32 v4, $0x5  }
0x80: {  	s15 =	sadd.s32 $0x10, s15;
	s14 =	sadd.s32 $0x1, s14;
	s16 =	sshll.u32 s12, $0x6;
	v4 =	vand.u32 $0x7FFFFF8, v4  }
0x81: {  	_ =	sdelay $0x2  }
0x82: {  	s14 =	sand.u32 $0x10, s15;
	s31 =	sand.u32 $0x3FFFFF80, s16;
	v4 =	vshll.u32 v2, v4  }
0x83: {  	s14 =	sor.u32 s14, s31;
	[tilespmem:v3+s10+$0x0] =	vst.idx.add.s32.msk $0xffff, v4  }
0x84: {  	v3 =	vld [tilespmem:s14+$0x0]  }
0x85: {  	s12 =	sshrl.u32 s12, $0x1  }
0x86: {  	v62 =	vmov s12  }
0x87: {  	v5 =	vshll.u32 v62, $0x8;
	v4 =	vshll.u32 v62, $0x7  }
0x88: {  	v5 =	vand.u32 $0x3800, v5;
	v4 =	vand.u32 $0x380, v4  }
0x89: {  	v4 =	vor.u32 v5, v4;
	v6 =	vand.u32 $0x7F, v3;
	v7 =	vshll.u32 v3, $0x3  }
0x8a: {  	v63 =	vand.u32 $0x400, v7;
	v4 =	vor.u32 v6, v4  }
0x8b: {  	v4 =	vor.u32 v63, v4  }
.Ltmp3:
0x8c: {  	_ = 	snop;
	(pc) =	sbr.rel @p0 .LBB2_4-.Ltmp3, $4  }
0x8d: {  	v3 =	vshrl.u32 v3, $0x5  }
0x8e: {  	v3 =	vand.u32 $0x7FFFFF8, v3  }
0x8f: {  	p1 =	por $0x1, $0x1;
	v3 =	vshll.u32 v2, v3  }
0x90: {  	p2 =	por $0x0, $0x0;
	s12 =	simm.s32 $0x0;
	s14 =	simm.s32 $0x40;
	[tilespmem:v4+s10+$0x0] =	vst.idx.add.s32.msk $0xffff, v3  }
0x91: {  	s13 =	simm.s32 $0x0  }
.LBB2_10:
0x92: {  	s13 =	sor.u32 s7, s13  }
0x93: {  	s14 =	sshll.u32 s13, $0x4  }
0x94: {  	s14 =	sadd.s32 s4, s14  }
0x95: {  	[tilespmem:s12], [sflag:$0x1] =	stream.linear.gather [hbm4b:s14+s12], $0x2000, $0x38;
	[tilespmem:$0x6000] =	vst v63  }
0x96: {  	s30 =	simm.s32 $0x0;
	_ =	swait.ge [sflag:s9], $0x2000  }
0x97: {  	s15 =	sand.u32 $0x10, s12;
	s14 =	sand.u32 $0x3FFFFF80, s30;
	[sflag:s9] =	ssyncset.done $0x0  }
0x98: {  	s14 =	sor.u32 s15, s14;
	[sflag:s9] =	ssyncadd.s32 $0xFFFFE000  }
0x99: {  	v3 =	vld [tilespmem:s14+$0x0]  }
0x9a: {  	s31 =	simm.s32 $0x0  }
0x9b: {  	v4 =	vmov s31  }
0x9c: {  	v5 =	vshll.u32 v4, $0x8;
	v4 =	vshll.u32 v4, $0x7  }
0x9d: {  	v5 =	vand.u32 $0x3800, v5;
	v4 =	vand.u32 $0x380, v4  }
0x9e: {  	v4 =	vor.u32 v5, v4;
	v6 =	vand.u32 $0x7F, v3;
	v7 =	vshll.u32 v3, $0x3  }
0x9f: {  	v5 =	vand.u32 $0x400, v7;
	v4 =	vor.u32 v6, v4  }
0xa0: {  	v6 =	vshrl.u32 v3, $0x5;
	v3 =	vor.u32 v5, v4;
	_ =	sdelay $0x1  }
0xa1: {  	p0 =	por p1, p1;
	s17 =	simm.s32 $0x40  }
0xa2: {  	s16 =	simm.s32 $0x10;
	s15 =	simm.s32 $0x2;
	s14 =	simm.s32 $0x1;
	v4 =	vand.u32 $0x7FFFFF8, v6  }
.LBB2_11:
0xa3: {  	p1 =	sne.s32 s15, $0x7F;
	s18 =	sand.u32 $0x10, s16;
	s17 =	sand.u32 $0x3FFFFF80, s17;
	v4 =	vshll.u32 v1, v4  }
0xa4: {  	s17 =	sor.u32 s18, s17;
	[tilespmem:v3+s10+$0x0] =	vst.idx.add.s32.msk $0xffff, v4  }
0xa5: {  	v4 =	vld [tilespmem:s17+$0x0]  }
0xa6: {  	s17 =	sshrl.u32 s14, $0x1;
	s14 =	smov.u32 s15  }
0xa7: {  	v3 =	vmov s17  }
0xa8: {  	v5 =	vshll.u32 v3, $0x8;
	v3 =	vshll.u32 v3, $0x7  }
0xa9: {  	v5 =	vand.u32 $0x3800, v5;
	v3 =	vand.u32 $0x380, v3  }
0xaa: {  	v3 =	vor.u32 v5, v3;
	v6 =	vand.u32 $0x7F, v4;
	v7 =	vshll.u32 v4, $0x3  }
.Ltmp4:
0xab: {  	v5 =	vand.u32 $0x400, v7;
	v3 =	vor.u32 v6, v3;
	(pc) =	sbr.rel @p1 .LBB2_11-.Ltmp4, $3  }
0xac: {  	v3 =	vor.u32 v5, v3;
	_ =	sdelay $0x1  }
0xad: {  	v4 =	vshrl.u32 v4, $0x5  }
0xae: {  	s16 =	sadd.s32 $0x10, s16;
	s15 =	sadd.s32 $0x1, s15;
	s17 =	sshll.u32 s14, $0x6;
	v4 =	vand.u32 $0x7FFFFF8, v4  }
0xaf: {  	_ =	sdelay $0x2  }
0xb0: {  	s15 =	sand.u32 $0x10, s16;
	s28 =	sand.u32 $0x3FFFFF80, s17;
	v4 =	vshll.u32 v1, v4  }
0xb1: {  	s15 =	sor.u32 s15, s28;
	[tilespmem:v3+s10+$0x0] =	vst.idx.add.s32.msk $0xffff, v4  }
0xb2: {  	v3 =	vld [tilespmem:s15+$0x0]  }
0xb3: {  	s14 =	sshrl.u32 s14, $0x1  }
0xb4: {  	v4 =	vmov s14  }
0xb5: {  	v5 =	vshll.u32 v4, $0x8;
	v4 =	vshll.u32 v4, $0x7  }
0xb6: {  	v5 =	vand.u32 $0x3800, v5;
	v4 =	vand.u32 $0x380, v4  }
0xb7: {  	v4 =	vor.u32 v5, v4;
	v6 =	vand.u32 $0x7F, v3;
	v7 =	vshll.u32 v3, $0x3  }
0xb8: {  	v5 =	vand.u32 $0x400, v7;
	v4 =	vor.u32 v6, v4  }
0xb9: {  	v4 =	vor.u32 v5, v4;
	_ =	sdelay $0x1  }
0xba: {  	v3 =	vshrl.u32 v3, $0x5  }
0xbb: {  	v3 =	vand.u32 $0x7FFFFF8, v3  }
0xbc: {  	s13 =	sshll.u32 s13, $0x5;
	v3 =	vshll.u32 v1, v3  }
0xbd: {  	s29 =	simm.s32 $0x0;
	s13 =	sadd.s32 s6, s13;
	[tilespmem:v4+s10+$0x0] =	vst.idx.add.s32.msk $0xffff, v3  }
0xbe: {  	[hbm4b:s13+s29] =	stream.linear.scatter [tilespmem:s10], [sflag:$0x1], $0x4000, $0x38;
	[tilespmem:$0x6000] =	vst v63  }
0xbf: {  	s30 =	simm.s32 $0x0;
	_ =	swait.ge [sflag:s9], $0x4000  }
0xc0: {  	s14 =	sand.u32 $0x10, s29;
	s13 =	sand.u32 $0x3FFFFF80, s30;
	[sflag:s9] =	ssyncset.done $0x0  }
0xc1: {  	s13 =	sor.u32 s14, s13;
	[sflag:s9] =	ssyncadd.s32 $0xFFFFC000  }
0xc2: {  	v3 =	vld [tilespmem:s13+$0x0]  }
0xc3: {  	s31 =	simm.s32 $0x0  }
0xc4: {  	v4 =	vmov s31  }
0xc5: {  	v5 =	vshll.u32 v4, $0x8;
	v4 =	vshll.u32 v4, $0x7  }
0xc6: {  	v5 =	vand.u32 $0x3800, v5;
	v4 =	vand.u32 $0x380, v4  }
0xc7: {  	v4 =	vor.u32 v5, v4;
	v6 =	vand.u32 $0x7F, v3;
	v7 =	vshll.u32 v3, $0x3  }
0xc8: {  	v5 =	vand.u32 $0x400, v7;
	v4 =	vor.u32 v6, v4  }
0xc9: {  	v6 =	vshrl.u32 v3, $0x5;
	v3 =	vor.u32 v5, v4;
	_ =	sdelay $0x1  }
0xca: {  	s16 =	simm.s32 $0x40  }
0xcb: {  	s15 =	simm.s32 $0x10;
	s14 =	simm.s32 $0x2;
	s13 =	simm.s32 $0x1;
	v4 =	vand.u32 $0x7FFFFF8, v6  }
.LBB2_13:
0xcc: {  	p1 =	sne.s32 s14, $0x7F;
	s17 =	sand.u32 $0x10, s15;
	s16 =	sand.u32 $0x3FFFFF80, s16;
	v4 =	vshll.u32 v2, v4  }
0xcd: {  	s16 =	sor.u32 s17, s16;
	[tilespmem:v3+s10+$0x0] =	vst.idx.add.s32.msk $0xffff, v4  }
0xce: {  	v4 =	vld [tilespmem:s16+$0x0]  }
0xcf: {  	s16 =	sshrl.u32 s13, $0x1;
	s13 =	smov.u32 s14  }
0xd0: {  	v3 =	vmov s16  }
0xd1: {  	v5 =	vshll.u32 v3, $0x8;
	v3 =	vshll.u32 v3, $0x7  }
0xd2: {  	v5 =	vand.u32 $0x3800, v5;
	v3 =	vand.u32 $0x380, v3  }
0xd3: {  	v3 =	vor.u32 v5, v3;
	v6 =	vand.u32 $0x7F, v4;
	v7 =	vshll.u32 v4, $0x3  }
.Ltmp5:
0xd4: {  	v5 =	vand.u32 $0x400, v7;
	v3 =	vor.u32 v6, v3;
	(pc) =	sbr.rel @p1 .LBB2_13-.Ltmp5, $3  }
0xd5: {  	v3 =	vor.u32 v5, v3;
	_ =	sdelay $0x1  }
0xd6: {  	v4 =	vshrl.u32 v4, $0x5  }
0xd7: {  	s15 =	sadd.s32 $0x10, s15;
	s14 =	sadd.s32 $0x1, s14;
	s16 =	sshll.u32 s13, $0x6;
	v4 =	vand.u32 $0x7FFFFF8, v4  }
0xd8: {  	_ =	sdelay $0x2  }
0xd9: {  	s14 =	sand.u32 $0x10, s15;
	s31 =	sand.u32 $0x3FFFFF80, s16;
	v4 =	vshll.u32 v2, v4  }
0xda: {  	s14 =	sor.u32 s14, s31;
	[tilespmem:v3+s10+$0x0] =	vst.idx.add.s32.msk $0xffff, v4  }
0xdb: {  	v3 =	vld [tilespmem:s14+$0x0]  }
0xdc: {  	s13 =	sshrl.u32 s13, $0x1  }
0xdd: {  	v62 =	vmov s13  }
0xde: {  	v5 =	vshll.u32 v62, $0x8;
	v4 =	vshll.u32 v62, $0x7  }
0xdf: {  	v5 =	vand.u32 $0x3800, v5;
	v4 =	vand.u32 $0x380, v4  }
0xe0: {  	v4 =	vor.u32 v5, v4;
	v6 =	vand.u32 $0x7F, v3;
	v7 =	vshll.u32 v3, $0x3  }
0xe1: {  	v63 =	vand.u32 $0x400, v7;
	v4 =	vor.u32 v6, v4  }
0xe2: {  	v4 =	vor.u32 v63, v4  }
.Ltmp6:
0xe3: {  	_ = 	snop;
	(pc) =	sbr.rel @p0 .LBB2_10-.Ltmp6, $4  }
0xe4: {  	v3 =	vshrl.u32 v3, $0x5  }
0xe5: {  	v3 =	vand.u32 $0x7FFFFF8, v3  }
0xe6: {  	v3 =	vshll.u32 v2, v3  }
0xe7: {  	p1 =	por $0x0, $0x0;
	s13 =	simm.s32 $0x40;
	[tilespmem:v4+s10+$0x0] =	vst.idx.add.s32.msk $0xffff, v3  }
0xe8: {  	s11 =	sadd.s32 $0x1, s11  }
0xe9: {  	p0 =	sne.s32 s11, s8  }
.Ltmp7:
0xea: {  	_ = 	snop;
	(pc) =	sbr.rel @p0 .LBB2_1-.Ltmp7, $1  }
0xeb: {  	_ =	sdelay $0x3  }
0xec: {  	_ =	sfence.sel $0x180000  }
0xed: {  	[bflag:$0x0] =	sbarrier.arrive $0xFFFF  }
0xee: {  	p0 =	sne.s32 s2, $0x0;
	_ =	strace $0x9000004A  }
0xef: {  	s0 =	sadd.s32 @!p0 $0x100000, s0;
	[bflag:$0x2] =	sbarrier.arrive $0xFFFF  }
0xf0: {  	[sflag:s0] =	ssyncadd.tile.s32 @!p0 $0x1;
	_ =	shalt  }
.Lfunc_end2:
_tile_overlayer_lowered:
.L_overlay_start_2:
0xf1: {  	(tag) =	ssettag $0x2  }
0xf2: {  	s0 =	rddreg [dreg:$0x0];
	s2 =	stileid.u32  }
0xf3: {  	s1 =	rddreg [dreg:$0x1];
	p0 =	sne.s32 s2, $0x0  }
0xf4: {  	s3 =	rddreg [dreg:$0x2];
	[bflag:$0x3] =	sbarrier.arrive $0xFFFF;
	s2 =	simm.s32 @!p0 $0x1C01  }
0xf5: {  	[timem:s3], [sflag:s2] =	dma.local @!p0 [hbm:s0], s1  }
0xf6: {  	s0 =	simm.s32 @!p0 $0x1  }
0xf7: {  	_ =	swait.ge @!p0 [sflag:s0], s1  }
0xf8: {  	s1 =	ssub.s32 @!p0 $0x0, s1;
	[sflag:s0] =	ssyncset.done @!p0 $0x0  }
0xf9: {  	[sflag:s0] =	ssyncadd.s32 @!p0 s1  }
0xfa: {  	[bflag:$0x3] =	sbarrier.arrive $0xFFFF  }
0xfb: {  	_ =	shalt  }

// kernel: kernel.16.cloned.1.call-start
scs
__scs_entry_jumppad:
0x0: {  	(pc) =	sbr.rel $0x88, $3  }
0x1: {  	(tag) =	ssettag $0x0;
	lr =	simm.s32 $0x1  }
0x2: {  	[smem:$0x3F9B] =	sst lr;
	_ =	strace $0xD0000000  }
0x3: {  	_ = 	snop  }
0x4: {  	_ = 	snop  }
0x5: {  	_ = 	snop  }
0x6: {  	_ = 	snop  }
0x7: {  	_ = 	snop  }
__scs_overlays_trampoline_lowered:
0x8: {  	[smem:$0x3FAA] =	sst s0  }
0x9: {  	[smem:$0x3FAB] =	sst s1  }
0xa: {  	[smem:$0x3FAC] =	sst s2  }
0xb: {  	[smem:$0x3FAD] =	sst s3  }
0xc: {  	[smem:$0x3FAE] =	sst s4  }
0xd: {  	[smem:$0x3FAF] =	sst s5  }
0xe: {  	[smem:$0x3FB0] =	sst s6  }
0xf: {  	[smem:$0x3FB1] =	sst s7  }
0x10: {  	[smem:$0x3FB2] =	sst s8  }
0x11: {  	[smem:$0x3FB3] =	sst s9;
	s0 =	simm.s32 @!p0 $0x0  }
0x12: {  	s1 =	sld [smem:$0x3F99];
	s0 =	simm.s32 @p0 $0x1  }
0x13: {  	[smem:$0x3FB4] =	sst s0;
	s0 =	simm.s32 @!p1 $0x0  }
0x14: {  	s2 =	sld [smem:$0x3F98];
	s0 =	simm.s32 @p1 $0x1  }
0x15: {  	[smem:$0x3FB5] =	sst s0;
	s0 =	simm.s32 @!p2 $0x0  }
0x16: {  	s3 =	sld [smem:$0x3FDB];
	s0 =	simm.s32 @p2 $0x1  }
0x17: {  	s4 =	simm.s32 $0x1BF5;
	[smem:$0x3FB7] =	sst s0  }
0x18: {  	s0 =	sld [smem:$0x3F9A];
	_ =	swait.ge [sflag:s4], $0x0  }
0x19: {  	s7 =	sld [smem:$0x3F9B]  }
0x1a: {  	s8 =	sadd.s32 $0xFFFFE003, lr  }
0x1b: {  	s9 =	sadd.s32 $0xFFFFFEF7, lr;
	s5 =	simm.s32 $0xFFFFFFFF;
	p2 =	slt.u32 s8, $0xFFFFF086  }
0x1c: {  	p1 =	slt.u32 s9, $0xF7A;
	s5 =	simm.s32 @!p2 $0x0  }
0x1d: {  	s5 =	simm.s32 @p1 $0x1;
	p0 =	seq.s32 s7, s2  }
0x1e: {  	s7 =	smul.u32 @!p0 $0xF7A, s2;
	p2 =	seq.s32 @!p0 s5, $0x0  }
0x1f: {  	s9 =	smul.u32 $0xF7A, s1;
	s8 =	simm.s32 @!p0 $0x1BF5;
	p2 =	por !p2, p0  }
0x20: {  	[sflag:s8] =	ssyncset.s32 @!p0 $0xFFFFF086;
	s6 =	sadd.s32 @!p0 s3, s7;
	s7 =	simm.s32 @!p0 $0x108  }
0x21: {  	s3 =	sadd.s32 s3, s9;
	s6 =	sadd.s32 @!p0 $0x88, s6;
	s7 =	simm.s32 @p2 $0x1082  }
0x22: {  	[simem:s7], [sflag:s8] =	dma.local @!p0 [hbm:s6], $0xF7A  }
0x23: {  	s9 =	sor.u32 $0xD0000000, s2;
	s6 =	simm.s32 $0x108;
	_ =	swait.ge @!p0 [sflag:s8], $0x0  }
0x24: {  	s3 =	sadd.s32 $0x88, s3;
	s6 =	simm.s32 @!p1 $0x1082;
	[sflag:s4] =	ssyncset.s32 $0xFFFFF086  }
0x25: {  	[simem:s6], [sflag:s4] =	dma.local [hbm:s3], $0xF7A  }
0x26: {  	[smem:$0x3F9B] =	sst s1;
	(tag) =	ssettag s2;
	_ =	strace s9  }
0x27: {  	s1 =	sld [smem:$0x3FAB]  }
0x28: {  	s2 =	sld [smem:$0x3FAC]  }
0x29: {  	s4 =	sld [smem:$0x3FAE]  }
0x2a: {  	p0 =	seq.s32 s5, $0x0;
	s5 =	sld [smem:$0x3FAF]  }
0x2b: {  	s6 =	sld [smem:$0x3FB0]  }
0x2c: {  	s7 =	sld [smem:$0x3FB1]  }
0x2d: {  	s3 =	simm.s32 $0x108;
	s8 =	sld [smem:$0x3FB2]  }
0x2e: {  	s3 =	simm.s32 @!p0 $0x1082;
	s9 =	sld [smem:$0x3FB3]  }
0x2f: {  	lr =	sadd.s32 s0, s3;
	s0 =	sld [smem:$0x3FAA]  }
0x30: {  	s3 =	sld [smem:$0x3FAD]  }
0x31: {  	[smem:$0x3FB6] =	sst s10  }
0x32: {  	s10 =	sld [smem:$0x3FB4];
	_ =	sdelay $0x3  }
0x33: {  	p0 =	seq.s32 s10, $0x1;
	s10 =	sld [smem:$0x3FB6];
	_ =	sdelay $0x3  }
0x34: {  	[smem:$0x3FB6] =	sst s10  }
0x35: {  	s10 =	sld [smem:$0x3FB5];
	_ =	sdelay $0x3  }
0x36: {  	p1 =	seq.s32 s10, $0x1;
	s10 =	sld [smem:$0x3FB6];
	_ =	sdelay $0x3  }
0x37: {  	[smem:$0x3FB6] =	sst s10  }
0x38: {  	s10 =	sld [smem:$0x3FB7]  }
0x39: {  	_ = 	snop;
	(pc) =	sbr.ind lr, $3  }
0x3a: {  	_ = 	snop  }
0x3b: {  	_ = 	snop  }
0x3c: {  	p2 =	seq.s32 s10, $0x1;
	s10 =	sld [smem:$0x3FB6]  }
0x3d: {  	_ =	shalt  }
0x3e: {  	_ =	shalt  }
0x3f: {  	_ =	shalt  }
0x40: {  	_ =	shalt  }
0x41: {  	_ =	shalt  }
0x42: {  	_ =	shalt  }
0x43: {  	_ =	shalt  }
0x44: {  	_ =	shalt  }
0x45: {  	_ =	shalt  }
0x46: {  	_ =	shalt  }
0x47: {  	_ =	shalt  }
0x48: {  	_ =	shalt  }
0x49: {  	_ =	shalt  }
0x4a: {  	_ =	shalt  }
0x4b: {  	_ =	shalt  }
0x4c: {  	_ =	shalt  }
0x4d: {  	_ =	shalt  }
0x4e: {  	_ =	shalt  }
0x4f: {  	_ =	shalt  }
0x50: {  	_ =	shalt  }
0x51: {  	_ =	shalt  }
0x52: {  	_ =	shalt  }
0x53: {  	_ =	shalt  }
0x54: {  	_ =	shalt  }
0x55: {  	_ =	shalt  }
0x56: {  	_ =	shalt  }
0x57: {  	_ =	shalt  }
0x58: {  	_ =	shalt  }
0x59: {  	_ =	shalt  }
0x5a: {  	_ =	shalt  }
0x5b: {  	_ =	shalt  }
0x5c: {  	_ =	shalt  }
0x5d: {  	_ =	shalt  }
0x5e: {  	_ =	shalt  }
0x5f: {  	_ =	shalt  }
0x60: {  	_ =	shalt  }
0x61: {  	_ =	shalt  }
0x62: {  	_ =	shalt  }
0x63: {  	_ =	shalt  }
0x64: {  	_ =	shalt  }
0x65: {  	_ =	shalt  }
0x66: {  	_ =	shalt  }
0x67: {  	_ =	shalt  }
0x68: {  	_ =	shalt  }
0x69: {  	_ =	shalt  }
0x6a: {  	_ =	shalt  }
0x6b: {  	_ =	shalt  }
0x6c: {  	_ =	shalt  }
0x6d: {  	_ =	shalt  }
0x6e: {  	_ =	shalt  }
0x6f: {  	_ =	shalt  }
0x70: {  	_ =	shalt  }
0x71: {  	_ =	shalt  }
0x72: {  	_ =	shalt  }
0x73: {  	_ =	shalt  }
0x74: {  	_ =	shalt  }
0x75: {  	_ =	shalt  }
0x76: {  	_ =	shalt  }
0x77: {  	_ =	shalt  }
0x78: {  	_ =	shalt  }
0x79: {  	_ =	shalt  }
0x7a: {  	_ =	shalt  }
0x7b: {  	_ =	shalt  }
0x7c: {  	_ =	shalt  }
0x7d: {  	_ =	shalt  }
0x7e: {  	_ =	shalt  }
0x7f: {  	_ =	shalt  }
0x80: {  	_ =	shalt  }
0x81: {  	_ =	shalt  }
0x82: {  	_ =	shalt  }
0x83: {  	_ =	shalt  }
0x84: {  	_ =	shalt  }
0x85: {  	_ =	shalt  }
0x86: {  	_ =	shalt  }
0x87: {  	_ =	shalt  }
.Lfunc_end0:
.L_simem_size_0:
called_computation.2_lowered:
.L_overlay_start_0:
0x88: {  	s2 =	sld [smem:$0x3FD9]  }
0x89: {  	s3 =	sld [smem:$0x3FFE];
	_ =	sdelay $0x1  }
0x8a: {  	s1 =	srdreg.scid  }
0x8b: {  	s0 =	sand.u32 $0x1, s1  }
0x8c: {  	s17 =	sshll.u32 s0, $0xA;
	s2 =	sadd.s32 s3, s2  }
0x8d: {  	s2 =	sadd.s32 s2, s17  }
0x8e: {  	[smem:$0x3FC2] =	sst s2  }
0x8f: {  	_ = 	snop  }
0x90: {  	(tm) =	ssettm $0x1  }
0x91: {  	s18 =	sld [smem:$0x3FFB];
	_ =	sdelay $0x3  }
0x92: {  	_ =	strace s18  }
0x93: {  	s2 =	sld [smem:$0x3FFC];
	_ =	sdelay $0x3  }
0x94: {  	_ =	strace s2  }
0x95: {  	s2 =	sld [smem:$0x3FFD];
	_ =	sdelay $0x3  }
0x96: {  	_ =	strace s2  }
0x97: {  	_ =	strace $0x8FFFFFFF  }
0x98: {  	s19 =	sld [smem:$0x3FDB];
	_ =	sdelay $0x1  }
0x99: {  	s20 =	simm.s32 $_scs_section_size  }
0x9a: {  	s4 =	simm.s32 $_size__tile_overlayer_lowered;
	s5 =	simm.s32 $_tile_overlayer_lowered  }
0x9b: {  	s6 =	simm.s32 $0x1BFF;
	s21 =	sshll.u32 s5, $0x1;
	s3 =	sadd.s32 s20, s19  }
0x9c: {  	s22 =	simm.s32 $0x0;
	s4 =	sshll.u32 s4, $0x1;
	s5 =	sadd.s32 s21, s3  }
0x9d: {  	[timem:s22], [sflag:s6] =	dma.local [hbm:s5], s4  }
0x9e: {  	_ =	swait.ge [sflag:s6], s4  }
0x9f: {  	s4 =	ssub.s32 $0x0, s4;
	[sflag:s6] =	ssyncset.done $0x0  }
0xa0: {  	[sflag:s6] =	ssyncadd.s32 s4;
	_ =	sdelay $0x1  }
0xa1: {  	s23 =	simm.s32 $0x1B8B  }
0xa2: {  	_ =	swait.ge [sflag:s23], $0x1  }
0xa3: {  	[sflag:s23] =	ssyncset.done $0x0  }
0xa4: {  	[sflag:s23] =	ssyncadd.s32 $0xFFFFFFFF  }
0xa5: {  	s4 =	sld [smem:$0x0]  }
0xa6: {  	s5 =	sand.u32 $0xFFFFFFFE, s1  }
0xa7: {  	p0 =	sne.s32 s1, s5  }
0xa8: {  	s5 =	sshll.u32 @p0 s5, $0xE  }
0xa9: {  	s5 =	sadd.s32 @p0 $0x11B8D, s5;
	s6 =	sshll.u32 @p0 s4, $0x11  }
0xaa: {  	s5 =	sor.u32 @p0 s6, s5  }
0xab: {  	[sflag:s5] =	ssyncadd.remote.s32 @p0 $0x1;
	_ =	sdelay $0x1  }
0xac: {  	s5 =	simm.s32 @p0 $0x1B8D  }
0xad: {  	_ =	swait.eq @p0 [sflag:s5], $0x1  }
0xae: {  	[sflag:s5] =	ssyncadd.s32 @p0 $0xFFFFFFFF  }
0xaf: {  	s6 =	sshll.u32 @!p0 s1, $0xE  }
0xb0: {  	s6 =	sor.u32 @!p0 $0x4000, s6;
	s5 =	simm.s32 @!p0 $0x1B8D  }
0xb1: {  	s4 =	sshll.u32 @!p0 s4, $0x11;
	s6 =	sadd.s32 @!p0 $0x11B8D, s6;
	_ =	swait.eq @!p0 [sflag:s5], $0x1  }
0xb2: {  	s4 =	sor.u32 @!p0 s4, s6;
	[sflag:s5] =	ssyncadd.s32 @!p0 $0xFFFFFFFF  }
0xb3: {  	s25 =	simm.s32 $0x1B8E;
	s24 =	sld [smem:$0x3FFE];
	[sflag:s4] =	ssyncadd.remote.s32 @!p0 $0x1  }
0xb4: {  	s26 =	simm.s32 $execute0_lowered;
	[smem:$0x3FD2] =	sst s25  }
0xb5: {  	s5 =	sshll.u32 s26, $0x1;
	_ =	strace $0x8000004C;
	[dreg:$0x1] =	wrdreg $0xFFFFFFFF  }
0xb6: {  	s28 =	simm.s32 $_size_execute0_lowered;
	s3 =	sadd.s32 s3, s5;
	[dreg:$0x0] =	wrdreg $0x0  }
0xb7: {  	s5 =	sshll.u32 s28, $0x1;
	[dreg:$0x2] =	wrdreg s3  }
0xb8: {  	[dreg:$0x3] =	wrdreg s5  }
0xb9: {  	[dreg:$0x4] =	wrdreg $0xC0  }
0xba: {  	_ =	task [dreg:s22], $0x5FFFF  }
0xbb: {  	[dreg:$0x1] =	wrdreg $0xFFFFFFFF  }
0xbc: {  	[dreg:$0x0] =	wrdreg $0x60  }
0xbd: {  	[dreg:$0x2] =	wrdreg s24  }
0xbe: {  	[dreg:$0x3] =	wrdreg $0xB  }
0xbf: {  	_ =	task.clear_ibuf [dreg:s22], $0x4FFFF;
	_ =	strace $0x9000004C  }
0xc0: {  	s29 =	simm.s32 $0xB;
	_ =	strace $0x8000004E  }
0xc1: {  	_ =	swait.ge [sflag:s29], $0x1  }
0xc2: {  	[sflag:s29] =	ssyncadd.s32 $0xFFFFFFFF  }
0xc3: {  	_ =	strace $0x9000004E  }
0xc4: {  	_ =	sfence  }
0xc5: {  	s30 =	sld [smem:$0x0];
	_ =	sdelay $0x2  }
0xc6: {  	s31 =	sshll.u32 s1, $0xD;
	s1 =	sshrl.u32 s1, $0x2  }
0xc7: {  	s4 =	sand.u32 $0x4000, s31;
	s1 =	sadd.s32 s1, s30  }
0xc8: {  	s0 =	sor.u32 s4, s0;
	s1 =	sshll.u32 s1, $0x11  }
0xc9: {  	s0 =	sor.u32 s1, s0  }
0xca: {  	s0 =	sadd.s32 $0x8F2B, s0  }
0xcb: {  	[sflag:s0] =	ssyncadd.remote.s32 $0x1  }
0xcc: {  	_ =	sfence.sel $0xFFFF  }
0xcd: {  	[dreg:$0x0] =	wrdreg $0xFFFFFFFF;
	(pc) =	sbr.abs _section_cstart, $3  }
0xce: {  	[dreg:$0x1] =	wrdreg $0xFFFFFFFF  }
0xcf: {  	_ =	task.clear_ibuf [dreg:s22], $0x2FFFF;
	_ =	strace $0x9FFFFFFF  }
0xd0: {  	(tm) =	ssettm $0x7FFFFFFF  }
0xd1: {  	_ =	shalt  }
tec
execute0_lowered:
.L_overlay_start_1:
0x0: {  	(tag) =	ssettag $0x1  }
0x1: {  	s6 =	rddreg [dreg:$0x0]  }
0x2: {  	s0 =	rddreg [dreg:$0x1];
	s1 =	simm.s32 $0x0;
	s2 =	srdreg.scid  }
0x3: {  	s10 =	simm.s32 $0x2000;
	s11 =	simm.s32 $0x0;
	[smem:$0x7FF] =	sst s1  }
0x4: {  	s7 =	sand.u32 $0x1, s2;
	s3 =	sadd.s32 $0xC3C00, s6;
	s4 =	sadd.s32 $0xD3C00, s6  }
0x5: {  	s5 =	sadd.s32 $0xE3C00, s6;
	s2 =	stileid.u32;
	s8 =	ssub.s32 $0x2, s7  }
0x6: {  	s6 =	sadd.s32 $0x103C00, s6;
	_ =	strace $0x8000004D;
	s9 =	sshrl.u32 s8, $0x1  }
0x7: {  	s31 =	sshll.u32 s2, $0x8;
	s7 =	sshll.u32 s7, $0x7;
	s8 =	ssub.s32 s8, s9  }
0x8: {  	v0 =	vimm.s32 $0x0;
	v1 =	vimm.s32 $0x1;
	v2 =	vimm.s32 $0xFFFFFFFF;
	s7 =	sor.u32 s7, s31;
	s9 =	simm.s32 $0x1;
	s8 =	smax.u32 s8, $0x1  }
.LBB2_1:
0x9: {  	s12 =	sand.u32 $0x3800, s1;
	s13 =	sand.u32 $0x380, s1  }
0xa: {  	s12 =	sor.u32 s13, s12  }
0xb: {  	[tilespmem:s12+$0x2470] =	vst v0  }
0xc: {  	[tilespmem:s12+$0x2000] =	vst v0  }
0xd: {  	[tilespmem:s12+$0x2010] =	vst v0  }
0xe: {  	[tilespmem:s12+$0x2020] =	vst v0  }
0xf: {  	[tilespmem:s12+$0x2030] =	vst v0  }
0x10: {  	[tilespmem:s12+$0x2040] =	vst v0  }
0x11: {  	[tilespmem:s12+$0x2050] =	vst v0  }
0x12: {  	[tilespmem:s12+$0x2060] =	vst v0  }
0x13: {  	[tilespmem:s12+$0x2070] =	vst v0  }
0x14: {  	[tilespmem:s12+$0x2400] =	vst v0  }
0x15: {  	[tilespmem:s12+$0x2410] =	vst v0  }
0x16: {  	[tilespmem:s12+$0x2420] =	vst v0  }
0x17: {  	[tilespmem:s12+$0x2430] =	vst v0  }
0x18: {  	s14 =	simm.s32 $0x100;
	s13 =	simm.s32 $0x80;
	[tilespmem:s12+$0x2440] =	vst v0  }
0x19: {  	s15 =	sand.u32 $0x3800, s14;
	s14 =	simm.s32 $0x200;
	s16 =	sand.u32 $0x380, s13;
	[tilespmem:s12+$0x2450] =	vst v0  }
.LBB2_2:
0x1a: {  	p0 =	sne.s32 s14, $0x3F00;
	[tilespmem:s12+$0x2460] =	vst v0;
	s12 =	sor.u32 s16, s15  }
0x1b: {  	[tilespmem:s12+$0x2470] =	vst v0  }
0x1c: {  	[tilespmem:s12+$0x2000] =	vst v0  }
0x1d: {  	[tilespmem:s12+$0x2010] =	vst v0  }
0x1e: {  	[tilespmem:s12+$0x2020] =	vst v0  }
0x1f: {  	[tilespmem:s12+$0x2030] =	vst v0  }
0x20: {  	[tilespmem:s12+$0x2040] =	vst v0  }
0x21: {  	[tilespmem:s12+$0x2050] =	vst v0  }
0x22: {  	[tilespmem:s12+$0x2060] =	vst v0  }
0x23: {  	[tilespmem:s12+$0x2070] =	vst v0  }
0x24: {  	[tilespmem:s12+$0x2400] =	vst v0  }
.Ltmp0:
0x25: {  	[tilespmem:s12+$0x2410] =	vst v0;
	(pc) =	sbr.rel @p0 .LBB2_2-.Ltmp0, $4  }
0x26: {  	[tilespmem:s12+$0x2420] =	vst v0  }
0x27: {  	[tilespmem:s12+$0x2430] =	vst v0  }
0x28: {  	s13 =	sadd.s32 $0x80, s13;
	[tilespmem:s12+$0x2440] =	vst v0  }
0x29: {  	s15 =	sand.u32 $0x3800, s14;
	s14 =	sadd.s32 $0x100, s14;
	s16 =	sand.u32 $0x380, s13;
	[tilespmem:s12+$0x2450] =	vst v0  }
0x2a: {  	s13 =	sor.u32 s16, s15;
	[tilespmem:s12+$0x2460] =	vst v0  }
0x2b: {  	[tilespmem:s13+$0x2470] =	vst v0  }
0x2c: {  	[tilespmem:s13+$0x2000] =	vst v0  }
0x2d: {  	[tilespmem:s13+$0x2010] =	vst v0  }
0x2e: {  	[tilespmem:s13+$0x2020] =	vst v0  }
0x2f: {  	[tilespmem:s13+$0x2030] =	vst v0  }
0x30: {  	[tilespmem:s13+$0x2040] =	vst v0  }
0x31: {  	[tilespmem:s13+$0x2050] =	vst v0  }
0x32: {  	[tilespmem:s13+$0x2060] =	vst v0  }
0x33: {  	[tilespmem:s13+$0x2070] =	vst v0  }
0x34: {  	[tilespmem:s13+$0x2400] =	vst v0  }
0x35: {  	[tilespmem:s13+$0x2410] =	vst v0  }
0x36: {  	[tilespmem:s13+$0x2420] =	vst v0  }
0x37: {  	[tilespmem:s13+$0x2430] =	vst v0  }
0x38: {  	[tilespmem:s13+$0x2440] =	vst v0  }
0x39: {  	[tilespmem:s13+$0x2450] =	vst v0  }
0x3a: {  	p2 =	por $0x1, $0x1;
	s14 =	simm.s32 $0x0;
	[tilespmem:s13+$0x2460] =	vst v0;
	s13 =	simm.s32 $0x0  }
.LBB2_4:
0x3b: {  	s12 =	sor.u32 s7, s14  }
0x3c: {  	s14 =	sshll.u32 s12, $0x4  }
0x3d: {  	s14 =	sadd.s32 s3, s14  }
0x3e: {  	[tilespmem:s13], [sflag:$0x1] =	stream.linear.gather [hbm4b:s14+s13], $0x2000, $0x38;
	[tilespmem:$0x6000] =	vst v63  }
0x3f: {  	s30 =	simm.s32 $0x0;
	_ =	swait.ge [sflag:s9], $0x2000  }
0x40: {  	s15 =	sand.u32 $0x10, s13;
	s14 =	sand.u32 $0x3FFFFF80, s30;
	[sflag:s9] =	ssyncset.done $0x0  }
0x41: {  	s14 =	sor.u32 s15, s14;
	[sflag:s9] =	ssyncadd.s32 $0xFFFFE000  }
0x42: {  	v3 =	vld [tilespmem:s14+$0x0]  }
0x43: {  	s31 =	simm.s32 $0x0  }
0x44: {  	v4 =	vmov s31  }
0x45: {  	v5 =	vshll.u32 v4, $0x8;
	v4 =	vshll.u32 v4, $0x7  }
0x46: {  	v5 =	vand.u32 $0x3800, v5;
	v4 =	vand.u32 $0x380, v4  }
0x47: {  	v4 =	vor.u32 v5, v4;
	v6 =	vand.u32 $0x7F, v3;
	v7 =	vshll.u32 v3, $0x3  }
0x48: {  	v5 =	vand.u32 $0x400, v7;
	v4 =	vor.u32 v6, v4  }
0x49: {  	v6 =	vshrl.u32 v3, $0x5;
	v3 =	vor.u32 v5, v4;
	_ =	sdelay $0x1  }
0x4a: {  	p0 =	por p2, p2;
	s17 =	simm.s32 $0x40  }
0x4b: {  	s16 =	simm.s32 $0x10;
	s15 =	simm.s32 $0x2;
	s14 =	simm.s32 $0x1;
	v4 =	vand.u32 $0x7FFFFF8, v6  }
.LBB2_5:
0x4c: {  	p1 =	sne.s32 s15, $0x7F;
	s18 =	sand.u32 $0x10, s16;
	s17 =	sand.u32 $0x3FFFFF80, s17;
	v4 =	vshll.u32 v1, v4  }
0x4d: {  	s17 =	sor.u32 s18, s17;
	[tilespmem:v3+s10+$0x0] =	vst.idx.add.s32.msk $0xffff, v4  }
0x4e: {  	v4 =	vld [tilespmem:s17+$0x0]  }
0x4f: {  	s17 =	sshrl.u32 s14, $0x1;
	s14 =	smov.u32 s15  }
0x50: {  	v3 =	vmov s17  }
0x51: {  	v5 =	vshll.u32 v3, $0x8;
	v3 =	vshll.u32 v3, $0x7  }
0x52: {  	v5 =	vand.u32 $0x3800, v5;
	v3 =	vand.u32 $0x380, v3  }
0x53: {  	v3 =	vor.u32 v5, v3;
	v6 =	vand.u32 $0x7F, v4;
	v7 =	vshll.u32 v4, $0x3  }
.Ltmp1:
0x54: {  	v5 =	vand.u32 $0x400, v7;
	v3 =	vor.u32 v6, v3;
	(pc) =	sbr.rel @p1 .LBB2_5-.Ltmp1, $3  }
0x55: {  	v3 =	vor.u32 v5, v3;
	_ =	sdelay $0x1  }
0x56: {  	v4 =	vshrl.u32 v4, $0x5  }
0x57: {  	s16 =	sadd.s32 $0x10, s16;
	s15 =	sadd.s32 $0x1, s15;
	s17 =	sshll.u32 s14, $0x6;
	v4 =	vand.u32 $0x7FFFFF8, v4  }
0x58: {  	_ =	sdelay $0x2  }
0x59: {  	s15 =	sand.u32 $0x10, s16;
	s28 =	sand.u32 $0x3FFFFF80, s17;
	v4 =	vshll.u32 v1, v4  }
0x5a: {  	s15 =	sor.u32 s15, s28;
	[tilespmem:v3+s10+$0x0] =	vst.idx.add.s32.msk $0xffff, v4  }
0x5b: {  	v3 =	vld [tilespmem:s15+$0x0]  }
0x5c: {  	s14 =	sshrl.u32 s14, $0x1  }
0x5d: {  	v4 =	vmov s14  }
0x5e: {  	v5 =	vshll.u32 v4, $0x8;
	v4 =	vshll.u32 v4, $0x7  }
0x5f: {  	v5 =	vand.u32 $0x3800, v5;
	v4 =	vand.u32 $0x380, v4  }
0x60: {  	v4 =	vor.u32 v5, v4;
	v6 =	vand.u32 $0x7F, v3;
	v7 =	vshll.u32 v3, $0x3  }
0x61: {  	v5 =	vand.u32 $0x400, v7;
	v4 =	vor.u32 v6, v4  }
0x62: {  	v4 =	vor.u32 v5, v4;
	_ =	sdelay $0x1  }
0x63: {  	v3 =	vshrl.u32 v3, $0x5  }
0x64: {  	v3 =	vand.u32 $0x7FFFFF8, v3  }
0x65: {  	s12 =	sshll.u32 s12, $0x5;
	v3 =	vshll.u32 v1, v3  }
0x66: {  	s29 =	simm.s32 $0x0;
	s12 =	sadd.s32 s5, s12;
	[tilespmem:v4+s10+$0x0] =	vst.idx.add.s32.msk $0xffff, v3  }
0x67: {  	[hbm4b:s12+s29] =	stream.linear.scatter [tilespmem:s10], [sflag:$0x1], $0x4000, $0x38;
	[tilespmem:$0x6000] =	vst v63  }
0x68: {  	s30 =	simm.s32 $0x0;
	_ =	swait.ge [sflag:s9], $0x4000  }
0x69: {  	s14 =	sand.u32 $0x10, s29;
	s12 =	sand.u32 $0x3FFFFF80, s30;
	[sflag:s9] =	ssyncset.done $0x0  }
0x6a: {  	s12 =	sor.u32 s14, s12;
	[sflag:s9] =	ssyncadd.s32 $0xFFFFC000  }
0x6b: {  	v3 =	vld [tilespmem:s12+$0x0]  }
0x6c: {  	s31 =	simm.s32 $0x0  }
0x6d: {  	v4 =	vmov s31  }
0x6e: {  	v5 =	vshll.u32 v4, $0x8;
	v4 =	vshll.u32 v4, $0x7  }
0x6f: {  	v5 =	vand.u32 $0x3800, v5;
	v4 =	vand.u32 $0x380, v4  }
0x70: {  	v4 =	vor.u32 v5, v4;
	v6 =	vand.u32 $0x7F, v3;
	v7 =	vshll.u32 v3, $0x3  }
0x71: {  	v5 =	vand.u32 $0x400, v7;
	v4 =	vor.u32 v6, v4  }
0x72: {  	v6 =	vshrl.u32 v3, $0x5;
	v3 =	vor.u32 v5, v4;
	_ =	sdelay $0x1  }
0x73: {  	s16 =	simm.s32 $0x40  }
0x74: {  	s15 =	simm.s32 $0x10;
	s14 =	simm.s32 $0x2;
	s12 =	simm.s32 $0x1;
	v4 =	vand.u32 $0x7FFFFF8, v6  }
.LBB2_7:
0x75: {  	p1 =	sne.s32 s14, $0x7F;
	s17 =	sand.u32 $0x10, s15;
	s16 =	sand.u32 $0x3FFFFF80, s16;
	v4 =	vshll.u32 v2, v4  }
0x76: {  	s16 =	sor.u32 s17, s16;
	[tilespmem:v3+s10+$0x0] =	vst.idx.add.s32.msk $0xffff, v4  }
0x77: {  	v4 =	vld [tilespmem:s16+$0x0]  }
0x78: {  	s16 =	sshrl.u32 s12, $0x1;
	s12 =	smov.u32 s14  }
0x79: {  	v3 =	vmov s16  }
0x7a: {  	v5 =	vshll.u32 v3, $0x8;
	v3 =	vshll.u32 v3, $0x7  }
0x7b: {  	v5 =	vand.u32 $0x3800, v5;
	v3 =	vand.u32 $0x380, v3  }
0x7c: {  	v3 =	vor.u32 v5, v3;
	v6 =	vand.u32 $0x7F, v4;
	v7 =	vshll.u32 v4, $0x3  }
.Ltmp2:
0x7d: {  	v5 =	vand.u32 $0x400, v7;
	v3 =	vor.u32 v6, v3;
	(pc) =	sbr.rel @p1 .LBB2_7-.Ltmp2, $3  }
0x7e: {  	v3 =	vor.u32 v5, v3;
	_ =	sdelay $0x1  }
0x7f: {  	v4 =	vshrl.u32 v4, $0x5  }
0x80: {  	s15 =	sadd.s32 $0x10, s15;
	s14 =	sadd.s32 $0x1, s14;
	s16 =	sshll.u32 s12, $0x6;
	v4 =	vand.u32 $0x7FFFFF8, v4  }
0x81: {  	_ =	sdelay $0x2  }
0x82: {  	s14 =	sand.u32 $0x10, s15;
	s31 =	sand.u32 $0x3FFFFF80, s16;
	v4 =	vshll.u32 v2, v4  }
0x83: {  	s14 =	sor.u32 s14, s31;
	[tilespmem:v3+s10+$0x0] =	vst.idx.add.s32.msk $0xffff, v4  }
0x84: {  	v3 =	vld [tilespmem:s14+$0x0]  }
0x85: {  	s12 =	sshrl.u32 s12, $0x1  }
0x86: {  	v62 =	vmov s12  }
0x87: {  	v5 =	vshll.u32 v62, $0x8;
	v4 =	vshll.u32 v62, $0x7  }
0x88: {  	v5 =	vand.u32 $0x3800, v5;
	v4 =	vand.u32 $0x380, v4  }
0x89: {  	v4 =	vor.u32 v5, v4;
	v6 =	vand.u32 $0x7F, v3;
	v7 =	vshll.u32 v3, $0x3  }
0x8a: {  	v63 =	vand.u32 $0x400, v7;
	v4 =	vor.u32 v6, v4  }
0x8b: {  	v4 =	vor.u32 v63, v4  }
.Ltmp3:
0x8c: {  	_ = 	snop;
	(pc) =	sbr.rel @p0 .LBB2_4-.Ltmp3, $4  }
0x8d: {  	v3 =	vshrl.u32 v3, $0x5  }
0x8e: {  	v3 =	vand.u32 $0x7FFFFF8, v3  }
0x8f: {  	p1 =	por $0x1, $0x1;
	v3 =	vshll.u32 v2, v3  }
0x90: {  	p2 =	por $0x0, $0x0;
	s12 =	simm.s32 $0x0;
	s14 =	simm.s32 $0x40;
	[tilespmem:v4+s10+$0x0] =	vst.idx.add.s32.msk $0xffff, v3  }
0x91: {  	s13 =	simm.s32 $0x0  }
.LBB2_10:
0x92: {  	s13 =	sor.u32 s7, s13  }
0x93: {  	s14 =	sshll.u32 s13, $0x4  }
0x94: {  	s14 =	sadd.s32 s4, s14  }
0x95: {  	[tilespmem:s12], [sflag:$0x1] =	stream.linear.gather [hbm4b:s14+s12], $0x2000, $0x38;
	[tilespmem:$0x6000] =	vst v63  }
0x96: {  	s30 =	simm.s32 $0x0;
	_ =	swait.ge [sflag:s9], $0x2000  }
0x97: {  	s15 =	sand.u32 $0x10, s12;
	s14 =	sand.u32 $0x3FFFFF80, s30;
	[sflag:s9] =	ssyncset.done $0x0  }
0x98: {  	s14 =	sor.u32 s15, s14;
	[sflag:s9] =	ssyncadd.s32 $0xFFFFE000  }
0x99: {  	v3 =	vld [tilespmem:s14+$0x0]  }
0x9a: {  	s31 =	simm.s32 $0x0  }
0x9b: {  	v4 =	vmov s31  }
0x9c: {  	v5 =	vshll.u32 v4, $0x8;
	v4 =	vshll.u32 v4, $0x7  }
0x9d: {  	v5 =	vand.u32 $0x3800, v5;
	v4 =	vand.u32 $0x380, v4  }
0x9e: {  	v4 =	vor.u32 v5, v4;
	v6 =	vand.u32 $0x7F, v3;
	v7 =	vshll.u32 v3, $0x3  }
0x9f: {  	v5 =	vand.u32 $0x400, v7;
	v4 =	vor.u32 v6, v4  }
0xa0: {  	v6 =	vshrl.u32 v3, $0x5;
	v3 =	vor.u32 v5, v4;
	_ =	sdelay $0x1  }
0xa1: {  	p0 =	por p1, p1;
	s17 =	simm.s32 $0x40  }
0xa2: {  	s16 =	simm.s32 $0x10;
	s15 =	simm.s32 $0x2;
	s14 =	simm.s32 $0x1;
	v4 =	vand.u32 $0x7FFFFF8, v6  }
.LBB2_11:
0xa3: {  	p1 =	sne.s32 s15, $0x7F;
	s18 =	sand.u32 $0x10, s16;
	s17 =	sand.u32 $0x3FFFFF80, s17;
	v4 =	vshll.u32 v1, v4  }
0xa4: {  	s17 =	sor.u32 s18, s17;
	[tilespmem:v3+s10+$0x0] =	vst.idx.add.s32.msk $0xffff, v4  }
0xa5: {  	v4 =	vld [tilespmem:s17+$0x0]  }
0xa6: {  	s17 =	sshrl.u32 s14, $0x1;
	s14 =	smov.u32 s15  }
0xa7: {  	v3 =	vmov s17  }
0xa8: {  	v5 =	vshll.u32 v3, $0x8;
	v3 =	vshll.u32 v3, $0x7  }
0xa9: {  	v5 =	vand.u32 $0x3800, v5;
	v3 =	vand.u32 $0x380, v3  }
0xaa: {  	v3 =	vor.u32 v5, v3;
	v6 =	vand.u32 $0x7F, v4;
	v7 =	vshll.u32 v4, $0x3  }
.Ltmp4:
0xab: {  	v5 =	vand.u32 $0x400, v7;
	v3 =	vor.u32 v6, v3;
	(pc) =	sbr.rel @p1 .LBB2_11-.Ltmp4, $3  }
0xac: {  	v3 =	vor.u32 v5, v3;
	_ =	sdelay $0x1  }
0xad: {  	v4 =	vshrl.u32 v4, $0x5  }
0xae: {  	s16 =	sadd.s32 $0x10, s16;
	s15 =	sadd.s32 $0x1, s15;
	s17 =	sshll.u32 s14, $0x6;
	v4 =	vand.u32 $0x7FFFFF8, v4  }
0xaf: {  	_ =	sdelay $0x2  }
0xb0: {  	s15 =	sand.u32 $0x10, s16;
	s28 =	sand.u32 $0x3FFFFF80, s17;
	v4 =	vshll.u32 v1, v4  }
0xb1: {  	s15 =	sor.u32 s15, s28;
	[tilespmem:v3+s10+$0x0] =	vst.idx.add.s32.msk $0xffff, v4  }
0xb2: {  	v3 =	vld [tilespmem:s15+$0x0]  }
0xb3: {  	s14 =	sshrl.u32 s14, $0x1  }
0xb4: {  	v4 =	vmov s14  }
0xb5: {  	v5 =	vshll.u32 v4, $0x8;
	v4 =	vshll.u32 v4, $0x7  }
0xb6: {  	v5 =	vand.u32 $0x3800, v5;
	v4 =	vand.u32 $0x380, v4  }
0xb7: {  	v4 =	vor.u32 v5, v4;
	v6 =	vand.u32 $0x7F, v3;
	v7 =	vshll.u32 v3, $0x3  }
0xb8: {  	v5 =	vand.u32 $0x400, v7;
	v4 =	vor.u32 v6, v4  }
0xb9: {  	v4 =	vor.u32 v5, v4;
	_ =	sdelay $0x1  }
0xba: {  	v3 =	vshrl.u32 v3, $0x5  }
0xbb: {  	v3 =	vand.u32 $0x7FFFFF8, v3  }
0xbc: {  	s13 =	sshll.u32 s13, $0x5;
	v3 =	vshll.u32 v1, v3  }
0xbd: {  	s29 =	simm.s32 $0x0;
	s13 =	sadd.s32 s6, s13;
	[tilespmem:v4+s10+$0x0] =	vst.idx.add.s32.msk $0xffff, v3  }
0xbe: {  	[hbm4b:s13+s29] =	stream.linear.scatter [tilespmem:s10], [sflag:$0x1], $0x4000, $0x38;
	[tilespmem:$0x6000] =	vst v63  }
0xbf: {  	s30 =	simm.s32 $0x0;
	_ =	swait.ge [sflag:s9], $0x4000  }
0xc0: {  	s14 =	sand.u32 $0x10, s29;
	s13 =	sand.u32 $0x3FFFFF80, s30;
	[sflag:s9] =	ssyncset.done $0x0  }
0xc1: {  	s13 =	sor.u32 s14, s13;
	[sflag:s9] =	ssyncadd.s32 $0xFFFFC000  }
0xc2: {  	v3 =	vld [tilespmem:s13+$0x0]  }
0xc3: {  	s31 =	simm.s32 $0x0  }
0xc4: {  	v4 =	vmov s31  }
0xc5: {  	v5 =	vshll.u32 v4, $0x8;
	v4 =	vshll.u32 v4, $0x7  }
0xc6: {  	v5 =	vand.u32 $0x3800, v5;
	v4 =	vand.u32 $0x380, v4  }
0xc7: {  	v4 =	vor.u32 v5, v4;
	v6 =	vand.u32 $0x7F, v3;
	v7 =	vshll.u32 v3, $0x3  }
0xc8: {  	v5 =	vand.u32 $0x400, v7;
	v4 =	vor.u32 v6, v4  }
0xc9: {  	v6 =	vshrl.u32 v3, $0x5;
	v3 =	vor.u32 v5, v4;
	_ =	sdelay $0x1  }
0xca: {  	s16 =	simm.s32 $0x40  }
0xcb: {  	s15 =	simm.s32 $0x10;
	s14 =	simm.s32 $0x2;
	s13 =	simm.s32 $0x1;
	v4 =	vand.u32 $0x7FFFFF8, v6  }
.LBB2_13:
0xcc: {  	p1 =	sne.s32 s14, $0x7F;
	s17 =	sand.u32 $0x10, s15;
	s16 =	sand.u32 $0x3FFFFF80, s16;
	v4 =	vshll.u32 v2, v4  }
0xcd: {  	s16 =	sor.u32 s17, s16;
	[tilespmem:v3+s10+$0x0] =	vst.idx.add.s32.msk $0xffff, v4  }
0xce: {  	v4 =	vld [tilespmem:s16+$0x0]  }
0xcf: {  	s16 =	sshrl.u32 s13, $0x1;
	s13 =	smov.u32 s14  }
0xd0: {  	v3 =	vmov s16  }
0xd1: {  	v5 =	vshll.u32 v3, $0x8;
	v3 =	vshll.u32 v3, $0x7  }
0xd2: {  	v5 =	vand.u32 $0x3800, v5;
	v3 =	vand.u32 $0x380, v3  }
0xd3: {  	v3 =	vor.u32 v5, v3;
	v6 =	vand.u32 $0x7F, v4;
	v7 =	vshll.u32 v4, $0x3  }
.Ltmp5:
0xd4: {  	v5 =	vand.u32 $0x400, v7;
	v3 =	vor.u32 v6, v3;
	(pc) =	sbr.rel @p1 .LBB2_13-.Ltmp5, $3  }
0xd5: {  	v3 =	vor.u32 v5, v3;
	_ =	sdelay $0x1  }
0xd6: {  	v4 =	vshrl.u32 v4, $0x5  }
0xd7: {  	s15 =	sadd.s32 $0x10, s15;
	s14 =	sadd.s32 $0x1, s14;
	s16 =	sshll.u32 s13, $0x6;
	v4 =	vand.u32 $0x7FFFFF8, v4  }
0xd8: {  	_ =	sdelay $0x2  }
0xd9: {  	s14 =	sand.u32 $0x10, s15;
	s31 =	sand.u32 $0x3FFFFF80, s16;
	v4 =	vshll.u32 v2, v4  }
0xda: {  	s14 =	sor.u32 s14, s31;
	[tilespmem:v3+s10+$0x0] =	vst.idx.add.s32.msk $0xffff, v4  }
0xdb: {  	v3 =	vld [tilespmem:s14+$0x0]  }
0xdc: {  	s13 =	sshrl.u32 s13, $0x1  }
0xdd: {  	v62 =	vmov s13  }
0xde: {  	v5 =	vshll.u32 v62, $0x8;
	v4 =	vshll.u32 v62, $0x7  }
0xdf: {  	v5 =	vand.u32 $0x3800, v5;
	v4 =	vand.u32 $0x380, v4  }
0xe0: {  	v4 =	vor.u32 v5, v4;
	v6 =	vand.u32 $0x7F, v3;
	v7 =	vshll.u32 v3, $0x3  }
0xe1: {  	v63 =	vand.u32 $0x400, v7;
	v4 =	vor.u32 v6, v4  }
0xe2: {  	v4 =	vor.u32 v63, v4  }
.Ltmp6:
0xe3: {  	_ = 	snop;
	(pc) =	sbr.rel @p0 .LBB2_10-.Ltmp6, $4  }
0xe4: {  	v3 =	vshrl.u32 v3, $0x5  }
0xe5: {  	v3 =	vand.u32 $0x7FFFFF8, v3  }
0xe6: {  	v3 =	vshll.u32 v2, v3  }
0xe7: {  	p1 =	por $0x0, $0x0;
	s13 =	simm.s32 $0x40;
	[tilespmem:v4+s10+$0x0] =	vst.idx.add.s32.msk $0xffff, v3  }
0xe8: {  	s11 =	sadd.s32 $0x1, s11  }
0xe9: {  	p0 =	sne.s32 s11, s8  }
.Ltmp7:
0xea: {  	_ = 	snop;
	(pc) =	sbr.rel @p0 .LBB2_1-.Ltmp7, $1  }
0xeb: {  	_ =	sdelay $0x3  }
0xec: {  	_ =	sfence.sel $0x180000  }
0xed: {  	[bflag:$0x0] =	sbarrier.arrive $0xFFFF  }
0xee: {  	p0 =	sne.s32 s2, $0x0;
	_ =	strace $0x9000004D  }
0xef: {  	s0 =	sadd.s32 @!p0 $0x100000, s0;
	[bflag:$0x2] =	sbarrier.arrive $0xFFFF  }
0xf0: {  	[sflag:s0] =	ssyncadd.tile.s32 @!p0 $0x1;
	_ =	shalt  }
.Lfunc_end2:
_tile_overlayer_lowered:
.L_overlay_start_2:
0xf1: {  	(tag) =	ssettag $0x2  }
0xf2: {  	s0 =	rddreg [dreg:$0x0];
	s2 =	stileid.u32  }
0xf3: {  	s1 =	rddreg [dreg:$0x1];
	p0 =	sne.s32 s2, $0x0  }
0xf4: {  	s3 =	rddreg [dreg:$0x2];
	[bflag:$0x3] =	sbarrier.arrive $0xFFFF;
	s2 =	simm.s32 @!p0 $0x1C01  }
0xf5: {  	[timem:s3], [sflag:s2] =	dma.local @!p0 [hbm:s0], s1  }
0xf6: {  	s0 =	simm.s32 @!p0 $0x1  }
0xf7: {  	_ =	swait.ge @!p0 [sflag:s0], s1  }
0xf8: {  	s1 =	ssub.s32 @!p0 $0x0, s1;
	[sflag:s0] =	ssyncset.done @!p0 $0x0  }
0xf9: {  	[sflag:s0] =	ssyncadd.s32 @!p0 s1  }
0xfa: {  	[bflag:$0x3] =	sbarrier.arrive $0xFFFF  }
0xfb: {  	_ =	shalt  }

// kernel: kernel.19.cloned.1.call-start
scs
__scs_entry_jumppad:
0x0: {  	(pc) =	sbr.rel $0x88, $3  }
0x1: {  	(tag) =	ssettag $0x0;
	lr =	simm.s32 $0x1  }
0x2: {  	[smem:$0x3F9B] =	sst lr;
	_ =	strace $0xD0000000  }
0x3: {  	_ = 	snop  }
0x4: {  	_ = 	snop  }
0x5: {  	_ = 	snop  }
0x6: {  	_ = 	snop  }
0x7: {  	_ = 	snop  }
__scs_overlays_trampoline_lowered:
0x8: {  	[smem:$0x3FAA] =	sst s0  }
0x9: {  	[smem:$0x3FAB] =	sst s1  }
0xa: {  	[smem:$0x3FAC] =	sst s2  }
0xb: {  	[smem:$0x3FAD] =	sst s3  }
0xc: {  	[smem:$0x3FAE] =	sst s4  }
0xd: {  	[smem:$0x3FAF] =	sst s5  }
0xe: {  	[smem:$0x3FB0] =	sst s6  }
0xf: {  	[smem:$0x3FB1] =	sst s7  }
0x10: {  	[smem:$0x3FB2] =	sst s8  }
0x11: {  	[smem:$0x3FB3] =	sst s9;
	s0 =	simm.s32 @!p0 $0x0  }
0x12: {  	s1 =	sld [smem:$0x3F99];
	s0 =	simm.s32 @p0 $0x1  }
0x13: {  	[smem:$0x3FB4] =	sst s0;
	s0 =	simm.s32 @!p1 $0x0  }
0x14: {  	s2 =	sld [smem:$0x3F98];
	s0 =	simm.s32 @p1 $0x1  }
0x15: {  	[smem:$0x3FB5] =	sst s0;
	s0 =	simm.s32 @!p2 $0x0  }
0x16: {  	s3 =	sld [smem:$0x3FDB];
	s0 =	simm.s32 @p2 $0x1  }
0x17: {  	s4 =	simm.s32 $0x1BF5;
	[smem:$0x3FB7] =	sst s0  }
0x18: {  	s0 =	sld [smem:$0x3F9A];
	_ =	swait.ge [sflag:s4], $0x0  }
0x19: {  	s7 =	sld [smem:$0x3F9B]  }
0x1a: {  	s8 =	sadd.s32 $0xFFFFE003, lr  }
0x1b: {  	s9 =	sadd.s32 $0xFFFFFEF7, lr;
	s5 =	simm.s32 $0xFFFFFFFF;
	p2 =	slt.u32 s8, $0xFFFFF086  }
0x1c: {  	p1 =	slt.u32 s9, $0xF7A;
	s5 =	simm.s32 @!p2 $0x0  }
0x1d: {  	s5 =	simm.s32 @p1 $0x1;
	p0 =	seq.s32 s7, s2  }
0x1e: {  	s7 =	smul.u32 @!p0 $0xF7A, s2;
	p2 =	seq.s32 @!p0 s5, $0x0  }
0x1f: {  	s9 =	smul.u32 $0xF7A, s1;
	s8 =	simm.s32 @!p0 $0x1BF5;
	p2 =	por !p2, p0  }
0x20: {  	[sflag:s8] =	ssyncset.s32 @!p0 $0xFFFFF086;
	s6 =	sadd.s32 @!p0 s3, s7;
	s7 =	simm.s32 @!p0 $0x108  }
0x21: {  	s3 =	sadd.s32 s3, s9;
	s6 =	sadd.s32 @!p0 $0x88, s6;
	s7 =	simm.s32 @p2 $0x1082  }
0x22: {  	[simem:s7], [sflag:s8] =	dma.local @!p0 [hbm:s6], $0xF7A  }
0x23: {  	s9 =	sor.u32 $0xD0000000, s2;
	s6 =	simm.s32 $0x108;
	_ =	swait.ge @!p0 [sflag:s8], $0x0  }
0x24: {  	s3 =	sadd.s32 $0x88, s3;
	s6 =	simm.s32 @!p1 $0x1082;
	[sflag:s4] =	ssyncset.s32 $0xFFFFF086  }
0x25: {  	[simem:s6], [sflag:s4] =	dma.local [hbm:s3], $0xF7A  }
0x26: {  	[smem:$0x3F9B] =	sst s1;
	(tag) =	ssettag s2;
	_ =	strace s9  }
0x27: {  	s1 =	sld [smem:$0x3FAB]  }
0x28: {  	s2 =	sld [smem:$0x3FAC]  }
0x29: {  	s4 =	sld [smem:$0x3FAE]  }
0x2a: {  	p0 =	seq.s32 s5, $0x0;
	s5 =	sld [smem:$0x3FAF]  }
0x2b: {  	s6 =	sld [smem:$0x3FB0]  }
0x2c: {  	s7 =	sld [smem:$0x3FB1]  }
0x2d: {  	s3 =	simm.s32 $0x108;
	s8 =	sld [smem:$0x3FB2]  }
0x2e: {  	s3 =	simm.s32 @!p0 $0x1082;
	s9 =	sld [smem:$0x3FB3]  }
0x2f: {  	lr =	sadd.s32 s0, s3;
	s0 =	sld [smem:$0x3FAA]  }
0x30: {  	s3 =	sld [smem:$0x3FAD]  }
0x31: {  	[smem:$0x3FB6] =	sst s10  }
0x32: {  	s10 =	sld [smem:$0x3FB4];
	_ =	sdelay $0x3  }
0x33: {  	p0 =	seq.s32 s10, $0x1;
	s10 =	sld [smem:$0x3FB6];
	_ =	sdelay $0x3  }
0x34: {  	[smem:$0x3FB6] =	sst s10  }
0x35: {  	s10 =	sld [smem:$0x3FB5];
	_ =	sdelay $0x3  }
0x36: {  	p1 =	seq.s32 s10, $0x1;
	s10 =	sld [smem:$0x3FB6];
	_ =	sdelay $0x3  }
0x37: {  	[smem:$0x3FB6] =	sst s10  }
0x38: {  	s10 =	sld [smem:$0x3FB7]  }
0x39: {  	_ = 	snop;
	(pc) =	sbr.ind lr, $3  }
0x3a: {  	_ = 	snop  }
0x3b: {  	_ = 	snop  }
0x3c: {  	p2 =	seq.s32 s10, $0x1;
	s10 =	sld [smem:$0x3FB6]  }
0x3d: {  	_ =	shalt  }
0x3e: {  	_ =	shalt  }
0x3f: {  	_ =	shalt  }
0x40: {  	_ =	shalt  }
0x41: {  	_ =	shalt  }
0x42: {  	_ =	shalt  }
0x43: {  	_ =	shalt  }
0x44: {  	_ =	shalt  }
0x45: {  	_ =	shalt  }
0x46: {  	_ =	shalt  }
0x47: {  	_ =	shalt  }
0x48: {  	_ =	shalt  }
0x49: {  	_ =	shalt  }
0x4a: {  	_ =	shalt  }
0x4b: {  	_ =	shalt  }
0x4c: {  	_ =	shalt  }
0x4d: {  	_ =	shalt  }
0x4e: {  	_ =	shalt  }
0x4f: {  	_ =	shalt  }
0x50: {  	_ =	shalt  }
0x51: {  	_ =	shalt  }
0x52: {  	_ =	shalt  }
0x53: {  	_ =	shalt  }
0x54: {  	_ =	shalt  }
0x55: {  	_ =	shalt  }
0x56: {  	_ =	shalt  }
0x57: {  	_ =	shalt  }
0x58: {  	_ =	shalt  }
0x59: {  	_ =	shalt  }
0x5a: {  	_ =	shalt  }
0x5b: {  	_ =	shalt  }
0x5c: {  	_ =	shalt  }
0x5d: {  	_ =	shalt  }
0x5e: {  	_ =	shalt  }
0x5f: {  	_ =	shalt  }
0x60: {  	_ =	shalt  }
0x61: {  	_ =	shalt  }
0x62: {  	_ =	shalt  }
0x63: {  	_ =	shalt  }
0x64: {  	_ =	shalt  }
0x65: {  	_ =	shalt  }
0x66: {  	_ =	shalt  }
0x67: {  	_ =	shalt  }
0x68: {  	_ =	shalt  }
0x69: {  	_ =	shalt  }
0x6a: {  	_ =	shalt  }
0x6b: {  	_ =	shalt  }
0x6c: {  	_ =	shalt  }
0x6d: {  	_ =	shalt  }
0x6e: {  	_ =	shalt  }
0x6f: {  	_ =	shalt  }
0x70: {  	_ =	shalt  }
0x71: {  	_ =	shalt  }
0x72: {  	_ =	shalt  }
0x73: {  	_ =	shalt  }
0x74: {  	_ =	shalt  }
0x75: {  	_ =	shalt  }
0x76: {  	_ =	shalt  }
0x77: {  	_ =	shalt  }
0x78: {  	_ =	shalt  }
0x79: {  	_ =	shalt  }
0x7a: {  	_ =	shalt  }
0x7b: {  	_ =	shalt  }
0x7c: {  	_ =	shalt  }
0x7d: {  	_ =	shalt  }
0x7e: {  	_ =	shalt  }
0x7f: {  	_ =	shalt  }
0x80: {  	_ =	shalt  }
0x81: {  	_ =	shalt  }
0x82: {  	_ =	shalt  }
0x83: {  	_ =	shalt  }
0x84: {  	_ =	shalt  }
0x85: {  	_ =	shalt  }
0x86: {  	_ =	shalt  }
0x87: {  	_ =	shalt  }
.Lfunc_end0:
.L_simem_size_0:
called_computation.3_lowered:
.L_overlay_start_0:
0x88: {  	s2 =	sld [smem:$0x3FD9]  }
0x89: {  	s3 =	sld [smem:$0x3FFE];
	_ =	sdelay $0x1  }
0x8a: {  	s1 =	srdreg.scid  }
0x8b: {  	s0 =	sand.u32 $0x1, s1  }
0x8c: {  	s17 =	sshll.u32 s0, $0xA;
	s2 =	sadd.s32 s3, s2  }
0x8d: {  	s2 =	sadd.s32 s2, s17  }
0x8e: {  	[smem:$0x3FC2] =	sst s2  }
0x8f: {  	_ = 	snop  }
0x90: {  	(tm) =	ssettm $0x1  }
0x91: {  	s18 =	sld [smem:$0x3FFB];
	_ =	sdelay $0x3  }
0x92: {  	_ =	strace s18  }
0x93: {  	s2 =	sld [smem:$0x3FFC];
	_ =	sdelay $0x3  }
0x94: {  	_ =	strace s2  }
0x95: {  	s2 =	sld [smem:$0x3FFD];
	_ =	sdelay $0x3  }
0x96: {  	_ =	strace s2  }
0x97: {  	_ =	strace $0x8FFFFFFF  }
0x98: {  	s19 =	sld [smem:$0x3FDB];
	_ =	sdelay $0x1  }
0x99: {  	s20 =	simm.s32 $_scs_section_size  }
0x9a: {  	s4 =	simm.s32 $_size__tile_overlayer_lowered;
	s5 =	simm.s32 $_tile_overlayer_lowered  }
0x9b: {  	s6 =	simm.s32 $0x1BFF;
	s21 =	sshll.u32 s5, $0x1;
	s3 =	sadd.s32 s20, s19  }
0x9c: {  	s22 =	simm.s32 $0x0;
	s4 =	sshll.u32 s4, $0x1;
	s5 =	sadd.s32 s21, s3  }
0x9d: {  	[timem:s22], [sflag:s6] =	dma.local [hbm:s5], s4  }
0x9e: {  	_ =	swait.ge [sflag:s6], s4  }
0x9f: {  	s4 =	ssub.s32 $0x0, s4;
	[sflag:s6] =	ssyncset.done $0x0  }
0xa0: {  	[sflag:s6] =	ssyncadd.s32 s4;
	_ =	sdelay $0x1  }
0xa1: {  	s23 =	simm.s32 $0x1B8B  }
0xa2: {  	_ =	swait.ge [sflag:s23], $0x1  }
0xa3: {  	[sflag:s23] =	ssyncset.done $0x0  }
0xa4: {  	[sflag:s23] =	ssyncadd.s32 $0xFFFFFFFF  }
0xa5: {  	s4 =	sld [smem:$0x0]  }
0xa6: {  	s5 =	sand.u32 $0xFFFFFFFE, s1  }
0xa7: {  	p0 =	sne.s32 s1, s5  }
0xa8: {  	s5 =	sshll.u32 @p0 s5, $0xE  }
0xa9: {  	s5 =	sadd.s32 @p0 $0x11B8D, s5;
	s6 =	sshll.u32 @p0 s4, $0x11  }
0xaa: {  	s5 =	sor.u32 @p0 s6, s5  }
0xab: {  	[sflag:s5] =	ssyncadd.remote.s32 @p0 $0x1;
	_ =	sdelay $0x1  }
0xac: {  	s5 =	simm.s32 @p0 $0x1B8D  }
0xad: {  	_ =	swait.eq @p0 [sflag:s5], $0x1  }
0xae: {  	[sflag:s5] =	ssyncadd.s32 @p0 $0xFFFFFFFF  }
0xaf: {  	s6 =	sshll.u32 @!p0 s1, $0xE  }
0xb0: {  	s6 =	sor.u32 @!p0 $0x4000, s6;
	s5 =	simm.s32 @!p0 $0x1B8D  }
0xb1: {  	s4 =	sshll.u32 @!p0 s4, $0x11;
	s6 =	sadd.s32 @!p0 $0x11B8D, s6;
	_ =	swait.eq @!p0 [sflag:s5], $0x1  }
0xb2: {  	s4 =	sor.u32 @!p0 s4, s6;
	[sflag:s5] =	ssyncadd.s32 @!p0 $0xFFFFFFFF  }
0xb3: {  	s25 =	simm.s32 $0x1B8E;
	s24 =	sld [smem:$0x3FFE];
	[sflag:s4] =	ssyncadd.remote.s32 @!p0 $0x1  }
0xb4: {  	s26 =	simm.s32 $execute0_lowered;
	[smem:$0x3FD2] =	sst s25  }
0xb5: {  	s5 =	sshll.u32 s26, $0x1;
	_ =	strace $0x8000004F;
	[dreg:$0x1] =	wrdreg $0xFFFFFFFF  }
0xb6: {  	s28 =	simm.s32 $_size_execute0_lowered;
	s3 =	sadd.s32 s3, s5;
	[dreg:$0x0] =	wrdreg $0x0  }
0xb7: {  	s5 =	sshll.u32 s28, $0x1;
	[dreg:$0x2] =	wrdreg s3  }
0xb8: {  	[dreg:$0x3] =	wrdreg s5  }
0xb9: {  	[dreg:$0x4] =	wrdreg $0xC0  }
0xba: {  	_ =	task [dreg:s22], $0x5FFFF  }
0xbb: {  	[dreg:$0x1] =	wrdreg $0xFFFFFFFF  }
0xbc: {  	[dreg:$0x0] =	wrdreg $0x60  }
0xbd: {  	[dreg:$0x2] =	wrdreg s24  }
0xbe: {  	[dreg:$0x3] =	wrdreg $0xC  }
0xbf: {  	_ =	task.clear_ibuf [dreg:s22], $0x4FFFF;
	_ =	strace $0x9000004F  }
0xc0: {  	s29 =	simm.s32 $0xC;
	_ =	strace $0x80000051  }
0xc1: {  	_ =	swait.ge [sflag:s29], $0x1  }
0xc2: {  	[sflag:s29] =	ssyncadd.s32 $0xFFFFFFFF  }
0xc3: {  	_ =	strace $0x90000051  }
0xc4: {  	_ =	sfence  }
0xc5: {  	s30 =	sld [smem:$0x0];
	_ =	sdelay $0x2  }
0xc6: {  	s31 =	sshll.u32 s1, $0xD;
	s1 =	sshrl.u32 s1, $0x2  }
0xc7: {  	s4 =	sand.u32 $0x4000, s31;
	s1 =	sadd.s32 s1, s30  }
0xc8: {  	s0 =	sor.u32 s4, s0;
	s1 =	sshll.u32 s1, $0x11  }
0xc9: {  	s0 =	sor.u32 s1, s0  }
0xca: {  	s0 =	sadd.s32 $0x8F2B, s0  }
0xcb: {  	[sflag:s0] =	ssyncadd.remote.s32 $0x1  }
0xcc: {  	_ =	sfence.sel $0xFFFF  }
0xcd: {  	[dreg:$0x0] =	wrdreg $0xFFFFFFFF;
	(pc) =	sbr.abs _section_cstart, $3  }
0xce: {  	[dreg:$0x1] =	wrdreg $0xFFFFFFFF  }
0xcf: {  	_ =	task.clear_ibuf [dreg:s22], $0x2FFFF;
	_ =	strace $0x9FFFFFFF  }
0xd0: {  	(tm) =	ssettm $0x7FFFFFFF  }
0xd1: {  	_ =	shalt  }
tec
execute0_lowered:
.L_overlay_start_1:
0x0: {  	(tag) =	ssettag $0x1  }
0x1: {  	s6 =	rddreg [dreg:$0x0]  }
0x2: {  	s0 =	rddreg [dreg:$0x1];
	s1 =	simm.s32 $0x0;
	s2 =	srdreg.scid  }
0x3: {  	s10 =	simm.s32 $0x2000;
	s11 =	simm.s32 $0x0;
	[smem:$0x7FF] =	sst s1  }
0x4: {  	s7 =	sand.u32 $0x1, s2;
	s3 =	sadd.s32 $0x123C00, s6;
	s4 =	sadd.s32 $0x133C00, s6  }
0x5: {  	s5 =	sadd.s32 $0x143C00, s6;
	s2 =	stileid.u32;
	s8 =	ssub.s32 $0x2, s7  }
0x6: {  	s6 =	sadd.s32 $0x163C00, s6;
	_ =	strace $0x80000050;
	s9 =	sshrl.u32 s8, $0x1  }
0x7: {  	s31 =	sshll.u32 s2, $0x8;
	s7 =	sshll.u32 s7, $0x7;
	s8 =	ssub.s32 s8, s9  }
0x8: {  	v0 =	vimm.s32 $0x0;
	v1 =	vimm.s32 $0x1;
	v2 =	vimm.s32 $0xFFFFFFFF;
	s7 =	sor.u32 s7, s31;
	s9 =	simm.s32 $0x1;
	s8 =	smax.u32 s8, $0x1  }
.LBB2_1:
0x9: {  	s12 =	sand.u32 $0x3800, s1;
	s13 =	sand.u32 $0x380, s1  }
0xa: {  	s12 =	sor.u32 s13, s12  }
0xb: {  	[tilespmem:s12+$0x2470] =	vst v0  }
0xc: {  	[tilespmem:s12+$0x2000] =	vst v0  }
0xd: {  	[tilespmem:s12+$0x2010] =	vst v0  }
0xe: {  	[tilespmem:s12+$0x2020] =	vst v0  }
0xf: {  	[tilespmem:s12+$0x2030] =	vst v0  }
0x10: {  	[tilespmem:s12+$0x2040] =	vst v0  }
0x11: {  	[tilespmem:s12+$0x2050] =	vst v0  }
0x12: {  	[tilespmem:s12+$0x2060] =	vst v0  }
0x13: {  	[tilespmem:s12+$0x2070] =	vst v0  }
0x14: {  	[tilespmem:s12+$0x2400] =	vst v0  }
0x15: {  	[tilespmem:s12+$0x2410] =	vst v0  }
0x16: {  	[tilespmem:s12+$0x2420] =	vst v0  }
0x17: {  	[tilespmem:s12+$0x2430] =	vst v0  }
0x18: {  	s14 =	simm.s32 $0x100;
	s13 =	simm.s32 $0x80;
	[tilespmem:s12+$0x2440] =	vst v0  }
0x19: {  	s15 =	sand.u32 $0x3800, s14;
	s14 =	simm.s32 $0x200;
	s16 =	sand.u32 $0x380, s13;
	[tilespmem:s12+$0x2450] =	vst v0  }
.LBB2_2:
0x1a: {  	p0 =	sne.s32 s14, $0x3F00;
	[tilespmem:s12+$0x2460] =	vst v0;
	s12 =	sor.u32 s16, s15  }
0x1b: {  	[tilespmem:s12+$0x2470] =	vst v0  }
0x1c: {  	[tilespmem:s12+$0x2000] =	vst v0  }
0x1d: {  	[tilespmem:s12+$0x2010] =	vst v0  }
0x1e: {  	[tilespmem:s12+$0x2020] =	vst v0  }
0x1f: {  	[tilespmem:s12+$0x2030] =	vst v0  }
0x20: {  	[tilespmem:s12+$0x2040] =	vst v0  }
0x21: {  	[tilespmem:s12+$0x2050] =	vst v0  }
0x22: {  	[tilespmem:s12+$0x2060] =	vst v0  }
0x23: {  	[tilespmem:s12+$0x2070] =	vst v0  }
0x24: {  	[tilespmem:s12+$0x2400] =	vst v0  }
.Ltmp0:
0x25: {  	[tilespmem:s12+$0x2410] =	vst v0;
	(pc) =	sbr.rel @p0 .LBB2_2-.Ltmp0, $4  }
0x26: {  	[tilespmem:s12+$0x2420] =	vst v0  }
0x27: {  	[tilespmem:s12+$0x2430] =	vst v0  }
0x28: {  	s13 =	sadd.s32 $0x80, s13;
	[tilespmem:s12+$0x2440] =	vst v0  }
0x29: {  	s15 =	sand.u32 $0x3800, s14;
	s14 =	sadd.s32 $0x100, s14;
	s16 =	sand.u32 $0x380, s13;
	[tilespmem:s12+$0x2450] =	vst v0  }
0x2a: {  	s13 =	sor.u32 s16, s15;
	[tilespmem:s12+$0x2460] =	vst v0  }
0x2b: {  	[tilespmem:s13+$0x2470] =	vst v0  }
0x2c: {  	[tilespmem:s13+$0x2000] =	vst v0  }
0x2d: {  	[tilespmem:s13+$0x2010] =	vst v0  }
0x2e: {  	[tilespmem:s13+$0x2020] =	vst v0  }
0x2f: {  	[tilespmem:s13+$0x2030] =	vst v0  }
0x30: {  	[tilespmem:s13+$0x2040] =	vst v0  }
0x31: {  	[tilespmem:s13+$0x2050] =	vst v0  }
0x32: {  	[tilespmem:s13+$0x2060] =	vst v0  }
0x33: {  	[tilespmem:s13+$0x2070] =	vst v0  }
0x34: {  	[tilespmem:s13+$0x2400] =	vst v0  }
0x35: {  	[tilespmem:s13+$0x2410] =	vst v0  }
0x36: {  	[tilespmem:s13+$0x2420] =	vst v0  }
0x37: {  	[tilespmem:s13+$0x2430] =	vst v0  }
0x38: {  	[tilespmem:s13+$0x2440] =	vst v0  }
0x39: {  	[tilespmem:s13+$0x2450] =	vst v0  }
0x3a: {  	p2 =	por $0x1, $0x1;
	s14 =	simm.s32 $0x0;
	[tilespmem:s13+$0x2460] =	vst v0;
	s13 =	simm.s32 $0x0  }
.LBB2_4:
0x3b: {  	s12 =	sor.u32 s7, s14  }
0x3c: {  	s14 =	sshll.u32 s12, $0x4  }
0x3d: {  	s14 =	sadd.s32 s3, s14  }
0x3e: {  	[tilespmem:s13], [sflag:$0x1] =	stream.linear.gather [hbm4b:s14+s13], $0x2000, $0x38;
	[tilespmem:$0x6000] =	vst v63  }
0x3f: {  	s30 =	simm.s32 $0x0;
	_ =	swait.ge [sflag:s9], $0x2000  }
0x40: {  	s15 =	sand.u32 $0x10, s13;
	s14 =	sand.u32 $0x3FFFFF80, s30;
	[sflag:s9] =	ssyncset.done $0x0  }
0x41: {  	s14 =	sor.u32 s15, s14;
	[sflag:s9] =	ssyncadd.s32 $0xFFFFE000  }
0x42: {  	v3 =	vld [tilespmem:s14+$0x0]  }
0x43: {  	s31 =	simm.s32 $0x0  }
0x44: {  	v4 =	vmov s31  }
0x45: {  	v5 =	vshll.u32 v4, $0x8;
	v4 =	vshll.u32 v4, $0x7  }
0x46: {  	v5 =	vand.u32 $0x3800, v5;
	v4 =	vand.u32 $0x380, v4  }
0x47: {  	v4 =	vor.u32 v5, v4;
	v6 =	vand.u32 $0x7F, v3;
	v7 =	vshll.u32 v3, $0x3  }
0x48: {  	v5 =	vand.u32 $0x400, v7;
	v4 =	vor.u32 v6, v4  }
0x49: {  	v6 =	vshrl.u32 v3, $0x5;
	v3 =	vor.u32 v5, v4;
	_ =	sdelay $0x1  }
0x4a: {  	p0 =	por p2, p2;
	s17 =	simm.s32 $0x40  }
0x4b: {  	s16 =	simm.s32 $0x10;
	s15 =	simm.s32 $0x2;
	s14 =	simm.s32 $0x1;
	v4 =	vand.u32 $0x7FFFFF8, v6  }
.LBB2_5:
0x4c: {  	p1 =	sne.s32 s15, $0x7F;
	s18 =	sand.u32 $0x10, s16;
	s17 =	sand.u32 $0x3FFFFF80, s17;
	v4 =	vshll.u32 v1, v4  }
0x4d: {  	s17 =	sor.u32 s18, s17;
	[tilespmem:v3+s10+$0x0] =	vst.idx.add.s32.msk $0xffff, v4  }
0x4e: {  	v4 =	vld [tilespmem:s17+$0x0]  }
0x4f: {  	s17 =	sshrl.u32 s14, $0x1;
	s14 =	smov.u32 s15  }
0x50: {  	v3 =	vmov s17  }
0x51: {  	v5 =	vshll.u32 v3, $0x8;
	v3 =	vshll.u32 v3, $0x7  }
0x52: {  	v5 =	vand.u32 $0x3800, v5;
	v3 =	vand.u32 $0x380, v3  }
0x53: {  	v3 =	vor.u32 v5, v3;
	v6 =	vand.u32 $0x7F, v4;
	v7 =	vshll.u32 v4, $0x3  }
.Ltmp1:
0x54: {  	v5 =	vand.u32 $0x400, v7;
	v3 =	vor.u32 v6, v3;
	(pc) =	sbr.rel @p1 .LBB2_5-.Ltmp1, $3  }
0x55: {  	v3 =	vor.u32 v5, v3;
	_ =	sdelay $0x1  }
0x56: {  	v4 =	vshrl.u32 v4, $0x5  }
0x57: {  	s16 =	sadd.s32 $0x10, s16;
	s15 =	sadd.s32 $0x1, s15;
	s17 =	sshll.u32 s14, $0x6;
	v4 =	vand.u32 $0x7FFFFF8, v4  }
0x58: {  	_ =	sdelay $0x2  }
0x59: {  	s15 =	sand.u32 $0x10, s16;
	s28 =	sand.u32 $0x3FFFFF80, s17;
	v4 =	vshll.u32 v1, v4  }
0x5a: {  	s15 =	sor.u32 s15, s28;
	[tilespmem:v3+s10+$0x0] =	vst.idx.add.s32.msk $0xffff, v4  }
0x5b: {  	v3 =	vld [tilespmem:s15+$0x0]  }
0x5c: {  	s14 =	sshrl.u32 s14, $0x1  }
0x5d: {  	v4 =	vmov s14  }
0x5e: {  	v5 =	vshll.u32 v4, $0x8;
	v4 =	vshll.u32 v4, $0x7  }
0x5f: {  	v5 =	vand.u32 $0x3800, v5;
	v4 =	vand.u32 $0x380, v4  }
0x60: {  	v4 =	vor.u32 v5, v4;
	v6 =	vand.u32 $0x7F, v3;
	v7 =	vshll.u32 v3, $0x3  }
0x61: {  	v5 =	vand.u32 $0x400, v7;
	v4 =	vor.u32 v6, v4  }
0x62: {  	v4 =	vor.u32 v5, v4;
	_ =	sdelay $0x1  }
0x63: {  	v3 =	vshrl.u32 v3, $0x5  }
0x64: {  	v3 =	vand.u32 $0x7FFFFF8, v3  }
0x65: {  	s12 =	sshll.u32 s12, $0x5;
	v3 =	vshll.u32 v1, v3  }
0x66: {  	s29 =	simm.s32 $0x0;
	s12 =	sadd.s32 s5, s12;
	[tilespmem:v4+s10+$0x0] =	vst.idx.add.s32.msk $0xffff, v3  }
0x67: {  	[hbm4b:s12+s29] =	stream.linear.scatter [tilespmem:s10], [sflag:$0x1], $0x4000, $0x38;
	[tilespmem:$0x6000] =	vst v63  }
0x68: {  	s30 =	simm.s32 $0x0;
	_ =	swait.ge [sflag:s9], $0x4000  }
0x69: {  	s14 =	sand.u32 $0x10, s29;
	s12 =	sand.u32 $0x3FFFFF80, s30;
	[sflag:s9] =	ssyncset.done $0x0  }
0x6a: {  	s12 =	sor.u32 s14, s12;
	[sflag:s9] =	ssyncadd.s32 $0xFFFFC000  }
0x6b: {  	v3 =	vld [tilespmem:s12+$0x0]  }
0x6c: {  	s31 =	simm.s32 $0x0  }
0x6d: {  	v4 =	vmov s31  }
0x6e: {  	v5 =	vshll.u32 v4, $0x8;
	v4 =	vshll.u32 v4, $0x7  }
0x6f: {  	v5 =	vand.u32 $0x3800, v5;
	v4 =	vand.u32 $0x380, v4  }
0x70: {  	v4 =	vor.u32 v5, v4;
	v6 =	vand.u32 $0x7F, v3;
	v7 =	vshll.u32 v3, $0x3  }
0x71: {  	v5 =	vand.u32 $0x400, v7;
	v4 =	vor.u32 v6, v4  }
0x72: {  	v6 =	vshrl.u32 v3, $0x5;
	v3 =	vor.u32 v5, v4;
	_ =	sdelay $0x1  }
0x73: {  	s16 =	simm.s32 $0x40  }
0x74: {  	s15 =	simm.s32 $0x10;
	s14 =	simm.s32 $0x2;
	s12 =	simm.s32 $0x1;
	v4 =	vand.u32 $0x7FFFFF8, v6  }
.LBB2_7:
0x75: {  	p1 =	sne.s32 s14, $0x7F;
	s17 =	sand.u32 $0x10, s15;
	s16 =	sand.u32 $0x3FFFFF80, s16;
	v4 =	vshll.u32 v2, v4  }
0x76: {  	s16 =	sor.u32 s17, s16;
	[tilespmem:v3+s10+$0x0] =	vst.idx.add.s32.msk $0xffff, v4  }
0x77: {  	v4 =	vld [tilespmem:s16+$0x0]  }
0x78: {  	s16 =	sshrl.u32 s12, $0x1;
	s12 =	smov.u32 s14  }
0x79: {  	v3 =	vmov s16  }
0x7a: {  	v5 =	vshll.u32 v3, $0x8;
	v3 =	vshll.u32 v3, $0x7  }
0x7b: {  	v5 =	vand.u32 $0x3800, v5;
	v3 =	vand.u32 $0x380, v3  }
0x7c: {  	v3 =	vor.u32 v5, v3;
	v6 =	vand.u32 $0x7F, v4;
	v7 =	vshll.u32 v4, $0x3  }
.Ltmp2:
0x7d: {  	v5 =	vand.u32 $0x400, v7;
	v3 =	vor.u32 v6, v3;
	(pc) =	sbr.rel @p1 .LBB2_7-.Ltmp2, $3  }
0x7e: {  	v3 =	vor.u32 v5, v3;
	_ =	sdelay $0x1  }
0x7f: {  	v4 =	vshrl.u32 v4, $0x5  }
0x80: {  	s15 =	sadd.s32 $0x10, s15;
	s14 =	sadd.s32 $0x1, s14;
	s16 =	sshll.u32 s12, $0x6;
	v4 =	vand.u32 $0x7FFFFF8, v4  }
0x81: {  	_ =	sdelay $0x2  }
0x82: {  	s14 =	sand.u32 $0x10, s15;
	s31 =	sand.u32 $0x3FFFFF80, s16;
	v4 =	vshll.u32 v2, v4  }
0x83: {  	s14 =	sor.u32 s14, s31;
	[tilespmem:v3+s10+$0x0] =	vst.idx.add.s32.msk $0xffff, v4  }
0x84: {  	v3 =	vld [tilespmem:s14+$0x0]  }
0x85: {  	s12 =	sshrl.u32 s12, $0x1  }
0x86: {  	v62 =	vmov s12  }
0x87: {  	v5 =	vshll.u32 v62, $0x8;
	v4 =	vshll.u32 v62, $0x7  }
0x88: {  	v5 =	vand.u32 $0x3800, v5;
	v4 =	vand.u32 $0x380, v4  }
0x89: {  	v4 =	vor.u32 v5, v4;
	v6 =	vand.u32 $0x7F, v3;
	v7 =	vshll.u32 v3, $0x3  }
0x8a: {  	v63 =	vand.u32 $0x400, v7;
	v4 =	vor.u32 v6, v4  }
0x8b: {  	v4 =	vor.u32 v63, v4  }
.Ltmp3:
0x8c: {  	_ = 	snop;
	(pc) =	sbr.rel @p0 .LBB2_4-.Ltmp3, $4  }
0x8d: {  	v3 =	vshrl.u32 v3, $0x5  }
0x8e: {  	v3 =	vand.u32 $0x7FFFFF8, v3  }
0x8f: {  	p1 =	por $0x1, $0x1;
	v3 =	vshll.u32 v2, v3  }
0x90: {  	p2 =	por $0x0, $0x0;
	s12 =	simm.s32 $0x0;
	s14 =	simm.s32 $0x40;
	[tilespmem:v4+s10+$0x0] =	vst.idx.add.s32.msk $0xffff, v3  }
0x91: {  	s13 =	simm.s32 $0x0  }
.LBB2_10:
0x92: {  	s13 =	sor.u32 s7, s13  }
0x93: {  	s14 =	sshll.u32 s13, $0x4  }
0x94: {  	s14 =	sadd.s32 s4, s14  }
0x95: {  	[tilespmem:s12], [sflag:$0x1] =	stream.linear.gather [hbm4b:s14+s12], $0x2000, $0x38;
	[tilespmem:$0x6000] =	vst v63  }
0x96: {  	s30 =	simm.s32 $0x0;
	_ =	swait.ge [sflag:s9], $0x2000  }
0x97: {  	s15 =	sand.u32 $0x10, s12;
	s14 =	sand.u32 $0x3FFFFF80, s30;
	[sflag:s9] =	ssyncset.done $0x0  }
0x98: {  	s14 =	sor.u32 s15, s14;
	[sflag:s9] =	ssyncadd.s32 $0xFFFFE000  }
0x99: {  	v3 =	vld [tilespmem:s14+$0x0]  }
0x9a: {  	s31 =	simm.s32 $0x0  }
0x9b: {  	v4 =	vmov s31  }
0x9c: {  	v5 =	vshll.u32 v4, $0x8;
	v4 =	vshll.u32 v4, $0x7  }
0x9d: {  	v5 =	vand.u32 $0x3800, v5;
	v4 =	vand.u32 $0x380, v4  }
0x9e: {  	v4 =	vor.u32 v5, v4;
	v6 =	vand.u32 $0x7F, v3;
	v7 =	vshll.u32 v3, $0x3  }
0x9f: {  	v5 =	vand.u32 $0x400, v7;
	v4 =	vor.u32 v6, v4  }
0xa0: {  	v6 =	vshrl.u32 v3, $0x5;
	v3 =	vor.u32 v5, v4;
	_ =	sdelay $0x1  }
0xa1: {  	p0 =	por p1, p1;
	s17 =	simm.s32 $0x40  }
0xa2: {  	s16 =	simm.s32 $0x10;
	s15 =	simm.s32 $0x2;
	s14 =	simm.s32 $0x1;
	v4 =	vand.u32 $0x7FFFFF8, v6  }
.LBB2_11:
0xa3: {  	p1 =	sne.s32 s15, $0x7F;
	s18 =	sand.u32 $0x10, s16;
	s17 =	sand.u32 $0x3FFFFF80, s17;
	v4 =	vshll.u32 v1, v4  }
0xa4: {  	s17 =	sor.u32 s18, s17;
	[tilespmem:v3+s10+$0x0] =	vst.idx.add.s32.msk $0xffff, v4  }
0xa5: {  	v4 =	vld [tilespmem:s17+$0x0]  }
0xa6: {  	s17 =	sshrl.u32 s14, $0x1;
	s14 =	smov.u32 s15  }
0xa7: {  	v3 =	vmov s17  }
0xa8: {  	v5 =	vshll.u32 v3, $0x8;
	v3 =	vshll.u32 v3, $0x7  }
0xa9: {  	v5 =	vand.u32 $0x3800, v5;
	v3 =	vand.u32 $0x380, v3  }
0xaa: {  	v3 =	vor.u32 v5, v3;
	v6 =	vand.u32 $0x7F, v4;
	v7 =	vshll.u32 v4, $0x3  }
.Ltmp4:
0xab: {  	v5 =	vand.u32 $0x400, v7;
	v3 =	vor.u32 v6, v3;
	(pc) =	sbr.rel @p1 .LBB2_11-.Ltmp4, $3  }
0xac: {  	v3 =	vor.u32 v5, v3;
	_ =	sdelay $0x1  }
0xad: {  	v4 =	vshrl.u32 v4, $0x5  }
0xae: {  	s16 =	sadd.s32 $0x10, s16;
	s15 =	sadd.s32 $0x1, s15;
	s17 =	sshll.u32 s14, $0x6;
	v4 =	vand.u32 $0x7FFFFF8, v4  }
0xaf: {  	_ =	sdelay $0x2  }
0xb0: {  	s15 =	sand.u32 $0x10, s16;
	s28 =	sand.u32 $0x3FFFFF80, s17;
	v4 =	vshll.u32 v1, v4  }
0xb1: {  	s15 =	sor.u32 s15, s28;
	[tilespmem:v3+s10+$0x0] =	vst.idx.add.s32.msk $0xffff, v4  }
0xb2: {  	v3 =	vld [tilespmem:s15+$0x0]  }
0xb3: {  	s14 =	sshrl.u32 s14, $0x1  }
0xb4: {  	v4 =	vmov s14  }
0xb5: {  	v5 =	vshll.u32 v4, $0x8;
	v4 =	vshll.u32 v4, $0x7  }
0xb6: {  	v5 =	vand.u32 $0x3800, v5;
	v4 =	vand.u32 $0x380, v4  }
0xb7: {  	v4 =	vor.u32 v5, v4;
	v6 =	vand.u32 $0x7F, v3;
	v7 =	vshll.u32 v3, $0x3  }
0xb8: {  	v5 =	vand.u32 $0x400, v7;
	v4 =	vor.u32 v6, v4  }
0xb9: {  	v4 =	vor.u32 v5, v4;
	_ =	sdelay $0x1  }
0xba: {  	v3 =	vshrl.u32 v3, $0x5  }
0xbb: {  	v3 =	vand.u32 $0x7FFFFF8, v3  }
0xbc: {  	s13 =	sshll.u32 s13, $0x5;
	v3 =	vshll.u32 v1, v3  }
0xbd: {  	s29 =	simm.s32 $0x0;
	s13 =	sadd.s32 s6, s13;
	[tilespmem:v4+s10+$0x0] =	vst.idx.add.s32.msk $0xffff, v3  }
0xbe: {  	[hbm4b:s13+s29] =	stream.linear.scatter [tilespmem:s10], [sflag:$0x1], $0x4000, $0x38;
	[tilespmem:$0x6000] =	vst v63  }
0xbf: {  	s30 =	simm.s32 $0x0;
	_ =	swait.ge [sflag:s9], $0x4000  }
0xc0: {  	s14 =	sand.u32 $0x10, s29;
	s13 =	sand.u32 $0x3FFFFF80, s30;
	[sflag:s9] =	ssyncset.done $0x0  }
0xc1: {  	s13 =	sor.u32 s14, s13;
	[sflag:s9] =	ssyncadd.s32 $0xFFFFC000  }
0xc2: {  	v3 =	vld [tilespmem:s13+$0x0]  }
0xc3: {  	s31 =	simm.s32 $0x0  }
0xc4: {  	v4 =	vmov s31  }
0xc5: {  	v5 =	vshll.u32 v4, $0x8;
	v4 =	vshll.u32 v4, $0x7  }
0xc6: {  	v5 =	vand.u32 $0x3800, v5;
	v4 =	vand.u32 $0x380, v4  }
0xc7: {  	v4 =	vor.u32 v5, v4;
	v6 =	vand.u32 $0x7F, v3;
	v7 =	vshll.u32 v3, $0x3  }
0xc8: {  	v5 =	vand.u32 $0x400, v7;
	v4 =	vor.u32 v6, v4  }
0xc9: {  	v6 =	vshrl.u32 v3, $0x5;
	v3 =	vor.u32 v5, v4;
	_ =	sdelay $0x1  }
0xca: {  	s16 =	simm.s32 $0x40  }
0xcb: {  	s15 =	simm.s32 $0x10;
	s14 =	simm.s32 $0x2;
	s13 =	simm.s32 $0x1;
	v4 =	vand.u32 $0x7FFFFF8, v6  }
.LBB2_13:
0xcc: {  	p1 =	sne.s32 s14, $0x7F;
	s17 =	sand.u32 $0x10, s15;
	s16 =	sand.u32 $0x3FFFFF80, s16;
	v4 =	vshll.u32 v2, v4  }
0xcd: {  	s16 =	sor.u32 s17, s16;
	[tilespmem:v3+s10+$0x0] =	vst.idx.add.s32.msk $0xffff, v4  }
0xce: {  	v4 =	vld [tilespmem:s16+$0x0]  }
0xcf: {  	s16 =	sshrl.u32 s13, $0x1;
	s13 =	smov.u32 s14  }
0xd0: {  	v3 =	vmov s16  }
0xd1: {  	v5 =	vshll.u32 v3, $0x8;
	v3 =	vshll.u32 v3, $0x7  }
0xd2: {  	v5 =	vand.u32 $0x3800, v5;
	v3 =	vand.u32 $0x380, v3  }
0xd3: {  	v3 =	vor.u32 v5, v3;
	v6 =	vand.u32 $0x7F, v4;
	v7 =	vshll.u32 v4, $0x3  }
.Ltmp5:
0xd4: {  	v5 =	vand.u32 $0x400, v7;
	v3 =	vor.u32 v6, v3;
	(pc) =	sbr.rel @p1 .LBB2_13-.Ltmp5, $3  }
0xd5: {  	v3 =	vor.u32 v5, v3;
	_ =	sdelay $0x1  }
0xd6: {  	v4 =	vshrl.u32 v4, $0x5  }
0xd7: {  	s15 =	sadd.s32 $0x10, s15;
	s14 =	sadd.s32 $0x1, s14;
	s16 =	sshll.u32 s13, $0x6;
	v4 =	vand.u32 $0x7FFFFF8, v4  }
0xd8: {  	_ =	sdelay $0x2  }
0xd9: {  	s14 =	sand.u32 $0x10, s15;
	s31 =	sand.u32 $0x3FFFFF80, s16;
	v4 =	vshll.u32 v2, v4  }
0xda: {  	s14 =	sor.u32 s14, s31;
	[tilespmem:v3+s10+$0x0] =	vst.idx.add.s32.msk $0xffff, v4  }
0xdb: {  	v3 =	vld [tilespmem:s14+$0x0]  }
0xdc: {  	s13 =	sshrl.u32 s13, $0x1  }
0xdd: {  	v62 =	vmov s13  }
0xde: {  	v5 =	vshll.u32 v62, $0x8;
	v4 =	vshll.u32 v62, $0x7  }
0xdf: {  	v5 =	vand.u32 $0x3800, v5;
	v4 =	vand.u32 $0x380, v4  }
0xe0: {  	v4 =	vor.u32 v5, v4;
	v6 =	vand.u32 $0x7F, v3;
	v7 =	vshll.u32 v3, $0x3  }
0xe1: {  	v63 =	vand.u32 $0x400, v7;
	v4 =	vor.u32 v6, v4  }
0xe2: {  	v4 =	vor.u32 v63, v4  }
.Ltmp6:
0xe3: {  	_ = 	snop;
	(pc) =	sbr.rel @p0 .LBB2_10-.Ltmp6, $4  }
0xe4: {  	v3 =	vshrl.u32 v3, $0x5  }
0xe5: {  	v3 =	vand.u32 $0x7FFFFF8, v3  }
0xe6: {  	v3 =	vshll.u32 v2, v3  }
0xe7: {  	p1 =	por $0x0, $0x0;
	s13 =	simm.s32 $0x40;
	[tilespmem:v4+s10+$0x0] =	vst.idx.add.s32.msk $0xffff, v3  }
0xe8: {  	s11 =	sadd.s32 $0x1, s11  }
0xe9: {  	p0 =	sne.s32 s11, s8  }
.Ltmp7:
0xea: {  	_ = 	snop;
	(pc) =	sbr.rel @p0 .LBB2_1-.Ltmp7, $1  }
0xeb: {  	_ =	sdelay $0x3  }
0xec: {  	_ =	sfence.sel $0x180000  }
0xed: {  	[bflag:$0x0] =	sbarrier.arrive $0xFFFF  }
0xee: {  	p0 =	sne.s32 s2, $0x0;
	_ =	strace $0x90000050  }
0xef: {  	s0 =	sadd.s32 @!p0 $0x100000, s0;
	[bflag:$0x2] =	sbarrier.arrive $0xFFFF  }
0xf0: {  	[sflag:s0] =	ssyncadd.tile.s32 @!p0 $0x1;
	_ =	shalt  }
.Lfunc_end2:
_tile_overlayer_lowered:
.L_overlay_start_2:
0xf1: {  	(tag) =	ssettag $0x2  }
0xf2: {  	s0 =	rddreg [dreg:$0x0];
	s2 =	stileid.u32  }
0xf3: {  	s1 =	rddreg [dreg:$0x1];
	p0 =	sne.s32 s2, $0x0  }
0xf4: {  	s3 =	rddreg [dreg:$0x2];
	[bflag:$0x3] =	sbarrier.arrive $0xFFFF;
	s2 =	simm.s32 @!p0 $0x1C01  }
0xf5: {  	[timem:s3], [sflag:s2] =	dma.local @!p0 [hbm:s0], s1  }
0xf6: {  	s0 =	simm.s32 @!p0 $0x1  }
0xf7: {  	_ =	swait.ge @!p0 [sflag:s0], s1  }
0xf8: {  	s1 =	ssub.s32 @!p0 $0x0, s1;
	[sflag:s0] =	ssyncset.done @!p0 $0x0  }
0xf9: {  	[sflag:s0] =	ssyncadd.s32 @!p0 s1  }
0xfa: {  	[bflag:$0x3] =	sbarrier.arrive $0xFFFF  }
0xfb: {  	_ =	shalt  }

</sc_bundles>
